<compile_context>
chip_gen: v7x
topology: tpu7x:2x2x1
jax: 0.10.2.dev20260603
libtpu: 0.0.44.dev20260713+nightly
codegen_flags: <defaults>
</compile_context>

<pallas_src>
import functools
import math

import jax
import jax.numpy as jnp
import numpy as np
from jax import lax
from jax.experimental import pallas as pl
from jax.experimental.pallas import tpu as pltpu
from jax.experimental.pallas import tpu_sc as plsc

NC = 2
NS = 16
L = 16
NW = NC * NS
NB = 2


def _pos_encoding(length: int, depth: int) -> np.ndarray:
    half = depth / 2
    positions = np.arange(length)[:, np.newaxis]
    depths = np.arange(half)[np.newaxis, :] / half
    angle_rates = 1 / 10000**depths
    angle_rads = positions * angle_rates
    return np.concatenate(
        [np.sin(angle_rads), np.cos(angle_rads)], axis=-1
    ).astype(np.float32)


@functools.lru_cache(maxsize=None)
def _make_sc_kernel(total: int, seq: int, emb: int):
    rows_per_w = total // NW
    chunks = rows_per_w // seq
    pairs = chunks // NB
    e2 = 2 * emb
    seq_pad = (seq + L - 1) // L * L
    sub = []
    off = 0
    while off < seq:
        n = min(120, seq - off)
        sub.append((off, n))
        off += n

    mesh = plsc.VectorSubcoreMesh(core_axis_name="c", subcore_axis_name="s")

    @functools.partial(
        pl.kernel,
        out_type=jax.ShapeDtypeStruct((total, emb), jnp.float32),
        mesh=mesh,
        scratch_types=[
            pltpu.VMEM((rows_per_w,), jnp.int32),
            pltpu.VMEM((rows_per_w,), jnp.int32),
            pltpu.VMEM((NB, seq, e2), jnp.float32),
            pltpu.VMEM((NB, seq, emb), jnp.float32),
            pltpu.VMEM((seq // 2, e2), jnp.float32),
            pltpu.SemaphoreType.DMA,
            pltpu.SemaphoreType.DMA,
            pltpu.SemaphoreType.DMA,
            pltpu.SemaphoreType.DMA,
        ],
        compiler_params=pltpu.CompilerParams(needs_layout_passes=False),
    )
    def k(table_hbm, idx_hbm, pe_hbm, out_hbm,
          fidx_v, gidx_v, rows_v, out_v, pe_v,
          sem0, sem1, osem0, osem1):
        wid = lax.axis_index("s") * NC + lax.axis_index("c")
        base = wid * rows_per_w
        pltpu.sync_copy(pe_hbm, pe_v)
        pltpu.sync_copy(idx_hbm.at[pl.ds(base, rows_per_w)], fidx_v)

        def shift_body(i, _):
            sl = pl.ds(i * L, L)
            gidx_v[sl] = lax.shift_right_logical(fidx_v[sl], 1)
            return 0

        lax.fori_loop(0, rows_per_w // L, shift_body, 0)

        sem_b = (sem0, sem1)
        osem_b = (osem0, osem1)
        scale = jnp.float32(math.sqrt(emb))
        lanes = lax.iota(jnp.int32, L)

        def fetch(c, b):
            for off, n in sub:
                pltpu.async_copy(
                    table_hbm.at[gidx_v.at[pl.ds(c * seq + off, n)]],
                    rows_v.at[b, pl.ds(off, n)],
                    sem_b[b],
                )

        def wait_gather(c, b):
            for off, n in sub:
                pltpu.make_async_copy(
                    table_hbm.at[gidx_v.at[pl.ds(c * seq + off, n)]],
                    rows_v.at[b, pl.ds(off, n)],
                    sem_b[b],
                ).wait()

        def process(c, b):
            row0 = base + c * seq
            rows2 = rows_v.at[b]

            @plsc.parallel_loop(0, seq, step=1, unroll=8)
            def row_body(r):
                grp = c * seq + lax.shift_right_logical(r, 4) * L
                lane = lax.broadcast(r & (L - 1), (L,))
                parv = fidx_v[pl.ds(grp, L)] & 1
                par = parv.at[lane].get(mode="promise_in_bounds")
                colbase = par * emb + lanes
                rsplat = lax.broadcast(r, (L,))
                half = r & 1
                for v in range(emb // L):
                    col = v * L
                    h = plsc.load_gather(rows2, [rsplat, colbase + col])
                    pe = pe_v[r >> 1, pl.ds(half * emb + col, L)]
                    out_v[b, r, pl.ds(col, L)] = h * scale + pe
            pltpu.async_copy(
                out_v.at[b], out_hbm.at[pl.ds(row0, seq), :], osem_b[b])

        def wait_out(b, c):
            row0 = base + c * seq
            pltpu.make_async_copy(
                out_v.at[b], out_hbm.at[pl.ds(row0, seq), :], osem_b[b]
            ).wait()

        for b in range(NB):
            fetch(b, b)

        def pair_body(p, _):
            for b in range(NB):
                c = p * NB + b
                wait_gather(c, b)

                @pl.when(c >= NB)
                def _():
                    wait_out(b, c - NB)

                process(c, b)

                @pl.when(c + NB < chunks)
                def _():
                    fetch(c + NB, b)

            return 0

        lax.fori_loop(0, pairs, pair_body, 0)
        for b in range(NB):
            wait_out(b, chunks - NB + b)

    return k


def kernel(x, table):
    b, s = x.shape
    vocab, emb = table.shape
    pe = _pos_encoding(s, emb).reshape(s // 2, 2 * emb)
    flat = x.reshape(b * s)
    table2 = table.reshape(vocab // 2, 2 * emb)
    out = _make_sc_kernel(b * s, s, emb)(table2, flat, pe)
    return out.reshape(b, s, emb)

# --- scband reference (transcript-rebuilt; emitter-appended) ---
"""Pipeline reference for scband-positional-embedding-10101763080417 (READ-ONLY COPY).

The authoritative reference and input builder live on the scoring server;
editing this copy changes nothing except your own understanding.
"""

import jax, jax.numpy as jnp
import numpy as np

VOCAB = 1000000
EMB = 64
BATCH = 1024
SEQ = 200
PE_LEN = 2048


def positional_encoding(length, depth):
    half = depth / 2
    positions = np.arange(length)[:, np.newaxis]
    depths = np.arange(half)[np.newaxis, :] / half
    angle_rates = 1 / 10000 ** depths
    angle_rads = positions * angle_rates
    pos = np.concatenate([np.sin(angle_rads), np.cos(angle_rads)], axis=-1)
    return jnp.asarray(pos, dtype=jnp.float32)


POS_ENCODING = positional_encoding(PE_LEN, EMB)


def setup_inputs(seed: int = 0) -> dict:
    key = jax.random.key(seed)
    k1, k2 = jax.random.split(key)
    x = jax.random.randint(k1, (BATCH, SEQ), 0, VOCAB, dtype=jnp.int32)
    table = jax.random.normal(k2, (VOCAB, EMB), dtype=jnp.float32) * 0.02
    return {"x": x, "table": table}


def reference(x, table):
    length = x.shape[1]
    emb = jnp.take(table, x, axis=0)
    emb = emb * jnp.sqrt(jnp.asarray(EMB, dtype=jnp.float32))
    out = emb + POS_ENCODING[jnp.newaxis, :length, :]
    return out

if __name__ == "__main__":
    import jax
    _d = setup_inputs()
    print(jax.jit(kernel)(*tuple(_d.values())))

</pallas_src>

<mosaic_0001>
#map = affine_map<(d0, d1) -> (0, 0)>
#map1 = affine_map<(d0, d1) -> (0)>
module attributes {stable_mosaic.version = 14 : i64} {
  func.func @k(%arg0: i32, %arg1: i32, %arg2: memref<500000x128xf32, #tpu.memory_space<hbm>>, %arg3: memref<204800xi32, #tpu.memory_space<hbm>>, %arg4: memref<100x128xf32, #tpu.memory_space<hbm>>, %arg5: memref<204800x64xf32, #tpu.memory_space<hbm>>, %arg6: memref<6400xi32, #tpu.memory_space<vmem>>, %arg7: memref<6400xi32, #tpu.memory_space<vmem>>, %arg8: memref<2x200x128xf32, #tpu.memory_space<vmem>>, %arg9: memref<2x200x64xf32, #tpu.memory_space<vmem>>, %arg10: memref<100x128xf32, #tpu.memory_space<vmem>>, %arg11: memref<!tpu.dma_semaphore, #tpu.memory_space<semaphore_mem>>, %arg12: memref<!tpu.dma_semaphore, #tpu.memory_space<semaphore_mem>>, %arg13: memref<!tpu.dma_semaphore, #tpu.memory_space<semaphore_mem>>, %arg14: memref<!tpu.dma_semaphore, #tpu.memory_space<semaphore_mem>>) attributes {dimension_semantics = [#tpu.dimension_semantics<core_parallel>, #tpu.dimension_semantics<subcore_parallel>], iteration_bounds = array<i64: 2, 16>, scalar_prefetch = 0 : i64, scratch_operands = 9 : i64, tpu.core_type = #tpu.core_type<sc_vector_subcore>, window_params = [{transform_indices = #map}, {transform_indices = #map1}, {transform_indices = #map}, {transform_indices = #map}]} {
    %mul3A = arith.constant 2 : i32
    %mul3A_0 = arith.muli %arg1, %mul3A : i32
    %add3A = arith.addi %mul3A_0, %arg0 : i32
    %mul3A_1 = arith.constant 6400 : i32
    %mul3A_2 = arith.muli %add3A, %mul3A_1 : i32
    "tpu.region"() ({
      %run_scoped3A = tpu.sem_alloc : memref<!tpu.dma_semaphore, #tpu.memory_space<semaphore_mem>>
      tpu.enqueue_dma source(%arg4 : memref<100x128xf32, #tpu.memory_space<hbm>>) target(%arg10 : memref<100x128xf32, #tpu.memory_space<vmem>>) target_semaphore(%run_scoped3A : memref<!tpu.dma_semaphore, #tpu.memory_space<semaphore_mem>>)
      tpu.wait_dma2 semaphore(%run_scoped3A : memref<!tpu.dma_semaphore, #tpu.memory_space<semaphore_mem>>) src(%arg4 : memref<100x128xf32, #tpu.memory_space<hbm>>) dst(%arg10 : memref<100x128xf32, #tpu.memory_space<vmem>>)
      tpu.yield
    }) : () -> ()
    "tpu.region"() ({
      %run_scoped3A = tpu.sem_alloc : memref<!tpu.dma_semaphore, #tpu.memory_space<semaphore_mem>>
      %dma_start3A_85 = tpu.memref_slice %arg3[%mul3A_2] : memref<204800xi32, #tpu.memory_space<hbm>> -> memref<6400xi32, #tpu.memory_space<hbm>>
      %dma_start3A_86 = tpu.memref_slice %arg3[%mul3A_2] : memref<204800xi32, #tpu.memory_space<hbm>> -> memref<6400xi32, #tpu.memory_space<hbm>>
      tpu.enqueue_dma source(%dma_start3A_86 : memref<6400xi32, #tpu.memory_space<hbm>>) target(%arg6 : memref<6400xi32, #tpu.memory_space<vmem>>) target_semaphore(%run_scoped3A : memref<!tpu.dma_semaphore, #tpu.memory_space<semaphore_mem>>)
      %dma_wait3A_87 = tpu.memref_slice %arg3[%mul3A_2] : memref<204800xi32, #tpu.memory_space<hbm>> -> memref<6400xi32, #tpu.memory_space<hbm>>
      %dma_wait3A_88 = tpu.memref_slice %arg3[%mul3A_2] : memref<204800xi32, #tpu.memory_space<hbm>> -> memref<6400xi32, #tpu.memory_space<hbm>>
      tpu.wait_dma2 semaphore(%run_scoped3A : memref<!tpu.dma_semaphore, #tpu.memory_space<semaphore_mem>>) src(%dma_wait3A_88 : memref<6400xi32, #tpu.memory_space<hbm>>) dst(%arg6 : memref<6400xi32, #tpu.memory_space<vmem>>)
      tpu.yield
    }) : () -> ()
    %scan3A = arith.constant 0 : i32
    %scan3A_3 = arith.constant 0 : i32
    %scan3A_4 = arith.constant 400 : i32
    %scan3A_5 = arith.addi %scan3A_3, %scan3A_4 : i32
    %scan3A_6 = arith.constant 1 : i32
    %scan3A_7 = scf.for %scan3A_85 = %scan3A_3 to %scan3A_5 step %scan3A_6 iter_args(%scan3A_86 = %scan3A) -> (i32)  : i32 {
      %mul3A_87 = arith.constant 16 : i32
      %mul3A_88 = arith.muli %scan3A_85, %mul3A_87 : i32
      %get3A = arith.index_cast %mul3A_88 : i32 to index
      %get3A_89 = tpu.vector_load %arg6[%get3A] {strides = array<i32>} : memref<6400xi32, #tpu.memory_space<vmem>>, vector<16xi32>,
      %shift_right_logical3A = arith.constant 1 : i32
      %shift_right_logical3A_90 = vector.broadcast %shift_right_logical3A : i32 to vector<16xi32>
      %shift_right_logical3A_91 = arith.shrui %get3A_89, %shift_right_logical3A_90 : vector<16xi32>
      %swap3A = arith.index_cast %mul3A_88 : i32 to index
      %swap3A_92 = tpu.vector_load %arg7[%swap3A] {strides = array<i32>} : memref<6400xi32, #tpu.memory_space<vmem>>, vector<16xi32>,
      tpu.vector_store %arg7[%swap3A], %shift_right_logical3A_91 {strides = array<i32>} : memref<6400xi32, #tpu.memory_space<vmem>>, vector<16xi32>,
      %scan3A_93 = arith.constant 0 : i32
      scf.yield %scan3A_93 : i32
    }
    %scan3A_8 = arith.constant 400 : i32
    %iota3A = tpu.iota {dimensions = array<i32: 0>} : vector<16xi32>
    %dma_start3A = arith.constant 0 : i32
    %dma_start3A_9 = arith.constant 0 : i32
    %dma_start3A_10 = arith.constant 0 : i32
    %dma_start3A_11 = tpu.memref_slice %arg8[%dma_start3A, %dma_start3A_9, %dma_start3A_10] : memref<2x200x128xf32, #tpu.memory_space<vmem>> -> memref<1x120x128xf32, #tpu.memory_space<vmem>>
    %dma_start3A_12 = tpu.memref_squeeze %dma_start3A_11 : memref<1x120x128xf32, #tpu.memory_space<vmem>> -> memref<120x128xf32, #tpu.memory_space<vmem>>
    %dma_start3A_13 = arith.constant 0 : i32
    %dma_start3A_14 = tpu.memref_slice %arg7[%dma_start3A_13] : memref<6400xi32, #tpu.memory_space<vmem>> -> memref<120xi32, #tpu.memory_space<vmem>>
    %dma_start3A_15 = arith.constant 0 : i32
    %dma_start3A_16 = arith.constant 0 : i32
    %dma_start3A_17 = tpu.memref_slice %arg2[%dma_start3A_15, %dma_start3A_16] : memref<500000x128xf32, #tpu.memory_space<hbm>> -> memref<500000x128xf32, #tpu.memory_space<hbm>>
    tpu.enqueue_indirect_dma source(%dma_start3A_17 : memref<500000x128xf32, #tpu.memory_space<hbm>>) target(%dma_start3A_12 : memref<120x128xf32, #tpu.memory_space<vmem>>) offsets(%dma_start3A_14 : memref<120xi32, #tpu.memory_space<vmem>>) semaphore(%arg11 : memref<!tpu.dma_semaphore, #tpu.memory_space<semaphore_mem>>)
    %dma_start3A_18 = arith.constant 0 : i32
    %dma_start3A_19 = arith.constant 120 : i32
    %dma_start3A_20 = arith.constant 0 : i32
    %dma_start3A_21 = tpu.memref_slice %arg8[%dma_start3A_18, %dma_start3A_19, %dma_start3A_20] : memref<2x200x128xf32, #tpu.memory_space<vmem>> -> memref<1x80x128xf32, #tpu.memory_space<vmem>>
    %dma_start3A_22 = tpu.memref_squeeze %dma_start3A_21 : memref<1x80x128xf32, #tpu.memory_space<vmem>> -> memref<80x128xf32, #tpu.memory_space<vmem>>
    %dma_start3A_23 = arith.constant 120 : i32
    %dma_start3A_24 = tpu.memref_slice %arg7[%dma_start3A_23] : memref<6400xi32, #tpu.memory_space<vmem>> -> memref<80xi32, #tpu.memory_space<vmem>>
    %dma_start3A_25 = arith.constant 0 : i32
    %dma_start3A_26 = arith.constant 0 : i32
    %dma_start3A_27 = tpu.memref_slice %arg2[%dma_start3A_25, %dma_start3A_26] : memref<500000x128xf32, #tpu.memory_space<hbm>> -> memref<500000x128xf32, #tpu.memory_space<hbm>>
    tpu.enqueue_indirect_dma source(%dma_start3A_27 : memref<500000x128xf32, #tpu.memory_space<hbm>>) target(%dma_start3A_22 : memref<80x128xf32, #tpu.memory_space<vmem>>) offsets(%dma_start3A_24 : memref<80xi32, #tpu.memory_space<vmem>>) semaphore(%arg11 : memref<!tpu.dma_semaphore, #tpu.memory_space<semaphore_mem>>)
    %dma_start3A_28 = arith.constant 1 : i32
    %dma_start3A_29 = arith.constant 0 : i32
    %dma_start3A_30 = arith.constant 0 : i32
    %dma_start3A_31 = tpu.memref_slice %arg8[%dma_start3A_28, %dma_start3A_29, %dma_start3A_30] : memref<2x200x128xf32, #tpu.memory_space<vmem>> -> memref<1x120x128xf32, #tpu.memory_space<vmem>>
    %dma_start3A_32 = tpu.memref_squeeze %dma_start3A_31 : memref<1x120x128xf32, #tpu.memory_space<vmem>> -> memref<120x128xf32, #tpu.memory_space<vmem>>
    %dma_start3A_33 = arith.constant 200 : i32
    %dma_start3A_34 = tpu.memref_slice %arg7[%dma_start3A_33] : memref<6400xi32, #tpu.memory_space<vmem>> -> memref<120xi32, #tpu.memory_space<vmem>>
    %dma_start3A_35 = arith.constant 0 : i32
    %dma_start3A_36 = arith.constant 0 : i32
    %dma_start3A_37 = tpu.memref_slice %arg2[%dma_start3A_35, %dma_start3A_36] : memref<500000x128xf32, #tpu.memory_space<hbm>> -> memref<500000x128xf32, #tpu.memory_space<hbm>>
    tpu.enqueue_indirect_dma source(%dma_start3A_37 : memref<500000x128xf32, #tpu.memory_space<hbm>>) target(%dma_start3A_32 : memref<120x128xf32, #tpu.memory_space<vmem>>) offsets(%dma_start3A_34 : memref<120xi32, #tpu.memory_space<vmem>>) semaphore(%arg12 : memref<!tpu.dma_semaphore, #tpu.memory_space<semaphore_mem>>)
    %dma_start3A_38 = arith.constant 1 : i32
    %dma_start3A_39 = arith.constant 120 : i32
    %dma_start3A_40 = arith.constant 0 : i32
    %dma_start3A_41 = tpu.memref_slice %arg8[%dma_start3A_38, %dma_start3A_39, %dma_start3A_40] : memref<2x200x128xf32, #tpu.memory_space<vmem>> -> memref<1x80x128xf32, #tpu.memory_space<vmem>>
    %dma_start3A_42 = tpu.memref_squeeze %dma_start3A_41 : memref<1x80x128xf32, #tpu.memory_space<vmem>> -> memref<80x128xf32, #tpu.memory_space<vmem>>
    %dma_start3A_43 = arith.constant 320 : i32
    %dma_start3A_44 = tpu.memref_slice %arg7[%dma_start3A_43] : memref<6400xi32, #tpu.memory_space<vmem>> -> memref<80xi32, #tpu.memory_space<vmem>>
    %dma_start3A_45 = arith.constant 0 : i32
    %dma_start3A_46 = arith.constant 0 : i32
    %dma_start3A_47 = tpu.memref_slice %arg2[%dma_start3A_45, %dma_start3A_46] : memref<500000x128xf32, #tpu.memory_space<hbm>> -> memref<500000x128xf32, #tpu.memory_space<hbm>>
    tpu.enqueue_indirect_dma source(%dma_start3A_47 : memref<500000x128xf32, #tpu.memory_space<hbm>>) target(%dma_start3A_42 : memref<80x128xf32, #tpu.memory_space<vmem>>) offsets(%dma_start3A_44 : memref<80xi32, #tpu.memory_space<vmem>>) semaphore(%arg12 : memref<!tpu.dma_semaphore, #tpu.memory_space<semaphore_mem>>)
    %scan3A_48 = arith.constant 8.000000e+00 : f32
    %scan3A_49 = arith.constant 0 : i32
    %scan3A_50 = arith.constant 0 : i32
    %scan3A_51 = arith.constant 16 : i32
    %scan3A_52 = arith.addi %scan3A_50, %scan3A_51 : i32
    %scan3A_53 = arith.constant 1 : i32
    %scan3A_54 = scf.for %scan3A_85 = %scan3A_50 to %scan3A_52 step %scan3A_53 iter_args(%scan3A_86 = %scan3A_49) -> (i32)  : i32 {
      %mul3A_87 = arith.constant 2 : i32
      %mul3A_88 = arith.muli %scan3A_85, %mul3A_87 : i32
      %add3A_89 = arith.constant 0 : i32
      %add3A_90 = arith.addi %mul3A_88, %add3A_89 : i32
      %mul3A_91 = arith.constant 200 : i32
      %mul3A_92 = arith.muli %add3A_90, %mul3A_91 : i32
      %add3A_93 = arith.constant 0 : i32
      %add3A_94 = arith.addi %mul3A_92, %add3A_93 : i32
      %dma_wait3A_95 = arith.constant 0 : i32
      %dma_wait3A_96 = arith.constant 0 : i32
      %dma_wait3A_97 = arith.constant 0 : i32
      %dma_wait3A_98 = tpu.memref_slice %arg8[%dma_wait3A_95, %dma_wait3A_96, %dma_wait3A_97] : memref<2x200x128xf32, #tpu.memory_space<vmem>> -> memref<1x120x128xf32, #tpu.memory_space<vmem>>
      %dma_wait3A_99 = tpu.memref_squeeze %dma_wait3A_98 : memref<1x120x128xf32, #tpu.memory_space<vmem>> -> memref<120x128xf32, #tpu.memory_space<vmem>>
      %dma_wait3A_100 = tpu.memref_slice %arg7[%add3A_94] : memref<6400xi32, #tpu.memory_space<vmem>> -> memref<120xi32, #tpu.memory_space<vmem>>
      %dma_wait3A_101 = arith.constant 0 : i32
      %dma_wait3A_102 = arith.constant 0 : i32
      %dma_wait3A_103 = tpu.memref_slice %arg2[%dma_wait3A_101, %dma_wait3A_102] : memref<500000x128xf32, #tpu.memory_space<hbm>> -> memref<500000x128xf32, #tpu.memory_space<hbm>>
      tpu.wait_indirect_dma semaphore(%arg11 : memref<!tpu.dma_semaphore, #tpu.memory_space<semaphore_mem>>) src(%dma_wait3A_103 : memref<500000x128xf32, #tpu.memory_space<hbm>>) dst(%dma_wait3A_99 : memref<120x128xf32, #tpu.memory_space<vmem>>)
      %mul3A_104 = arith.constant 200 : i32
      %mul3A_105 = arith.muli %add3A_90, %mul3A_104 : i32
      %add3A_106 = arith.constant 120 : i32
      %add3A_107 = arith.addi %mul3A_105, %add3A_106 : i32
      %dma_wait3A_108 = arith.constant 0 : i32
      %dma_wait3A_109 = arith.constant 120 : i32
      %dma_wait3A_110 = arith.constant 0 : i32
      %dma_wait3A_111 = tpu.memref_slice %arg8[%dma_wait3A_108, %dma_wait3A_109, %dma_wait3A_110] : memref<2x200x128xf32, #tpu.memory_space<vmem>> -> memref<1x80x128xf32, #tpu.memory_space<vmem>>
      %dma_wait3A_112 = tpu.memref_squeeze %dma_wait3A_111 : memref<1x80x128xf32, #tpu.memory_space<vmem>> -> memref<80x128xf32, #tpu.memory_space<vmem>>
      %dma_wait3A_113 = tpu.memref_slice %arg7[%add3A_107] : memref<6400xi32, #tpu.memory_space<vmem>> -> memref<80xi32, #tpu.memory_space<vmem>>
      %dma_wait3A_114 = arith.constant 0 : i32
      %dma_wait3A_115 = arith.constant 0 : i32
      %dma_wait3A_116 = tpu.memref_slice %arg2[%dma_wait3A_114, %dma_wait3A_115] : memref<500000x128xf32, #tpu.memory_space<hbm>> -> memref<500000x128xf32, #tpu.memory_space<hbm>>
      tpu.wait_indirect_dma semaphore(%arg11 : memref<!tpu.dma_semaphore, #tpu.memory_space<semaphore_mem>>) src(%dma_wait3A_116 : memref<500000x128xf32, #tpu.memory_space<hbm>>) dst(%dma_wait3A_112 : memref<80x128xf32, #tpu.memory_space<vmem>>)
      %ge3A = arith.constant 2 : i32
      %ge3A_117 = arith.cmpi sge, %add3A_90, %ge3A : i32
      %convert_element_type3A = arith.extui %ge3A_117 : i1 to i32
      %cond3A = arith.constant 0 : i32
      %cond3A_118 = arith.cmpi ne, %convert_element_type3A, %cond3A : i32
      scf.if %cond3A_118 {
        %sub3A = arith.constant 2 : i32
        %sub3A_207 = arith.subi %add3A_90, %sub3A : i32
        %mul3A_208 = arith.constant 200 : i32
        %mul3A_209 = arith.muli %sub3A_207, %mul3A_208 : i32
        %add3A_210 = arith.addi %mul3A_2, %mul3A_209 : i32
        %dma_wait3A_211 = arith.constant 0 : i32
        %dma_wait3A_212 = arith.constant 0 : i32
        %dma_wait3A_213 = arith.constant 0 : i32
        %dma_wait3A_214 = tpu.memref_slice %arg9[%dma_wait3A_211, %dma_wait3A_212, %dma_wait3A_213] : memref<2x200x64xf32, #tpu.memory_space<vmem>> -> memref<1x200x64xf32, #tpu.memory_space<vmem>>
        %dma_wait3A_215 = tpu.memref_squeeze %dma_wait3A_214 : memref<1x200x64xf32, #tpu.memory_space<vmem>> -> memref<200x64xf32, #tpu.memory_space<vmem>>
        %dma_wait3A_216 = arith.constant 0 : i32
        %dma_wait3A_217 = tpu.memref_slice %arg5[%add3A_210, %dma_wait3A_216] : memref<204800x64xf32, #tpu.memory_space<hbm>> -> memref<200x64xf32, #tpu.memory_space<hbm>>
        %dma_wait3A_218 = arith.constant 0 : i32
        %dma_wait3A_219 = tpu.memref_slice %arg5[%add3A_210, %dma_wait3A_218] : memref<204800x64xf32, #tpu.memory_space<hbm>> -> memref<200x64xf32, #tpu.memory_space<hbm>>
        %dma_wait3A_220 = arith.constant 0 : i32
        %dma_wait3A_221 = arith.constant 0 : i32
        %dma_wait3A_222 = tpu.memref_slice %arg9[%dma_wait3A_211, %dma_wait3A_220, %dma_wait3A_221] : memref<2x200x64xf32, #tpu.memory_space<vmem>> -> memref<1x200x64xf32, #tpu.memory_space<vmem>>
        %dma_wait3A_223 = tpu.memref_squeeze %dma_wait3A_222 : memref<1x200x64xf32, #tpu.memory_space<vmem>> -> memref<200x64xf32, #tpu.memory_space<vmem>>
        tpu.wait_dma2 semaphore(%arg13 : memref<!tpu.dma_semaphore, #tpu.memory_space<semaphore_mem>>) src(%dma_wait3A_223 : memref<200x64xf32, #tpu.memory_space<vmem>>) dst(%dma_wait3A_219 : memref<200x64xf32, #tpu.memory_space<hbm>>)
      } else {
      }
      %mul3A_119 = arith.constant 200 : i32
      %mul3A_120 = arith.muli %add3A_90, %mul3A_119 : i32
      %add3A_121 = arith.addi %mul3A_2, %mul3A_120 : i32
      %parallel_loop3A = arith.constant 0 : i32
      %parallel_loop3A_122 = arith.constant 200 : i32
      %parallel_loop3A_123 = arith.constant 1 : i32
      %parallel_loop3A_124 = arith.constant 0 : i32
      scf.for %parallel_loop3A_207 = %parallel_loop3A to %parallel_loop3A_122 step %parallel_loop3A_123  : i32 {
        %parallel_loop3A_208 = arith.constant 200 : i32
        %parallel_loop3A_209 = arith.muli %add3A_90, %parallel_loop3A_208 : i32
        %parallel_loop3A_210 = arith.constant 4 : i32
        %parallel_loop3A_211 = arith.shrui %parallel_loop3A_207, %parallel_loop3A_210 : i32
        %parallel_loop3A_212 = arith.constant 16 : i32
        %parallel_loop3A_213 = arith.muli %parallel_loop3A_211, %parallel_loop3A_212 : i32
        %parallel_loop3A_214 = arith.addi %parallel_loop3A_209, %parallel_loop3A_213 : i32
        %parallel_loop3A_215 = arith.constant 15 : i32
        %parallel_loop3A_216 = arith.andi %parallel_loop3A_207, %parallel_loop3A_215 : i32
        %parallel_loop3A_217 = vector.broadcast %parallel_loop3A_216 : i32 to vector<16xi32>
        %parallel_loop3A_218 = arith.index_cast %parallel_loop3A_214 : i32 to index
        %parallel_loop3A_219 = tpu.vector_load %arg6[%parallel_loop3A_218] {strides = array<i32>} : memref<6400xi32, #tpu.memory_space<vmem>>, vector<16xi32>,
        %parallel_loop3A_220 = arith.constant 1 : i32
        %parallel_loop3A_221 = vector.broadcast %parallel_loop3A_220 : i32 to vector<16xi32>
        %parallel_loop3A_222 = arith.andi %parallel_loop3A_219, %parallel_loop3A_221 : vector<16xi32>
        %parallel_loop3A_223 = arith.constant 0 : i32
        %parallel_loop3A_224 = vector.broadcast %parallel_loop3A_223 : i32 to vector<16xi32>
        %parallel_loop3A_225 = arith.cmpi slt, %parallel_loop3A_217, %parallel_loop3A_224 : vector<16xi32>
        %parallel_loop3A_226 = arith.constant 16 : i32
        %parallel_loop3A_227 = vector.broadcast %parallel_loop3A_226 : i32 to vector<16xi32>
        %parallel_loop3A_228 = arith.addi %parallel_loop3A_217, %parallel_loop3A_227 : vector<16xi32>
        %parallel_loop3A_229 = arith.select %parallel_loop3A_225, %parallel_loop3A_228, %parallel_loop3A_217 : vector<16xi1>, vector<16xi32>
        %parallel_loop3A_230 = vector.shape_cast %parallel_loop3A_229 : vector<16xi32> to vector<16x1xi32>
        %parallel_loop3A_231 = vector.shape_cast %parallel_loop3A_230 : vector<16x1xi32> to vector<16xi32>
        %parallel_loop3A_232 = tpu.dynamic_gather %parallel_loop3A_222[%parallel_loop3A_231] in [0] : vector<16xi32>, vector<16xi32> -> vector<16xi32>
        %parallel_loop3A_233 = arith.constant 64 : i32
        %parallel_loop3A_234 = vector.broadcast %parallel_loop3A_233 : i32 to vector<16xi32>
        %parallel_loop3A_235 = arith.muli %parallel_loop3A_232, %parallel_loop3A_234 : vector<16xi32>
        %parallel_loop3A_236 = arith.addi %parallel_loop3A_235, %iota3A : vector<16xi32>
        %parallel_loop3A_237 = vector.broadcast %parallel_loop3A_207 : i32 to vector<16xi32>
        %parallel_loop3A_238 = arith.constant 1 : i32
        %parallel_loop3A_239 = arith.andi %parallel_loop3A_207, %parallel_loop3A_238 : i32
        %parallel_loop3A_240 = arith.constant 0 : i32
        %parallel_loop3A_241 = vector.broadcast %parallel_loop3A_240 : i32 to vector<16xi32>
        %parallel_loop3A_242 = arith.addi %parallel_loop3A_236, %parallel_loop3A_241 : vector<16xi32>
        %parallel_loop3A_243 = arith.constant 0 : i32
        %parallel_loop3A_244 = arith.constant 0 : i32
        %parallel_loop3A_245 = tpu.memref_slice %arg8[%parallel_loop3A_124, %parallel_loop3A_243, %parallel_loop3A_244] : memref<2x200x128xf32, #tpu.memory_space<vmem>> -> memref<1x200x128xf32, #tpu.memory_space<vmem>>
        %parallel_loop3A_246 = tpu.memref_squeeze %parallel_loop3A_245 : memref<1x200x128xf32, #tpu.memory_space<vmem>> -> memref<200x128xf32, #tpu.memory_space<vmem>>
        %parallel_loop3A_247 = tpu.vector_load_idx %parallel_loop3A_246[%parallel_loop3A_237, %parallel_loop3A_242] : memref<200x128xf32, #tpu.memory_space<vmem>>[vector<16xi32>, vector<16xi32>], vector<16xf32>,
        %parallel_loop3A_248 = arith.constant 1 : i32
        %parallel_loop3A_249 = arith.shrsi %parallel_loop3A_207, %parallel_loop3A_248 : i32
        %parallel_loop3A_250 = arith.constant 64 : i32
        %parallel_loop3A_251 = arith.muli %parallel_loop3A_239, %parallel_loop3A_250 : i32
        %parallel_loop3A_252 = arith.constant 0 : i32
        %parallel_loop3A_253 = arith.addi %parallel_loop3A_251, %parallel_loop3A_252 : i32
        %parallel_loop3A_254 = arith.index_cast %parallel_loop3A_249 : i32 to index
        %parallel_loop3A_255 = arith.index_cast %parallel_loop3A_253 : i32 to index
        %parallel_loop3A_256 = tpu.vector_load %arg10[%parallel_loop3A_254, %parallel_loop3A_255] {strides = array<i32>} : memref<100x128xf32, #tpu.memory_space<vmem>>, vector<16xf32>,
        %parallel_loop3A_257 = vector.broadcast %scan3A_48 : f32 to vector<16xf32>
        %parallel_loop3A_258 = arith.mulf %parallel_loop3A_247, %parallel_loop3A_257 : vector<16xf32>
        %parallel_loop3A_259 = arith.addf %parallel_loop3A_258, %parallel_loop3A_256 : vector<16xf32>
        %parallel_loop3A_260 = arith.constant 0 : i32
        %parallel_loop3A_261 = arith.index_cast %parallel_loop3A_260 : i32 to index
        %parallel_loop3A_262 = arith.index_cast %parallel_loop3A_207 : i32 to index
        %parallel_loop3A_263 = arith.constant 0 : index
        %parallel_loop3A_264 = tpu.vector_load %arg9[%parallel_loop3A_261, %parallel_loop3A_262, %parallel_loop3A_263] {strides = array<i32>} : memref<2x200x64xf32, #tpu.memory_space<vmem>>, vector<16xf32>,
        tpu.vector_store %arg9[%parallel_loop3A_261, %parallel_loop3A_262, %parallel_loop3A_263], %parallel_loop3A_259 {strides = array<i32>} : memref<2x200x64xf32, #tpu.memory_space<vmem>>, vector<16xf32>,
        %parallel_loop3A_265 = arith.constant 16 : i32
        %parallel_loop3A_266 = vector.broadcast %parallel_loop3A_265 : i32 to vector<16xi32>
        %parallel_loop3A_267 = arith.addi %parallel_loop3A_236, %parallel_loop3A_266 : vector<16xi32>
        %parallel_loop3A_268 = arith.constant 0 : i32
        %parallel_loop3A_269 = arith.constant 0 : i32
        %parallel_loop3A_270 = tpu.memref_slice %arg8[%parallel_loop3A_124, %parallel_loop3A_268, %parallel_loop3A_269] : memref<2x200x128xf32, #tpu.memory_space<vmem>> -> memref<1x200x128xf32, #tpu.memory_space<vmem>>
        %parallel_loop3A_271 = tpu.memref_squeeze %parallel_loop3A_270 : memref<1x200x128xf32, #tpu.memory_space<vmem>> -> memref<200x128xf32, #tpu.memory_space<vmem>>
        %parallel_loop3A_272 = tpu.vector_load_idx %parallel_loop3A_271[%parallel_loop3A_237, %parallel_loop3A_267] : memref<200x128xf32, #tpu.memory_space<vmem>>[vector<16xi32>, vector<16xi32>], vector<16xf32>,
        %parallel_loop3A_273 = arith.constant 1 : i32
        %parallel_loop3A_274 = arith.shrsi %parallel_loop3A_207, %parallel_loop3A_273 : i32
        %parallel_loop3A_275 = arith.constant 64 : i32
        %parallel_loop3A_276 = arith.muli %parallel_loop3A_239, %parallel_loop3A_275 : i32
        %parallel_loop3A_277 = arith.constant 16 : i32
        %parallel_loop3A_278 = arith.addi %parallel_loop3A_276, %parallel_loop3A_277 : i32
        %parallel_loop3A_279 = arith.index_cast %parallel_loop3A_274 : i32 to index
        %parallel_loop3A_280 = arith.index_cast %parallel_loop3A_278 : i32 to index
        %parallel_loop3A_281 = tpu.vector_load %arg10[%parallel_loop3A_279, %parallel_loop3A_280] {strides = array<i32>} : memref<100x128xf32, #tpu.memory_space<vmem>>, vector<16xf32>,
        %parallel_loop3A_282 = vector.broadcast %scan3A_48 : f32 to vector<16xf32>
        %parallel_loop3A_283 = arith.mulf %parallel_loop3A_272, %parallel_loop3A_282 : vector<16xf32>
        %parallel_loop3A_284 = arith.addf %parallel_loop3A_283, %parallel_loop3A_281 : vector<16xf32>
        %parallel_loop3A_285 = arith.constant 0 : i32
        %parallel_loop3A_286 = arith.index_cast %parallel_loop3A_285 : i32 to index
        %parallel_loop3A_287 = arith.index_cast %parallel_loop3A_207 : i32 to index
        %parallel_loop3A_288 = arith.constant 16 : index
        %parallel_loop3A_289 = tpu.vector_load %arg9[%parallel_loop3A_286, %parallel_loop3A_287, %parallel_loop3A_288] {strides = array<i32>} : memref<2x200x64xf32, #tpu.memory_space<vmem>>, vector<16xf32>,
        tpu.vector_store %arg9[%parallel_loop3A_286, %parallel_loop3A_287, %parallel_loop3A_288], %parallel_loop3A_284 {strides = array<i32>} : memref<2x200x64xf32, #tpu.memory_space<vmem>>, vector<16xf32>,
        %parallel_loop3A_290 = arith.constant 32 : i32
        %parallel_loop3A_291 = vector.broadcast %parallel_loop3A_290 : i32 to vector<16xi32>
        %parallel_loop3A_292 = arith.addi %parallel_loop3A_236, %parallel_loop3A_291 : vector<16xi32>
        %parallel_loop3A_293 = arith.constant 0 : i32
        %parallel_loop3A_294 = arith.constant 0 : i32
        %parallel_loop3A_295 = tpu.memref_slice %arg8[%parallel_loop3A_124, %parallel_loop3A_293, %parallel_loop3A_294] : memref<2x200x128xf32, #tpu.memory_space<vmem>> -> memref<1x200x128xf32, #tpu.memory_space<vmem>>
        %parallel_loop3A_296 = tpu.memref_squeeze %parallel_loop3A_295 : memref<1x200x128xf32, #tpu.memory_space<vmem>> -> memref<200x128xf32, #tpu.memory_space<vmem>>
        %parallel_loop3A_297 = tpu.vector_load_idx %parallel_loop3A_296[%parallel_loop3A_237, %parallel_loop3A_292] : memref<200x128xf32, #tpu.memory_space<vmem>>[vector<16xi32>, vector<16xi32>], vector<16xf32>,
        %parallel_loop3A_298 = arith.constant 1 : i32
        %parallel_loop3A_299 = arith.shrsi %parallel_loop3A_207, %parallel_loop3A_298 : i32
        %parallel_loop3A_300 = arith.constant 64 : i32
        %parallel_loop3A_301 = arith.muli %parallel_loop3A_239, %parallel_loop3A_300 : i32
        %parallel_loop3A_302 = arith.constant 32 : i32
        %parallel_loop3A_303 = arith.addi %parallel_loop3A_301, %parallel_loop3A_302 : i32
        %parallel_loop3A_304 = arith.index_cast %parallel_loop3A_299 : i32 to index
        %parallel_loop3A_305 = arith.index_cast %parallel_loop3A_303 : i32 to index
        %parallel_loop3A_306 = tpu.vector_load %arg10[%parallel_loop3A_304, %parallel_loop3A_305] {strides = array<i32>} : memref<100x128xf32, #tpu.memory_space<vmem>>, vector<16xf32>,
        %parallel_loop3A_307 = vector.broadcast %scan3A_48 : f32 to vector<16xf32>
        %parallel_loop3A_308 = arith.mulf %parallel_loop3A_297, %parallel_loop3A_307 : vector<16xf32>
        %parallel_loop3A_309 = arith.addf %parallel_loop3A_308, %parallel_loop3A_306 : vector<16xf32>
        %parallel_loop3A_310 = arith.constant 0 : i32
        %parallel_loop3A_311 = arith.index_cast %parallel_loop3A_310 : i32 to index
        %parallel_loop3A_312 = arith.index_cast %parallel_loop3A_207 : i32 to index
        %parallel_loop3A_313 = arith.constant 32 : index
        %parallel_loop3A_314 = tpu.vector_load %arg9[%parallel_loop3A_311, %parallel_loop3A_312, %parallel_loop3A_313] {strides = array<i32>} : memref<2x200x64xf32, #tpu.memory_space<vmem>>, vector<16xf32>,
        tpu.vector_store %arg9[%parallel_loop3A_311, %parallel_loop3A_312, %parallel_loop3A_313], %parallel_loop3A_309 {strides = array<i32>} : memref<2x200x64xf32, #tpu.memory_space<vmem>>, vector<16xf32>,
        %parallel_loop3A_315 = arith.constant 48 : i32
        %parallel_loop3A_316 = vector.broadcast %parallel_loop3A_315 : i32 to vector<16xi32>
        %parallel_loop3A_317 = arith.addi %parallel_loop3A_236, %parallel_loop3A_316 : vector<16xi32>
        %parallel_loop3A_318 = arith.constant 0 : i32
        %parallel_loop3A_319 = arith.constant 0 : i32
        %parallel_loop3A_320 = tpu.memref_slice %arg8[%parallel_loop3A_124, %parallel_loop3A_318, %parallel_loop3A_319] : memref<2x200x128xf32, #tpu.memory_space<vmem>> -> memref<1x200x128xf32, #tpu.memory_space<vmem>>
        %parallel_loop3A_321 = tpu.memref_squeeze %parallel_loop3A_320 : memref<1x200x128xf32, #tpu.memory_space<vmem>> -> memref<200x128xf32, #tpu.memory_space<vmem>>
        %parallel_loop3A_322 = tpu.vector_load_idx %parallel_loop3A_321[%parallel_loop3A_237, %parallel_loop3A_317] : memref<200x128xf32, #tpu.memory_space<vmem>>[vector<16xi32>, vector<16xi32>], vector<16xf32>,
        %parallel_loop3A_323 = arith.constant 1 : i32
        %parallel_loop3A_324 = arith.shrsi %parallel_loop3A_207, %parallel_loop3A_323 : i32
        %parallel_loop3A_325 = arith.constant 64 : i32
        %parallel_loop3A_326 = arith.muli %parallel_loop3A_239, %parallel_loop3A_325 : i32
        %parallel_loop3A_327 = arith.constant 48 : i32
        %parallel_loop3A_328 = arith.addi %parallel_loop3A_326, %parallel_loop3A_327 : i32
        %parallel_loop3A_329 = arith.index_cast %parallel_loop3A_324 : i32 to index
        %parallel_loop3A_330 = arith.index_cast %parallel_loop3A_328 : i32 to index
        %parallel_loop3A_331 = tpu.vector_load %arg10[%parallel_loop3A_329, %parallel_loop3A_330] {strides = array<i32>} : memref<100x128xf32, #tpu.memory_space<vmem>>, vector<16xf32>,
        %parallel_loop3A_332 = vector.broadcast %scan3A_48 : f32 to vector<16xf32>
        %parallel_loop3A_333 = arith.mulf %parallel_loop3A_322, %parallel_loop3A_332 : vector<16xf32>
        %parallel_loop3A_334 = arith.addf %parallel_loop3A_333, %parallel_loop3A_331 : vector<16xf32>
        %parallel_loop3A_335 = arith.constant 0 : i32
        %parallel_loop3A_336 = arith.index_cast %parallel_loop3A_335 : i32 to index
        %parallel_loop3A_337 = arith.index_cast %parallel_loop3A_207 : i32 to index
        %parallel_loop3A_338 = arith.constant 48 : index
        %parallel_loop3A_339 = tpu.vector_load %arg9[%parallel_loop3A_336, %parallel_loop3A_337, %parallel_loop3A_338] {strides = array<i32>} : memref<2x200x64xf32, #tpu.memory_space<vmem>>, vector<16xf32>,
        tpu.vector_store %arg9[%parallel_loop3A_336, %parallel_loop3A_337, %parallel_loop3A_338], %parallel_loop3A_334 {strides = array<i32>} : memref<2x200x64xf32, #tpu.memory_space<vmem>>, vector<16xf32>,
      } {sc.loop_unroll_factor = 8 : i64, sc.parallel_access}
      %dma_start3A_125 = arith.constant 0 : i32
      %dma_start3A_126 = arith.constant 0 : i32
      %dma_start3A_127 = arith.constant 0 : i32
      %dma_start3A_128 = tpu.memref_slice %arg9[%dma_start3A_125, %dma_start3A_126, %dma_start3A_127] : memref<2x200x64xf32, #tpu.memory_space<vmem>> -> memref<1x200x64xf32, #tpu.memory_space<vmem>>
      %dma_start3A_129 = tpu.memref_squeeze %dma_start3A_128 : memref<1x200x64xf32, #tpu.memory_space<vmem>> -> memref<200x64xf32, #tpu.memory_space<vmem>>
      %dma_start3A_130 = arith.constant 0 : i32
      %dma_start3A_131 = tpu.memref_slice %arg5[%add3A_121, %dma_start3A_130] : memref<204800x64xf32, #tpu.memory_space<hbm>> -> memref<200x64xf32, #tpu.memory_space<hbm>>
      %dma_start3A_132 = arith.constant 0 : i32
      %dma_start3A_133 = tpu.memref_slice %arg5[%add3A_121, %dma_start3A_132] : memref<204800x64xf32, #tpu.memory_space<hbm>> -> memref<200x64xf32, #tpu.memory_space<hbm>>
      %dma_start3A_134 = arith.constant 0 : i32
      %dma_start3A_135 = arith.constant 0 : i32
      %dma_start3A_136 = tpu.memref_slice %arg9[%dma_start3A_125, %dma_start3A_134, %dma_start3A_135] : memref<2x200x64xf32, #tpu.memory_space<vmem>> -> memref<1x200x64xf32, #tpu.memory_space<vmem>>
      %dma_start3A_137 = tpu.memref_squeeze %dma_start3A_136 : memref<1x200x64xf32, #tpu.memory_space<vmem>> -> memref<200x64xf32, #tpu.memory_space<vmem>>
      tpu.enqueue_dma source(%dma_start3A_137 : memref<200x64xf32, #tpu.memory_space<vmem>>) target(%dma_start3A_133 : memref<200x64xf32, #tpu.memory_space<hbm>>) target_semaphore(%arg13 : memref<!tpu.dma_semaphore, #tpu.memory_space<semaphore_mem>>)
      %add3A_138 = arith.constant 2 : i32
      %add3A_139 = arith.addi %add3A_90, %add3A_138 : i32
      %lt3A = arith.constant 32 : i32
      %lt3A_140 = arith.cmpi slt, %add3A_139, %lt3A : i32
      %convert_element_type3A_141 = arith.extui %lt3A_140 : i1 to i32
      %cond3A_142 = arith.constant 0 : i32
      %cond3A_143 = arith.cmpi ne, %convert_element_type3A_141, %cond3A_142 : i32
      scf.if %cond3A_143 {
        %add3A_207 = arith.constant 2 : i32
        %add3A_208 = arith.addi %add3A_90, %add3A_207 : i32
        %mul3A_209 = arith.constant 200 : i32
        %mul3A_210 = arith.muli %add3A_208, %mul3A_209 : i32
        %add3A_211 = arith.constant 0 : i32
        %add3A_212 = arith.addi %mul3A_210, %add3A_211 : i32
        %dma_start3A_213 = arith.constant 0 : i32
        %dma_start3A_214 = arith.constant 0 : i32
        %dma_start3A_215 = arith.constant 0 : i32
        %dma_start3A_216 = tpu.memref_slice %arg8[%dma_start3A_213, %dma_start3A_214, %dma_start3A_215] : memref<2x200x128xf32, #tpu.memory_space<vmem>> -> memref<1x120x128xf32, #tpu.memory_space<vmem>>
        %dma_start3A_217 = tpu.memref_squeeze %dma_start3A_216 : memref<1x120x128xf32, #tpu.memory_space<vmem>> -> memref<120x128xf32, #tpu.memory_space<vmem>>
        %dma_start3A_218 = tpu.memref_slice %arg7[%add3A_212] : memref<6400xi32, #tpu.memory_space<vmem>> -> memref<120xi32, #tpu.memory_space<vmem>>
        %dma_start3A_219 = arith.constant 0 : i32
        %dma_start3A_220 = arith.constant 0 : i32
        %dma_start3A_221 = tpu.memref_slice %arg2[%dma_start3A_219, %dma_start3A_220] : memref<500000x128xf32, #tpu.memory_space<hbm>> -> memref<500000x128xf32, #tpu.memory_space<hbm>>
        tpu.enqueue_indirect_dma source(%dma_start3A_221 : memref<500000x128xf32, #tpu.memory_space<hbm>>) target(%dma_start3A_217 : memref<120x128xf32, #tpu.memory_space<vmem>>) offsets(%dma_start3A_218 : memref<120xi32, #tpu.memory_space<vmem>>) semaphore(%arg11 : memref<!tpu.dma_semaphore, #tpu.memory_space<semaphore_mem>>)
        %mul3A_222 = arith.constant 200 : i32
        %mul3A_223 = arith.muli %add3A_208, %mul3A_222 : i32
        %add3A_224 = arith.constant 120 : i32
        %add3A_225 = arith.addi %mul3A_223, %add3A_224 : i32
        %dma_start3A_226 = arith.constant 0 : i32
        %dma_start3A_227 = arith.constant 120 : i32
        %dma_start3A_228 = arith.constant 0 : i32
        %dma_start3A_229 = tpu.memref_slice %arg8[%dma_start3A_226, %dma_start3A_227, %dma_start3A_228] : memref<2x200x128xf32, #tpu.memory_space<vmem>> -> memref<1x80x128xf32, #tpu.memory_space<vmem>>
        %dma_start3A_230 = tpu.memref_squeeze %dma_start3A_229 : memref<1x80x128xf32, #tpu.memory_space<vmem>> -> memref<80x128xf32, #tpu.memory_space<vmem>>
        %dma_start3A_231 = tpu.memref_slice %arg7[%add3A_225] : memref<6400xi32, #tpu.memory_space<vmem>> -> memref<80xi32, #tpu.memory_space<vmem>>
        %dma_start3A_232 = arith.constant 0 : i32
        %dma_start3A_233 = arith.constant 0 : i32
        %dma_start3A_234 = tpu.memref_slice %arg2[%dma_start3A_232, %dma_start3A_233] : memref<500000x128xf32, #tpu.memory_space<hbm>> -> memref<500000x128xf32, #tpu.memory_space<hbm>>
        tpu.enqueue_indirect_dma source(%dma_start3A_234 : memref<500000x128xf32, #tpu.memory_space<hbm>>) target(%dma_start3A_230 : memref<80x128xf32, #tpu.memory_space<vmem>>) offsets(%dma_start3A_231 : memref<80xi32, #tpu.memory_space<vmem>>) semaphore(%arg11 : memref<!tpu.dma_semaphore, #tpu.memory_space<semaphore_mem>>)
      } else {
      }
      %mul3A_144 = arith.constant 2 : i32
      %mul3A_145 = arith.muli %scan3A_85, %mul3A_144 : i32
      %add3A_146 = arith.constant 1 : i32
      %add3A_147 = arith.addi %mul3A_145, %add3A_146 : i32
      %mul3A_148 = arith.constant 200 : i32
      %mul3A_149 = arith.muli %add3A_147, %mul3A_148 : i32
      %add3A_150 = arith.constant 0 : i32
      %add3A_151 = arith.addi %mul3A_149, %add3A_150 : i32
      %dma_wait3A_152 = arith.constant 1 : i32
      %dma_wait3A_153 = arith.constant 0 : i32
      %dma_wait3A_154 = arith.constant 0 : i32
      %dma_wait3A_155 = tpu.memref_slice %arg8[%dma_wait3A_152, %dma_wait3A_153, %dma_wait3A_154] : memref<2x200x128xf32, #tpu.memory_space<vmem>> -> memref<1x120x128xf32, #tpu.memory_space<vmem>>
      %dma_wait3A_156 = tpu.memref_squeeze %dma_wait3A_155 : memref<1x120x128xf32, #tpu.memory_space<vmem>> -> memref<120x128xf32, #tpu.memory_space<vmem>>
      %dma_wait3A_157 = tpu.memref_slice %arg7[%add3A_151] : memref<6400xi32, #tpu.memory_space<vmem>> -> memref<120xi32, #tpu.memory_space<vmem>>
      %dma_wait3A_158 = arith.constant 0 : i32
      %dma_wait3A_159 = arith.constant 0 : i32
      %dma_wait3A_160 = tpu.memref_slice %arg2[%dma_wait3A_158, %dma_wait3A_159] : memref<500000x128xf32, #tpu.memory_space<hbm>> -> memref<500000x128xf32, #tpu.memory_space<hbm>>
      tpu.wait_indirect_dma semaphore(%arg12 : memref<!tpu.dma_semaphore, #tpu.memory_space<semaphore_mem>>) src(%dma_wait3A_160 : memref<500000x128xf32, #tpu.memory_space<hbm>>) dst(%dma_wait3A_156 : memref<120x128xf32, #tpu.memory_space<vmem>>)
      %mul3A_161 = arith.constant 200 : i32
      %mul3A_162 = arith.muli %add3A_147, %mul3A_161 : i32
      %add3A_163 = arith.constant 120 : i32
      %add3A_164 = arith.addi %mul3A_162, %add3A_163 : i32
      %dma_wait3A_165 = arith.constant 1 : i32
      %dma_wait3A_166 = arith.constant 120 : i32
      %dma_wait3A_167 = arith.constant 0 : i32
      %dma_wait3A_168 = tpu.memref_slice %arg8[%dma_wait3A_165, %dma_wait3A_166, %dma_wait3A_167] : memref<2x200x128xf32, #tpu.memory_space<vmem>> -> memref<1x80x128xf32, #tpu.memory_space<vmem>>
      %dma_wait3A_169 = tpu.memref_squeeze %dma_wait3A_168 : memref<1x80x128xf32, #tpu.memory_space<vmem>> -> memref<80x128xf32, #tpu.memory_space<vmem>>
      %dma_wait3A_170 = tpu.memref_slice %arg7[%add3A_164] : memref<6400xi32, #tpu.memory_space<vmem>> -> memref<80xi32, #tpu.memory_space<vmem>>
      %dma_wait3A_171 = arith.constant 0 : i32
      %dma_wait3A_172 = arith.constant 0 : i32
      %dma_wait3A_173 = tpu.memref_slice %arg2[%dma_wait3A_171, %dma_wait3A_172] : memref<500000x128xf32, #tpu.memory_space<hbm>> -> memref<500000x128xf32, #tpu.memory_space<hbm>>
      tpu.wait_indirect_dma semaphore(%arg12 : memref<!tpu.dma_semaphore, #tpu.memory_space<semaphore_mem>>) src(%dma_wait3A_173 : memref<500000x128xf32, #tpu.memory_space<hbm>>) dst(%dma_wait3A_169 : memref<80x128xf32, #tpu.memory_space<vmem>>)
      %ge3A_174 = arith.constant 2 : i32
      %ge3A_175 = arith.cmpi sge, %add3A_147, %ge3A_174 : i32
      %convert_element_type3A_176 = arith.extui %ge3A_175 : i1 to i32
      %cond3A_177 = arith.constant 0 : i32
      %cond3A_178 = arith.cmpi ne, %convert_element_type3A_176, %cond3A_177 : i32
      scf.if %cond3A_178 {
        %sub3A = arith.constant 2 : i32
        %sub3A_207 = arith.subi %add3A_147, %sub3A : i32
        %mul3A_208 = arith.constant 200 : i32
        %mul3A_209 = arith.muli %sub3A_207, %mul3A_208 : i32
        %add3A_210 = arith.addi %mul3A_2, %mul3A_209 : i32
        %dma_wait3A_211 = arith.constant 1 : i32
        %dma_wait3A_212 = arith.constant 0 : i32
        %dma_wait3A_213 = arith.constant 0 : i32
        %dma_wait3A_214 = tpu.memref_slice %arg9[%dma_wait3A_211, %dma_wait3A_212, %dma_wait3A_213] : memref<2x200x64xf32, #tpu.memory_space<vmem>> -> memref<1x200x64xf32, #tpu.memory_space<vmem>>
        %dma_wait3A_215 = tpu.memref_squeeze %dma_wait3A_214 : memref<1x200x64xf32, #tpu.memory_space<vmem>> -> memref<200x64xf32, #tpu.memory_space<vmem>>
        %dma_wait3A_216 = arith.constant 0 : i32
        %dma_wait3A_217 = tpu.memref_slice %arg5[%add3A_210, %dma_wait3A_216] : memref<204800x64xf32, #tpu.memory_space<hbm>> -> memref<200x64xf32, #tpu.memory_space<hbm>>
        %dma_wait3A_218 = arith.constant 0 : i32
        %dma_wait3A_219 = tpu.memref_slice %arg5[%add3A_210, %dma_wait3A_218] : memref<204800x64xf32, #tpu.memory_space<hbm>> -> memref<200x64xf32, #tpu.memory_space<hbm>>
        %dma_wait3A_220 = arith.constant 0 : i32
        %dma_wait3A_221 = arith.constant 0 : i32
        %dma_wait3A_222 = tpu.memref_slice %arg9[%dma_wait3A_211, %dma_wait3A_220, %dma_wait3A_221] : memref<2x200x64xf32, #tpu.memory_space<vmem>> -> memref<1x200x64xf32, #tpu.memory_space<vmem>>
        %dma_wait3A_223 = tpu.memref_squeeze %dma_wait3A_222 : memref<1x200x64xf32, #tpu.memory_space<vmem>> -> memref<200x64xf32, #tpu.memory_space<vmem>>
        tpu.wait_dma2 semaphore(%arg14 : memref<!tpu.dma_semaphore, #tpu.memory_space<semaphore_mem>>) src(%dma_wait3A_223 : memref<200x64xf32, #tpu.memory_space<vmem>>) dst(%dma_wait3A_219 : memref<200x64xf32, #tpu.memory_space<hbm>>)
      } else {
      }
      %mul3A_179 = arith.constant 200 : i32
      %mul3A_180 = arith.muli %add3A_147, %mul3A_179 : i32
      %add3A_181 = arith.addi %mul3A_2, %mul3A_180 : i32
      %parallel_loop3A_182 = arith.constant 0 : i32
      %parallel_loop3A_183 = arith.constant 200 : i32
      %parallel_loop3A_184 = arith.constant 1 : i32
      %parallel_loop3A_185 = arith.constant 1 : i32
      scf.for %parallel_loop3A_207 = %parallel_loop3A_182 to %parallel_loop3A_183 step %parallel_loop3A_184  : i32 {
        %parallel_loop3A_208 = arith.constant 200 : i32
        %parallel_loop3A_209 = arith.muli %add3A_147, %parallel_loop3A_208 : i32
        %parallel_loop3A_210 = arith.constant 4 : i32
        %parallel_loop3A_211 = arith.shrui %parallel_loop3A_207, %parallel_loop3A_210 : i32
        %parallel_loop3A_212 = arith.constant 16 : i32
        %parallel_loop3A_213 = arith.muli %parallel_loop3A_211, %parallel_loop3A_212 : i32
        %parallel_loop3A_214 = arith.addi %parallel_loop3A_209, %parallel_loop3A_213 : i32
        %parallel_loop3A_215 = arith.constant 15 : i32
        %parallel_loop3A_216 = arith.andi %parallel_loop3A_207, %parallel_loop3A_215 : i32
        %parallel_loop3A_217 = vector.broadcast %parallel_loop3A_216 : i32 to vector<16xi32>
        %parallel_loop3A_218 = arith.index_cast %parallel_loop3A_214 : i32 to index
        %parallel_loop3A_219 = tpu.vector_load %arg6[%parallel_loop3A_218] {strides = array<i32>} : memref<6400xi32, #tpu.memory_space<vmem>>, vector<16xi32>,
        %parallel_loop3A_220 = arith.constant 1 : i32
        %parallel_loop3A_221 = vector.broadcast %parallel_loop3A_220 : i32 to vector<16xi32>
        %parallel_loop3A_222 = arith.andi %parallel_loop3A_219, %parallel_loop3A_221 : vector<16xi32>
        %parallel_loop3A_223 = arith.constant 0 : i32
        %parallel_loop3A_224 = vector.broadcast %parallel_loop3A_223 : i32 to vector<16xi32>
        %parallel_loop3A_225 = arith.cmpi slt, %parallel_loop3A_217, %parallel_loop3A_224 : vector<16xi32>
        %parallel_loop3A_226 = arith.constant 16 : i32
        %parallel_loop3A_227 = vector.broadcast %parallel_loop3A_226 : i32 to vector<16xi32>
        %parallel_loop3A_228 = arith.addi %parallel_loop3A_217, %parallel_loop3A_227 : vector<16xi32>
        %parallel_loop3A_229 = arith.select %parallel_loop3A_225, %parallel_loop3A_228, %parallel_loop3A_217 : vector<16xi1>, vector<16xi32>
        %parallel_loop3A_230 = vector.shape_cast %parallel_loop3A_229 : vector<16xi32> to vector<16x1xi32>
        %parallel_loop3A_231 = vector.shape_cast %parallel_loop3A_230 : vector<16x1xi32> to vector<16xi32>
        %parallel_loop3A_232 = tpu.dynamic_gather %parallel_loop3A_222[%parallel_loop3A_231] in [0] : vector<16xi32>, vector<16xi32> -> vector<16xi32>
        %parallel_loop3A_233 = arith.constant 64 : i32
        %parallel_loop3A_234 = vector.broadcast %parallel_loop3A_233 : i32 to vector<16xi32>
        %parallel_loop3A_235 = arith.muli %parallel_loop3A_232, %parallel_loop3A_234 : vector<16xi32>
        %parallel_loop3A_236 = arith.addi %parallel_loop3A_235, %iota3A : vector<16xi32>
        %parallel_loop3A_237 = vector.broadcast %parallel_loop3A_207 : i32 to vector<16xi32>
        %parallel_loop3A_238 = arith.constant 1 : i32
        %parallel_loop3A_239 = arith.andi %parallel_loop3A_207, %parallel_loop3A_238 : i32
        %parallel_loop3A_240 = arith.constant 0 : i32
        %parallel_loop3A_241 = vector.broadcast %parallel_loop3A_240 : i32 to vector<16xi32>
        %parallel_loop3A_242 = arith.addi %parallel_loop3A_236, %parallel_loop3A_241 : vector<16xi32>
        %parallel_loop3A_243 = arith.constant 0 : i32
        %parallel_loop3A_244 = arith.constant 0 : i32
        %parallel_loop3A_245 = tpu.memref_slice %arg8[%parallel_loop3A_185, %parallel_loop3A_243, %parallel_loop3A_244] : memref<2x200x128xf32, #tpu.memory_space<vmem>> -> memref<1x200x128xf32, #tpu.memory_space<vmem>>
        %parallel_loop3A_246 = tpu.memref_squeeze %parallel_loop3A_245 : memref<1x200x128xf32, #tpu.memory_space<vmem>> -> memref<200x128xf32, #tpu.memory_space<vmem>>
        %parallel_loop3A_247 = tpu.vector_load_idx %parallel_loop3A_246[%parallel_loop3A_237, %parallel_loop3A_242] : memref<200x128xf32, #tpu.memory_space<vmem>>[vector<16xi32>, vector<16xi32>], vector<16xf32>,
        %parallel_loop3A_248 = arith.constant 1 : i32
        %parallel_loop3A_249 = arith.shrsi %parallel_loop3A_207, %parallel_loop3A_248 : i32
        %parallel_loop3A_250 = arith.constant 64 : i32
        %parallel_loop3A_251 = arith.muli %parallel_loop3A_239, %parallel_loop3A_250 : i32
        %parallel_loop3A_252 = arith.constant 0 : i32
        %parallel_loop3A_253 = arith.addi %parallel_loop3A_251, %parallel_loop3A_252 : i32
        %parallel_loop3A_254 = arith.index_cast %parallel_loop3A_249 : i32 to index
        %parallel_loop3A_255 = arith.index_cast %parallel_loop3A_253 : i32 to index
        %parallel_loop3A_256 = tpu.vector_load %arg10[%parallel_loop3A_254, %parallel_loop3A_255] {strides = array<i32>} : memref<100x128xf32, #tpu.memory_space<vmem>>, vector<16xf32>,
        %parallel_loop3A_257 = vector.broadcast %scan3A_48 : f32 to vector<16xf32>
        %parallel_loop3A_258 = arith.mulf %parallel_loop3A_247, %parallel_loop3A_257 : vector<16xf32>
        %parallel_loop3A_259 = arith.addf %parallel_loop3A_258, %parallel_loop3A_256 : vector<16xf32>
        %parallel_loop3A_260 = arith.constant 1 : i32
        %parallel_loop3A_261 = arith.index_cast %parallel_loop3A_260 : i32 to index
        %parallel_loop3A_262 = arith.index_cast %parallel_loop3A_207 : i32 to index
        %parallel_loop3A_263 = arith.constant 0 : index
        %parallel_loop3A_264 = tpu.vector_load %arg9[%parallel_loop3A_261, %parallel_loop3A_262, %parallel_loop3A_263] {strides = array<i32>} : memref<2x200x64xf32, #tpu.memory_space<vmem>>, vector<16xf32>,
        tpu.vector_store %arg9[%parallel_loop3A_261, %parallel_loop3A_262, %parallel_loop3A_263], %parallel_loop3A_259 {strides = array<i32>} : memref<2x200x64xf32, #tpu.memory_space<vmem>>, vector<16xf32>,
        %parallel_loop3A_265 = arith.constant 16 : i32
        %parallel_loop3A_266 = vector.broadcast %parallel_loop3A_265 : i32 to vector<16xi32>
        %parallel_loop3A_267 = arith.addi %parallel_loop3A_236, %parallel_loop3A_266 : vector<16xi32>
        %parallel_loop3A_268 = arith.constant 0 : i32
        %parallel_loop3A_269 = arith.constant 0 : i32
        %parallel_loop3A_270 = tpu.memref_slice %arg8[%parallel_loop3A_185, %parallel_loop3A_268, %parallel_loop3A_269] : memref<2x200x128xf32, #tpu.memory_space<vmem>> -> memref<1x200x128xf32, #tpu.memory_space<vmem>>
        %parallel_loop3A_271 = tpu.memref_squeeze %parallel_loop3A_270 : memref<1x200x128xf32, #tpu.memory_space<vmem>> -> memref<200x128xf32, #tpu.memory_space<vmem>>
        %parallel_loop3A_272 = tpu.vector_load_idx %parallel_loop3A_271[%parallel_loop3A_237, %parallel_loop3A_267] : memref<200x128xf32, #tpu.memory_space<vmem>>[vector<16xi32>, vector<16xi32>], vector<16xf32>,
        %parallel_loop3A_273 = arith.constant 1 : i32
        %parallel_loop3A_274 = arith.shrsi %parallel_loop3A_207, %parallel_loop3A_273 : i32
        %parallel_loop3A_275 = arith.constant 64 : i32
        %parallel_loop3A_276 = arith.muli %parallel_loop3A_239, %parallel_loop3A_275 : i32
        %parallel_loop3A_277 = arith.constant 16 : i32
        %parallel_loop3A_278 = arith.addi %parallel_loop3A_276, %parallel_loop3A_277 : i32
        %parallel_loop3A_279 = arith.index_cast %parallel_loop3A_274 : i32 to index
        %parallel_loop3A_280 = arith.index_cast %parallel_loop3A_278 : i32 to index
        %parallel_loop3A_281 = tpu.vector_load %arg10[%parallel_loop3A_279, %parallel_loop3A_280] {strides = array<i32>} : memref<100x128xf32, #tpu.memory_space<vmem>>, vector<16xf32>,
        %parallel_loop3A_282 = vector.broadcast %scan3A_48 : f32 to vector<16xf32>
        %parallel_loop3A_283 = arith.mulf %parallel_loop3A_272, %parallel_loop3A_282 : vector<16xf32>
        %parallel_loop3A_284 = arith.addf %parallel_loop3A_283, %parallel_loop3A_281 : vector<16xf32>
        %parallel_loop3A_285 = arith.constant 1 : i32
        %parallel_loop3A_286 = arith.index_cast %parallel_loop3A_285 : i32 to index
        %parallel_loop3A_287 = arith.index_cast %parallel_loop3A_207 : i32 to index
        %parallel_loop3A_288 = arith.constant 16 : index
        %parallel_loop3A_289 = tpu.vector_load %arg9[%parallel_loop3A_286, %parallel_loop3A_287, %parallel_loop3A_288] {strides = array<i32>} : memref<2x200x64xf32, #tpu.memory_space<vmem>>, vector<16xf32>,
        tpu.vector_store %arg9[%parallel_loop3A_286, %parallel_loop3A_287, %parallel_loop3A_288], %parallel_loop3A_284 {strides = array<i32>} : memref<2x200x64xf32, #tpu.memory_space<vmem>>, vector<16xf32>,
        %parallel_loop3A_290 = arith.constant 32 : i32
        %parallel_loop3A_291 = vector.broadcast %parallel_loop3A_290 : i32 to vector<16xi32>
        %parallel_loop3A_292 = arith.addi %parallel_loop3A_236, %parallel_loop3A_291 : vector<16xi32>
        %parallel_loop3A_293 = arith.constant 0 : i32
        %parallel_loop3A_294 = arith.constant 0 : i32
        %parallel_loop3A_295 = tpu.memref_slice %arg8[%parallel_loop3A_185, %parallel_loop3A_293, %parallel_loop3A_294] : memref<2x200x128xf32, #tpu.memory_space<vmem>> -> memref<1x200x128xf32, #tpu.memory_space<vmem>>
        %parallel_loop3A_296 = tpu.memref_squeeze %parallel_loop3A_295 : memref<1x200x128xf32, #tpu.memory_space<vmem>> -> memref<200x128xf32, #tpu.memory_space<vmem>>
        %parallel_loop3A_297 = tpu.vector_load_idx %parallel_loop3A_296[%parallel_loop3A_237, %parallel_loop3A_292] : memref<200x128xf32, #tpu.memory_space<vmem>>[vector<16xi32>, vector<16xi32>], vector<16xf32>,
        %parallel_loop3A_298 = arith.constant 1 : i32
        %parallel_loop3A_299 = arith.shrsi %parallel_loop3A_207, %parallel_loop3A_298 : i32
        %parallel_loop3A_300 = arith.constant 64 : i32
        %parallel_loop3A_301 = arith.muli %parallel_loop3A_239, %parallel_loop3A_300 : i32
        %parallel_loop3A_302 = arith.constant 32 : i32
        %parallel_loop3A_303 = arith.addi %parallel_loop3A_301, %parallel_loop3A_302 : i32
        %parallel_loop3A_304 = arith.index_cast %parallel_loop3A_299 : i32 to index
        %parallel_loop3A_305 = arith.index_cast %parallel_loop3A_303 : i32 to index
        %parallel_loop3A_306 = tpu.vector_load %arg10[%parallel_loop3A_304, %parallel_loop3A_305] {strides = array<i32>} : memref<100x128xf32, #tpu.memory_space<vmem>>, vector<16xf32>,
        %parallel_loop3A_307 = vector.broadcast %scan3A_48 : f32 to vector<16xf32>
        %parallel_loop3A_308 = arith.mulf %parallel_loop3A_297, %parallel_loop3A_307 : vector<16xf32>
        %parallel_loop3A_309 = arith.addf %parallel_loop3A_308, %parallel_loop3A_306 : vector<16xf32>
        %parallel_loop3A_310 = arith.constant 1 : i32
        %parallel_loop3A_311 = arith.index_cast %parallel_loop3A_310 : i32 to index
        %parallel_loop3A_312 = arith.index_cast %parallel_loop3A_207 : i32 to index
        %parallel_loop3A_313 = arith.constant 32 : index
        %parallel_loop3A_314 = tpu.vector_load %arg9[%parallel_loop3A_311, %parallel_loop3A_312, %parallel_loop3A_313] {strides = array<i32>} : memref<2x200x64xf32, #tpu.memory_space<vmem>>, vector<16xf32>,
        tpu.vector_store %arg9[%parallel_loop3A_311, %parallel_loop3A_312, %parallel_loop3A_313], %parallel_loop3A_309 {strides = array<i32>} : memref<2x200x64xf32, #tpu.memory_space<vmem>>, vector<16xf32>,
        %parallel_loop3A_315 = arith.constant 48 : i32
        %parallel_loop3A_316 = vector.broadcast %parallel_loop3A_315 : i32 to vector<16xi32>
        %parallel_loop3A_317 = arith.addi %parallel_loop3A_236, %parallel_loop3A_316 : vector<16xi32>
        %parallel_loop3A_318 = arith.constant 0 : i32
        %parallel_loop3A_319 = arith.constant 0 : i32
        %parallel_loop3A_320 = tpu.memref_slice %arg8[%parallel_loop3A_185, %parallel_loop3A_318, %parallel_loop3A_319] : memref<2x200x128xf32, #tpu.memory_space<vmem>> -> memref<1x200x128xf32, #tpu.memory_space<vmem>>
        %parallel_loop3A_321 = tpu.memref_squeeze %parallel_loop3A_320 : memref<1x200x128xf32, #tpu.memory_space<vmem>> -> memref<200x128xf32, #tpu.memory_space<vmem>>
        %parallel_loop3A_322 = tpu.vector_load_idx %parallel_loop3A_321[%parallel_loop3A_237, %parallel_loop3A_317] : memref<200x128xf32, #tpu.memory_space<vmem>>[vector<16xi32>, vector<16xi32>], vector<16xf32>,
        %parallel_loop3A_323 = arith.constant 1 : i32
        %parallel_loop3A_324 = arith.shrsi %parallel_loop3A_207, %parallel_loop3A_323 : i32
        %parallel_loop3A_325 = arith.constant 64 : i32
        %parallel_loop3A_326 = arith.muli %parallel_loop3A_239, %parallel_loop3A_325 : i32
        %parallel_loop3A_327 = arith.constant 48 : i32
        %parallel_loop3A_328 = arith.addi %parallel_loop3A_326, %parallel_loop3A_327 : i32
        %parallel_loop3A_329 = arith.index_cast %parallel_loop3A_324 : i32 to index
        %parallel_loop3A_330 = arith.index_cast %parallel_loop3A_328 : i32 to index
        %parallel_loop3A_331 = tpu.vector_load %arg10[%parallel_loop3A_329, %parallel_loop3A_330] {strides = array<i32>} : memref<100x128xf32, #tpu.memory_space<vmem>>, vector<16xf32>,
        %parallel_loop3A_332 = vector.broadcast %scan3A_48 : f32 to vector<16xf32>
        %parallel_loop3A_333 = arith.mulf %parallel_loop3A_322, %parallel_loop3A_332 : vector<16xf32>
        %parallel_loop3A_334 = arith.addf %parallel_loop3A_333, %parallel_loop3A_331 : vector<16xf32>
        %parallel_loop3A_335 = arith.constant 1 : i32
        %parallel_loop3A_336 = arith.index_cast %parallel_loop3A_335 : i32 to index
        %parallel_loop3A_337 = arith.index_cast %parallel_loop3A_207 : i32 to index
        %parallel_loop3A_338 = arith.constant 48 : index
        %parallel_loop3A_339 = tpu.vector_load %arg9[%parallel_loop3A_336, %parallel_loop3A_337, %parallel_loop3A_338] {strides = array<i32>} : memref<2x200x64xf32, #tpu.memory_space<vmem>>, vector<16xf32>,
        tpu.vector_store %arg9[%parallel_loop3A_336, %parallel_loop3A_337, %parallel_loop3A_338], %parallel_loop3A_334 {strides = array<i32>} : memref<2x200x64xf32, #tpu.memory_space<vmem>>, vector<16xf32>,
      } {sc.loop_unroll_factor = 8 : i64, sc.parallel_access}
      %dma_start3A_186 = arith.constant 1 : i32
      %dma_start3A_187 = arith.constant 0 : i32
      %dma_start3A_188 = arith.constant 0 : i32
      %dma_start3A_189 = tpu.memref_slice %arg9[%dma_start3A_186, %dma_start3A_187, %dma_start3A_188] : memref<2x200x64xf32, #tpu.memory_space<vmem>> -> memref<1x200x64xf32, #tpu.memory_space<vmem>>
      %dma_start3A_190 = tpu.memref_squeeze %dma_start3A_189 : memref<1x200x64xf32, #tpu.memory_space<vmem>> -> memref<200x64xf32, #tpu.memory_space<vmem>>
      %dma_start3A_191 = arith.constant 0 : i32
      %dma_start3A_192 = tpu.memref_slice %arg5[%add3A_181, %dma_start3A_191] : memref<204800x64xf32, #tpu.memory_space<hbm>> -> memref<200x64xf32, #tpu.memory_space<hbm>>
      %dma_start3A_193 = arith.constant 0 : i32
      %dma_start3A_194 = tpu.memref_slice %arg5[%add3A_181, %dma_start3A_193] : memref<204800x64xf32, #tpu.memory_space<hbm>> -> memref<200x64xf32, #tpu.memory_space<hbm>>
      %dma_start3A_195 = arith.constant 0 : i32
      %dma_start3A_196 = arith.constant 0 : i32
      %dma_start3A_197 = tpu.memref_slice %arg9[%dma_start3A_186, %dma_start3A_195, %dma_start3A_196] : memref<2x200x64xf32, #tpu.memory_space<vmem>> -> memref<1x200x64xf32, #tpu.memory_space<vmem>>
      %dma_start3A_198 = tpu.memref_squeeze %dma_start3A_197 : memref<1x200x64xf32, #tpu.memory_space<vmem>> -> memref<200x64xf32, #tpu.memory_space<vmem>>
      tpu.enqueue_dma source(%dma_start3A_198 : memref<200x64xf32, #tpu.memory_space<vmem>>) target(%dma_start3A_194 : memref<200x64xf32, #tpu.memory_space<hbm>>) target_semaphore(%arg14 : memref<!tpu.dma_semaphore, #tpu.memory_space<semaphore_mem>>)
      %add3A_199 = arith.constant 2 : i32
      %add3A_200 = arith.addi %add3A_147, %add3A_199 : i32
      %lt3A_201 = arith.constant 32 : i32
      %lt3A_202 = arith.cmpi slt, %add3A_200, %lt3A_201 : i32
      %convert_element_type3A_203 = arith.extui %lt3A_202 : i1 to i32
      %cond3A_204 = arith.constant 0 : i32
      %cond3A_205 = arith.cmpi ne, %convert_element_type3A_203, %cond3A_204 : i32
      scf.if %cond3A_205 {
        %add3A_207 = arith.constant 2 : i32
        %add3A_208 = arith.addi %add3A_147, %add3A_207 : i32
        %mul3A_209 = arith.constant 200 : i32
        %mul3A_210 = arith.muli %add3A_208, %mul3A_209 : i32
        %add3A_211 = arith.constant 0 : i32
        %add3A_212 = arith.addi %mul3A_210, %add3A_211 : i32
        %dma_start3A_213 = arith.constant 1 : i32
        %dma_start3A_214 = arith.constant 0 : i32
        %dma_start3A_215 = arith.constant 0 : i32
        %dma_start3A_216 = tpu.memref_slice %arg8[%dma_start3A_213, %dma_start3A_214, %dma_start3A_215] : memref<2x200x128xf32, #tpu.memory_space<vmem>> -> memref<1x120x128xf32, #tpu.memory_space<vmem>>
        %dma_start3A_217 = tpu.memref_squeeze %dma_start3A_216 : memref<1x120x128xf32, #tpu.memory_space<vmem>> -> memref<120x128xf32, #tpu.memory_space<vmem>>
        %dma_start3A_218 = tpu.memref_slice %arg7[%add3A_212] : memref<6400xi32, #tpu.memory_space<vmem>> -> memref<120xi32, #tpu.memory_space<vmem>>
        %dma_start3A_219 = arith.constant 0 : i32
        %dma_start3A_220 = arith.constant 0 : i32
        %dma_start3A_221 = tpu.memref_slice %arg2[%dma_start3A_219, %dma_start3A_220] : memref<500000x128xf32, #tpu.memory_space<hbm>> -> memref<500000x128xf32, #tpu.memory_space<hbm>>
        tpu.enqueue_indirect_dma source(%dma_start3A_221 : memref<500000x128xf32, #tpu.memory_space<hbm>>) target(%dma_start3A_217 : memref<120x128xf32, #tpu.memory_space<vmem>>) offsets(%dma_start3A_218 : memref<120xi32, #tpu.memory_space<vmem>>) semaphore(%arg12 : memref<!tpu.dma_semaphore, #tpu.memory_space<semaphore_mem>>)
        %mul3A_222 = arith.constant 200 : i32
        %mul3A_223 = arith.muli %add3A_208, %mul3A_222 : i32
        %add3A_224 = arith.constant 120 : i32
        %add3A_225 = arith.addi %mul3A_223, %add3A_224 : i32
        %dma_start3A_226 = arith.constant 1 : i32
        %dma_start3A_227 = arith.constant 120 : i32
        %dma_start3A_228 = arith.constant 0 : i32
        %dma_start3A_229 = tpu.memref_slice %arg8[%dma_start3A_226, %dma_start3A_227, %dma_start3A_228] : memref<2x200x128xf32, #tpu.memory_space<vmem>> -> memref<1x80x128xf32, #tpu.memory_space<vmem>>
        %dma_start3A_230 = tpu.memref_squeeze %dma_start3A_229 : memref<1x80x128xf32, #tpu.memory_space<vmem>> -> memref<80x128xf32, #tpu.memory_space<vmem>>
        %dma_start3A_231 = tpu.memref_slice %arg7[%add3A_225] : memref<6400xi32, #tpu.memory_space<vmem>> -> memref<80xi32, #tpu.memory_space<vmem>>
        %dma_start3A_232 = arith.constant 0 : i32
        %dma_start3A_233 = arith.constant 0 : i32
        %dma_start3A_234 = tpu.memref_slice %arg2[%dma_start3A_232, %dma_start3A_233] : memref<500000x128xf32, #tpu.memory_space<hbm>> -> memref<500000x128xf32, #tpu.memory_space<hbm>>
        tpu.enqueue_indirect_dma source(%dma_start3A_234 : memref<500000x128xf32, #tpu.memory_space<hbm>>) target(%dma_start3A_230 : memref<80x128xf32, #tpu.memory_space<vmem>>) offsets(%dma_start3A_231 : memref<80xi32, #tpu.memory_space<vmem>>) semaphore(%arg12 : memref<!tpu.dma_semaphore, #tpu.memory_space<semaphore_mem>>)
      } else {
      }
      %scan3A_206 = arith.constant 0 : i32
      scf.yield %scan3A_206 : i32
    }
    %scan3A_55 = arith.constant 16 : i32
    %add3A_56 = arith.constant 6000 : i32
    %add3A_57 = arith.addi %mul3A_2, %add3A_56 : i32
    %dma_wait3A = arith.constant 0 : i32
    %dma_wait3A_58 = arith.constant 0 : i32
    %dma_wait3A_59 = arith.constant 0 : i32
    %dma_wait3A_60 = tpu.memref_slice %arg9[%dma_wait3A, %dma_wait3A_58, %dma_wait3A_59] : memref<2x200x64xf32, #tpu.memory_space<vmem>> -> memref<1x200x64xf32, #tpu.memory_space<vmem>>
    %dma_wait3A_61 = tpu.memref_squeeze %dma_wait3A_60 : memref<1x200x64xf32, #tpu.memory_space<vmem>> -> memref<200x64xf32, #tpu.memory_space<vmem>>
    %dma_wait3A_62 = arith.constant 0 : i32
    %dma_wait3A_63 = tpu.memref_slice %arg5[%add3A_57, %dma_wait3A_62] : memref<204800x64xf32, #tpu.memory_space<hbm>> -> memref<200x64xf32, #tpu.memory_space<hbm>>
    %dma_wait3A_64 = arith.constant 0 : i32
    %dma_wait3A_65 = tpu.memref_slice %arg5[%add3A_57, %dma_wait3A_64] : memref<204800x64xf32, #tpu.memory_space<hbm>> -> memref<200x64xf32, #tpu.memory_space<hbm>>
    %dma_wait3A_66 = arith.constant 0 : i32
    %dma_wait3A_67 = arith.constant 0 : i32
    %dma_wait3A_68 = tpu.memref_slice %arg9[%dma_wait3A, %dma_wait3A_66, %dma_wait3A_67] : memref<2x200x64xf32, #tpu.memory_space<vmem>> -> memref<1x200x64xf32, #tpu.memory_space<vmem>>
    %dma_wait3A_69 = tpu.memref_squeeze %dma_wait3A_68 : memref<1x200x64xf32, #tpu.memory_space<vmem>> -> memref<200x64xf32, #tpu.memory_space<vmem>>
    tpu.wait_dma2 semaphore(%arg13 : memref<!tpu.dma_semaphore, #tpu.memory_space<semaphore_mem>>) src(%dma_wait3A_69 : memref<200x64xf32, #tpu.memory_space<vmem>>) dst(%dma_wait3A_65 : memref<200x64xf32, #tpu.memory_space<hbm>>)
    %add3A_70 = arith.constant 6200 : i32
    %add3A_71 = arith.addi %mul3A_2, %add3A_70 : i32
    %dma_wait3A_72 = arith.constant 1 : i32
    %dma_wait3A_73 = arith.constant 0 : i32
    %dma_wait3A_74 = arith.constant 0 : i32
    %dma_wait3A_75 = tpu.memref_slice %arg9[%dma_wait3A_72, %dma_wait3A_73, %dma_wait3A_74] : memref<2x200x64xf32, #tpu.memory_space<vmem>> -> memref<1x200x64xf32, #tpu.memory_space<vmem>>
    %dma_wait3A_76 = tpu.memref_squeeze %dma_wait3A_75 : memref<1x200x64xf32, #tpu.memory_space<vmem>> -> memref<200x64xf32, #tpu.memory_space<vmem>>
    %dma_wait3A_77 = arith.constant 0 : i32
    %dma_wait3A_78 = tpu.memref_slice %arg5[%add3A_71, %dma_wait3A_77] : memref<204800x64xf32, #tpu.memory_space<hbm>> -> memref<200x64xf32, #tpu.memory_space<hbm>>
    %dma_wait3A_79 = arith.constant 0 : i32
    %dma_wait3A_80 = tpu.memref_slice %arg5[%add3A_71, %dma_wait3A_79] : memref<204800x64xf32, #tpu.memory_space<hbm>> -> memref<200x64xf32, #tpu.memory_space<hbm>>
    %dma_wait3A_81 = arith.constant 0 : i32
    %dma_wait3A_82 = arith.constant 0 : i32
    %dma_wait3A_83 = tpu.memref_slice %arg9[%dma_wait3A_72, %dma_wait3A_81, %dma_wait3A_82] : memref<2x200x64xf32, #tpu.memory_space<vmem>> -> memref<1x200x64xf32, #tpu.memory_space<vmem>>
    %dma_wait3A_84 = tpu.memref_squeeze %dma_wait3A_83 : memref<1x200x64xf32, #tpu.memory_space<vmem>> -> memref<200x64xf32, #tpu.memory_space<vmem>>
    tpu.wait_dma2 semaphore(%arg14 : memref<!tpu.dma_semaphore, #tpu.memory_space<semaphore_mem>>) src(%dma_wait3A_84 : memref<200x64xf32, #tpu.memory_space<vmem>>) dst(%dma_wait3A_80 : memref<200x64xf32, #tpu.memory_space<hbm>>)
    return
  }
}

</mosaic_0001>

<sc_bundles>
// kernel: kernel.3.cloned.1.call-start
scs
__scs_entry_jumppad:
0x0: {  	(pc) =	sbr.rel $0x88, $3  }
0x1: {  	(tag) =	ssettag $0x0;
	lr =	simm.s32 $0x1  }
0x2: {  	[smem:$0x3F9F] =	sst lr;
	_ =	strace $0xD0000000  }
0x3: {  	_ = 	snop  }
0x4: {  	_ = 	snop  }
0x5: {  	_ = 	snop  }
0x6: {  	_ = 	snop  }
0x7: {  	_ = 	snop  }
__scs_overlays_trampoline_lowered:
0x8: {  	[smem:$0x3FAE] =	sst s0  }
0x9: {  	[smem:$0x3FAF] =	sst s1  }
0xa: {  	[smem:$0x3FB0] =	sst s2  }
0xb: {  	[smem:$0x3FB1] =	sst s3  }
0xc: {  	[smem:$0x3FB2] =	sst s4  }
0xd: {  	[smem:$0x3FB3] =	sst s5  }
0xe: {  	[smem:$0x3FB4] =	sst s6  }
0xf: {  	[smem:$0x3FB5] =	sst s7  }
0x10: {  	[smem:$0x3FB6] =	sst s8  }
0x11: {  	[smem:$0x3FB7] =	sst s9;
	s0 =	simm.s32 @!p0 $0x0  }
0x12: {  	s1 =	sld [smem:$0x3F9D];
	s0 =	simm.s32 @p0 $0x1  }
0x13: {  	[smem:$0x3FB8] =	sst s0;
	s0 =	simm.s32 @!p1 $0x0  }
0x14: {  	s2 =	sld [smem:$0x3F9C];
	s0 =	simm.s32 @p1 $0x1  }
0x15: {  	[smem:$0x3FB9] =	sst s0;
	s0 =	simm.s32 @!p2 $0x0  }
0x16: {  	s3 =	sld [smem:$0x3FDB];
	s0 =	simm.s32 @p2 $0x1  }
0x17: {  	s4 =	simm.s32 $0x1BF5;
	[smem:$0x3FBB] =	sst s0  }
0x18: {  	s0 =	sld [smem:$0x3F9E];
	_ =	swait.ge [sflag:s4], $0x0  }
0x19: {  	s7 =	sld [smem:$0x3F9F]  }
0x1a: {  	s8 =	sadd.s32 $0xFFFFE003, lr  }
0x1b: {  	s9 =	sadd.s32 $0xFFFFFEF7, lr;
	s5 =	simm.s32 $0xFFFFFFFF;
	p2 =	slt.u32 s8, $0xFFFFF086  }
0x1c: {  	p1 =	slt.u32 s9, $0xF7A;
	s5 =	simm.s32 @!p2 $0x0  }
0x1d: {  	s5 =	simm.s32 @p1 $0x1;
	p0 =	seq.s32 s7, s2  }
0x1e: {  	s7 =	smul.u32 @!p0 $0xF7A, s2;
	p2 =	seq.s32 @!p0 s5, $0x0  }
0x1f: {  	s9 =	smul.u32 $0xF7A, s1;
	s8 =	simm.s32 @!p0 $0x1BF5;
	p2 =	por !p2, p0  }
0x20: {  	[sflag:s8] =	ssyncset.s32 @!p0 $0xFFFFF086;
	s6 =	sadd.s32 @!p0 s3, s7;
	s7 =	simm.s32 @!p0 $0x108  }
0x21: {  	s3 =	sadd.s32 s3, s9;
	s6 =	sadd.s32 @!p0 $0x88, s6;
	s7 =	simm.s32 @p2 $0x1082  }
0x22: {  	[simem:s7], [sflag:s8] =	dma.local @!p0 [hbm:s6], $0xF7A  }
0x23: {  	s9 =	sor.u32 $0xD0000000, s2;
	s6 =	simm.s32 $0x108;
	_ =	swait.ge @!p0 [sflag:s8], $0x0  }
0x24: {  	s3 =	sadd.s32 $0x88, s3;
	s6 =	simm.s32 @!p1 $0x1082;
	[sflag:s4] =	ssyncset.s32 $0xFFFFF086  }
0x25: {  	[simem:s6], [sflag:s4] =	dma.local [hbm:s3], $0xF7A  }
0x26: {  	[smem:$0x3F9F] =	sst s1;
	(tag) =	ssettag s2;
	_ =	strace s9  }
0x27: {  	s1 =	sld [smem:$0x3FAF]  }
0x28: {  	s2 =	sld [smem:$0x3FB0]  }
0x29: {  	s4 =	sld [smem:$0x3FB2]  }
0x2a: {  	p0 =	seq.s32 s5, $0x0;
	s5 =	sld [smem:$0x3FB3]  }
0x2b: {  	s6 =	sld [smem:$0x3FB4]  }
0x2c: {  	s7 =	sld [smem:$0x3FB5]  }
0x2d: {  	s3 =	simm.s32 $0x108;
	s8 =	sld [smem:$0x3FB6]  }
0x2e: {  	s3 =	simm.s32 @!p0 $0x1082;
	s9 =	sld [smem:$0x3FB7]  }
0x2f: {  	lr =	sadd.s32 s0, s3;
	s0 =	sld [smem:$0x3FAE]  }
0x30: {  	s3 =	sld [smem:$0x3FB1]  }
0x31: {  	[smem:$0x3FBA] =	sst s10  }
0x32: {  	s10 =	sld [smem:$0x3FB8];
	_ =	sdelay $0x3  }
0x33: {  	p0 =	seq.s32 s10, $0x1;
	s10 =	sld [smem:$0x3FBA];
	_ =	sdelay $0x3  }
0x34: {  	[smem:$0x3FBA] =	sst s10  }
0x35: {  	s10 =	sld [smem:$0x3FB9];
	_ =	sdelay $0x3  }
0x36: {  	p1 =	seq.s32 s10, $0x1;
	s10 =	sld [smem:$0x3FBA];
	_ =	sdelay $0x3  }
0x37: {  	[smem:$0x3FBA] =	sst s10  }
0x38: {  	s10 =	sld [smem:$0x3FBB]  }
0x39: {  	_ = 	snop;
	(pc) =	sbr.ind lr, $3  }
0x3a: {  	_ = 	snop  }
0x3b: {  	_ = 	snop  }
0x3c: {  	p2 =	seq.s32 s10, $0x1;
	s10 =	sld [smem:$0x3FBA]  }
0x3d: {  	_ =	shalt  }
0x3e: {  	_ =	shalt  }
0x3f: {  	_ =	shalt  }
0x40: {  	_ =	shalt  }
0x41: {  	_ =	shalt  }
0x42: {  	_ =	shalt  }
0x43: {  	_ =	shalt  }
0x44: {  	_ =	shalt  }
0x45: {  	_ =	shalt  }
0x46: {  	_ =	shalt  }
0x47: {  	_ =	shalt  }
0x48: {  	_ =	shalt  }
0x49: {  	_ =	shalt  }
0x4a: {  	_ =	shalt  }
0x4b: {  	_ =	shalt  }
0x4c: {  	_ =	shalt  }
0x4d: {  	_ =	shalt  }
0x4e: {  	_ =	shalt  }
0x4f: {  	_ =	shalt  }
0x50: {  	_ =	shalt  }
0x51: {  	_ =	shalt  }
0x52: {  	_ =	shalt  }
0x53: {  	_ =	shalt  }
0x54: {  	_ =	shalt  }
0x55: {  	_ =	shalt  }
0x56: {  	_ =	shalt  }
0x57: {  	_ =	shalt  }
0x58: {  	_ =	shalt  }
0x59: {  	_ =	shalt  }
0x5a: {  	_ =	shalt  }
0x5b: {  	_ =	shalt  }
0x5c: {  	_ =	shalt  }
0x5d: {  	_ =	shalt  }
0x5e: {  	_ =	shalt  }
0x5f: {  	_ =	shalt  }
0x60: {  	_ =	shalt  }
0x61: {  	_ =	shalt  }
0x62: {  	_ =	shalt  }
0x63: {  	_ =	shalt  }
0x64: {  	_ =	shalt  }
0x65: {  	_ =	shalt  }
0x66: {  	_ =	shalt  }
0x67: {  	_ =	shalt  }
0x68: {  	_ =	shalt  }
0x69: {  	_ =	shalt  }
0x6a: {  	_ =	shalt  }
0x6b: {  	_ =	shalt  }
0x6c: {  	_ =	shalt  }
0x6d: {  	_ =	shalt  }
0x6e: {  	_ =	shalt  }
0x6f: {  	_ =	shalt  }
0x70: {  	_ =	shalt  }
0x71: {  	_ =	shalt  }
0x72: {  	_ =	shalt  }
0x73: {  	_ =	shalt  }
0x74: {  	_ =	shalt  }
0x75: {  	_ =	shalt  }
0x76: {  	_ =	shalt  }
0x77: {  	_ =	shalt  }
0x78: {  	_ =	shalt  }
0x79: {  	_ =	shalt  }
0x7a: {  	_ =	shalt  }
0x7b: {  	_ =	shalt  }
0x7c: {  	_ =	shalt  }
0x7d: {  	_ =	shalt  }
0x7e: {  	_ =	shalt  }
0x7f: {  	_ =	shalt  }
0x80: {  	_ =	shalt  }
0x81: {  	_ =	shalt  }
0x82: {  	_ =	shalt  }
0x83: {  	_ =	shalt  }
0x84: {  	_ =	shalt  }
0x85: {  	_ =	shalt  }
0x86: {  	_ =	shalt  }
0x87: {  	_ =	shalt  }
.Lfunc_end0:
.L_simem_size_0:
called_computation.1_lowered:
.L_overlay_start_0:
0x88: {  	s2 =	sld [smem:$0x3FD9]  }
0x89: {  	s3 =	sld [smem:$0x3FFE];
	_ =	sdelay $0x1  }
0x8a: {  	s1 =	srdreg.scid  }
0x8b: {  	s0 =	sand.u32 $0x1, s1  }
0x8c: {  	s17 =	sshll.u32 s0, $0xA;
	s2 =	sadd.s32 s3, s2  }
0x8d: {  	s2 =	sadd.s32 s2, s17  }
0x8e: {  	[smem:$0x3FC6] =	sst s2  }
0x8f: {  	_ = 	snop  }
0x90: {  	s2 =	sld [smem:$0x3FD0];
	(tm) =	ssettm $0x1  }
0x91: {  	s18 =	sld [smem:$0x3FFB];
	_ =	sdelay $0x3  }
0x92: {  	_ =	strace s18  }
0x93: {  	s3 =	sld [smem:$0x3FFC];
	_ =	sdelay $0x3  }
0x94: {  	_ =	strace s3  }
0x95: {  	s3 =	sld [smem:$0x3FFD];
	_ =	sdelay $0x3  }
0x96: {  	_ =	strace s3  }
0x97: {  	_ =	strace $0x8FFFFFFF  }
0x98: {  	s19 =	sld [smem:$0x3FDB];
	_ =	sdelay $0x1  }
0x99: {  	s4 =	simm.s32 $_scs_section_size  }
0x9a: {  	s5 =	simm.s32 $_size__tile_overlayer_lowered;
	s6 =	simm.s32 $_tile_overlayer_lowered  }
0x9b: {  	s22 =	simm.s32 $0x1BFF;
	s21 =	sshll.u32 s6, $0x1;
	s3 =	sadd.s32 s4, s19  }
0x9c: {  	s7 =	simm.s32 $0x0;
	s20 =	sshll.u32 s5, $0x1;
	s5 =	sadd.s32 s21, s3  }
0x9d: {  	[timem:s7], [sflag:s22] =	dma.local [hbm:s5], s20  }
0x9e: {  	_ =	swait.ge [sflag:s22], s20  }
0x9f: {  	s4 =	ssub.s32 $0x0, s20;
	[sflag:s22] =	ssyncset.done $0x0  }
0xa0: {  	[sflag:s22] =	ssyncadd.s32 s4;
	_ =	sdelay $0x1  }
0xa1: {  	s23 =	simm.s32 $0x1B8B  }
0xa2: {  	_ =	swait.ge [sflag:s23], $0x1  }
0xa3: {  	[sflag:s23] =	ssyncset.done $0x0  }
0xa4: {  	s25 =	simm.s32 $0x1B8E;
	s24 =	sld [smem:$0x3FFE];
	[sflag:s23] =	ssyncadd.s32 $0xFFFFFFFF  }
0xa5: {  	s26 =	simm.s32 $execute0_lowered;
	[smem:$0x3FD2] =	sst s25  }
0xa6: {  	s5 =	sshll.u32 s26, $0x1;
	_ =	strace $0x80000046;
	[dreg:$0x1] =	wrdreg $0xFFFFFFFF  }
0xa7: {  	s28 =	simm.s32 $_size_execute0_lowered;
	s3 =	sadd.s32 s3, s5;
	[dreg:$0x0] =	wrdreg $0x0  }
0xa8: {  	s5 =	sshll.u32 s28, $0x1;
	[dreg:$0x2] =	wrdreg s3  }
0xa9: {  	[dreg:$0x3] =	wrdreg s5  }
0xaa: {  	[dreg:$0x4] =	wrdreg $0xC0  }
0xab: {  	_ =	task [dreg:s7], $0x5FFFF  }
0xac: {  	[dreg:$0x1] =	wrdreg $0xFFFFFFFF  }
0xad: {  	[dreg:$0x0] =	wrdreg $0x60  }
0xae: {  	[dreg:$0x2] =	wrdreg s24  }
0xaf: {  	[dreg:$0x3] =	wrdreg s2  }
0xb0: {  	[dreg:$0x4] =	wrdreg $0x9  }
0xb1: {  	_ =	task.clear_ibuf [dreg:s7], $0x5FFFF;
	_ =	strace $0x90000046  }
0xb2: {  	s29 =	simm.s32 $0x9;
	_ =	strace $0x80000048  }
0xb3: {  	_ =	swait.ge [sflag:s29], $0x1  }
0xb4: {  	[sflag:s29] =	ssyncadd.s32 $0xFFFFFFFF  }
0xb5: {  	_ =	strace $0x90000048  }
0xb6: {  	_ =	sfence  }
0xb7: {  	s30 =	sld [smem:$0x0];
	_ =	sdelay $0x2  }
0xb8: {  	s31 =	sshll.u32 s1, $0xD;
	s1 =	sshrl.u32 s1, $0x2  }
0xb9: {  	s3 =	sand.u32 $0x4000, s31;
	s1 =	sadd.s32 s1, s30  }
0xba: {  	s0 =	sor.u32 s3, s0;
	s1 =	sshll.u32 s1, $0x11  }
0xbb: {  	s0 =	sor.u32 s1, s0  }
0xbc: {  	s0 =	sadd.s32 $0x8F2B, s0  }
0xbd: {  	[sflag:s0] =	ssyncadd.remote.s32 $0x1  }
0xbe: {  	_ =	sfence.sel $0xFFFF  }
0xbf: {  	[dreg:$0x0] =	wrdreg $0xFFFFFFFF;
	(pc) =	sbr.abs _section_cstart, $3  }
0xc0: {  	[dreg:$0x1] =	wrdreg $0xFFFFFFFF  }
0xc1: {  	_ =	task.clear_ibuf [dreg:s7], $0x2FFFF;
	_ =	strace $0x9FFFFFFF  }
0xc2: {  	(tm) =	ssettm $0x7FFFFFFF  }
0xc3: {  	_ =	shalt  }
tec
execute0_lowered:
.L_overlay_start_1:
0x0: {  	(tag) =	ssettag $0x1  }
0x1: {  	s0 =	rddreg [dreg:$0x0]  }
0x2: {  	s1 =	rddreg [dreg:$0x1]  }
0x3: {  	s2 =	srdreg.scid;
	s3 =	stileid.u32  }
0x4: {  	s19 =	simm.s32 $0x0;
	s2 =	sand.u32 $0x1, s2;
	s3 =	sshll.u32 s3, $0x1  }
0x5: {  	[smem:$0x7FF] =	sst s19;
	s26 =	sadd.s32 $0xF43000, s0;
	s3 =	sor.u32 s2, s3  }
0x6: {  	s25 =	sadd.s32 $0xC00, s0;
	s2 =	ssub.s32 $0x2, s2;
	s24 =	smul.u32 $0x1900, s3  }
.Ltmp0:
0x7: {  	s29 =	sadd.s32 $0x1400, s0;
	s28 =	sshrl.u32 s2, $0x1;
	(pc) =	sbr.rel .LBB2_1-.Ltmp0, $4  }
0x8: {  	_ =	strace $0x80000047;
	[dreg:$0x3] =	wrdreg s25;
	s30 =	ssub.s32 s2, s28  }
0x9: {  	[dreg:$0x4] =	wrdreg s29;
	s31 =	sshrl.u32 s24, $0x3;
	s0 =	smax.u32 s30, $0x1  }
0xa: {  	s13 =	simm.s32 $0x3200;
	v63 =	vlaneseq.u32;
	s1 =	sadd.s32 s1, s31;
	[dreg:$0x6] =	wrdreg s0  }
0xb: {  	s18 =	simm.s32 $0x9600;
	v1 =	vor.u32 $0x10, v63;
	v2 =	vor.u32 $0x20, v63;
	v3 =	vor.u32 $0x30, v63;
	s2 =	simm.s32 $0x0;
	[dreg:$0x5] =	wrdreg s1  }
.LBB2_22:
0xc: {  	s0 =	simm.s32 $0x3  }
0xd: {  	_ =	swait.ge [sflag:s0], $0x6400  }
0xe: {  	[sflag:s0] =	ssyncset.done $0x0  }
0xf: {  	s1 =	simm.s32 $0x4;
	[sflag:s0] =	ssyncadd.s32 $0xFFFF9C00  }
0x10: {  	_ =	swait.ge [sflag:s1], $0x6400  }
0x11: {  	s2 =	rddreg [dreg:$0x7]  }
0x12: {  	s31 =	rddreg [dreg:$0x6];
	s2 =	sadd.s32 $0x1, s2  }
0x13: {  	p0 =	sne.s32 s2, s31  }
.Ltmp1:
0x14: {  	_ = 	snop;
	(pc) =	sbr.rel @!p0 .LBB2_23-.Ltmp1, $3  }
0x15: {  	_ =	sdelay $0x1  }
0x16: {  	[sflag:s1] =	ssyncset.done $0x0  }
0x17: {  	[sflag:s1] =	ssyncadd.s32 $0xFFFF9C00  }
.LBB2_1:
0x18: {  	[dreg:$0x7] =	wrdreg s2  }
0x19: {  	s0 =	rddreg [dreg:$0x3];
	s1 =	simm.s32 $0x1C200;
	s30 =	simm.s32 $0x5  }
0x1a: {  	[tilespmem:s1], [sflag:$0x5] =	stream.linear.gather [hbm4b:s0+s19], $0x3200, $0x38;
	[tilespmem:$0x1F600] =	vst v63  }
0x1b: {  	_ =	swait.ge [sflag:s30], $0x3200  }
0x1c: {  	[sflag:s30] =	ssyncset.done $0x0  }
0x1d: {  	s31 =	rddreg [dreg:$0x5];
	[sflag:s30] =	ssyncadd.s32 $0xFFFFCE00  }
0x1e: {  	[tilespmem:s19], [sflag:$0x5] =	stream.linear.gather [hbm4b:s31+s19], $0x1900, $0x38;
	[tilespmem:$0x1F600] =	vst v63  }
0x1f: {  	_ =	swait.ge [sflag:s30], $0x1900  }
0x20: {  	[sflag:s30] =	ssyncset.done $0x0  }
0x21: {  	s0 =	simm.s32 $0x0;
	[sflag:s30] =	ssyncadd.s32 $0xFFFFE700  }
0x22: {  	s1 =	simm.s32 $0x40;
	v4 =	vld [tilespmem:s0+$0x0]  }
.LBB2_2:
0x23: {  	p0 =	sne.s32 s1, $0x63C0  }
.Ltmp2:
0x24: {  	_ = 	snop;
	(pc) =	sbr.rel @p0 .LBB2_2-.Ltmp2, $3  }
0x25: {  	_ =	sdelay $0x1  }
0x26: {  	s2 =	sshra.s32 s1, $0x2;
	s1 =	sadd.s32 $0x40, s1;
	v5 =	vshrl.u32 v4, $0x1  }
0x27: {  	v4 =	vld [tilespmem:s2+$0x0];
	[tilespmem:s0+$0x1900] =	vst v5;
	s0 =	smov.u32 s2  }
0x28: {  	_ =	sdelay $0x3  }
0x29: {  	v4 =	vshrl.u32 v4, $0x1  }
0x2a: {  	s23 =	simm.s32 $0x78;
	s1 =	simm.s32 $0x1900;
	[tilespmem:s0+$0x1900] =	vst v4  }
0x2b: {  	[tilespmem:s13], [sflag:$0x1] =	stream.indirect.gather [hbm4b:s26+s23], $0x80, s1, s23, $0xb8;
	[tilespmem:$0x1F600] =	vst v63  }
0x2c: {  	s25 =	simm.s32 $0x50;
	s2 =	simm.s32 $0x1978;
	s3 =	simm.s32 $0x6E00  }
0x2d: {  	[tilespmem:s3], [sflag:$0x1] =	stream.indirect.gather [hbm4b:s26+s25], $0x80, s2, s25, $0xb8;
	[tilespmem:$0x1F600] =	vst v63  }
0x2e: {  	s28 =	simm.s32 $0x19C8  }
0x2f: {  	[tilespmem:s18], [sflag:$0x2] =	stream.indirect.gather [hbm4b:s26+s23], $0x80, s28, s23, $0xb8;
	[tilespmem:$0x1F600] =	vst v63  }
0x30: {  	s30 =	simm.s32 $0x1A40;
	s31 =	simm.s32 $0xD200;
	s23 =	simm.s32 $0x0  }
0x31: {  	[tilespmem:s31], [sflag:$0x2] =	stream.indirect.gather [hbm4b:s26+s25], $0x80, s30, s25, $0xb8;
	[tilespmem:$0x1F600] =	vst v63  }
.LBB2_4:
0x32: {  	s0 =	simm.s32 $0x1  }
0x33: {  	_ =	swait.ge [sflag:s0], $0x3C00  }
0x34: {  	[sflag:s0] =	ssyncset.done $0x0  }
0x35: {  	s30 =	smul.u32 $0x190, s23;
	[sflag:s0] =	ssyncadd.s32 $0xFFFFC400  }
0x36: {  	_ =	swait.ge [sflag:s0], $0x2800  }
0x37: {  	p1 =	seq.s32 s23, $0x0;
	v0 =	vmov s30;
	[sflag:s0] =	ssyncset.done $0x0  }
0x38: {  	[dreg:$0x8] =	wrdreg s23;
	[sflag:s0] =	ssyncadd.s32 $0xFFFFD800;
	s0 =	simm.s32 @!p1 $0x3  }
0x39: {  	_ =	swait.ge @!p1 [sflag:s0], $0x6400  }
0x3a: {  	s1 =	simm.s32 $0x0;
	[sflag:s0] =	ssyncset.done @!p1 $0x0  }
0x3b: {  	s7 =	sand.u32 $0xF0, s1;
	[tilespmem:$0x1FFF0] =	vst v0;
	[sflag:s0] =	ssyncadd.s32 @!p1 $0xFFFF9C00  }
0x3c: {  	v7 =	vld.idx.msk [tilespmem:v0+s7+$0x0 ss:$0x1], $0xffff;
	_ =	sdelay $0x2  }
0x3d: {  	s21 =	simm.s32 $0x1;
	s2 =	simm.s32 $0x2;
	s25 =	simm.s32 $0x7  }
0x3e: {  	s4 =	simm.s32 $0x4;
	s1 =	sand.u32 $0x8, s1;
	s22 =	sand.u32 $0xA, s2;
	v59 =	vmov s25  }
0x3f: {  	s3 =	simm.s32 $0x3;
	s4 =	sand.u32 $0xC, s4;
	v52 =	vmov s1;
	v57 =	vmov s22;
	s0 =	sand.u32 $0x9, s21;
	v13 =	vand.u32 $0x1, v7  }
0x40: {  	s5 =	simm.s32 $0x5;
	v54 =	vmov s4;
	s23 =	sand.u32 $0xB, s3;
	v58 =	vmov s0;
	v14 =	vperm.xlane v13, v52  }
0x41: {  	s6 =	simm.s32 $0x6;
	s8 =	sand.u32 $0xD, s5;
	v53 =	vmov s23;
	v15 =	vperm.xlane v13, v59;
	v16 =	vperm.xlane v13, v58  }
0x42: {  	s9 =	sand.u32 $0xE, s6;
	v56 =	vmov s8;
	v17 =	vperm.xlane v13, v57;
	v18 =	vperm.xlane v13, v53  }
0x43: {  	v55 =	vmov s9;
	v19 =	vperm.xlane v13, v54;
	v49 =	vperm.xlane v13, v56  }
0x44: {  	v13 =	vperm.xlane v13, v55;
	v28 =	vshll.u32 v15, $0x6;
	v26 =	vshll.u32 v14, $0x6  }
0x45: {  	s5 =	simm.s32 $0x380;
	v24 =	vshll.u32 v16, $0x6;
	v20 =	vor.u32 v63, v28;
	v21 =	vand.u32 $0xFFFFFF80, v28  }
0x46: {  	v25 =	vshll.u32 v17, $0x6;
	v20 =	vand.u32 $0x4F, v20;
	v27 =	vadd.s32 s5, v21  }
0x47: {  	v22 =	vshll.u32 v18, $0x6;
	v19 =	vshll.u32 v19, $0x6;
	v50 =	vor.u32 v20, v27  }
0x48: {  	v15 =	vshll.u32 v49, $0x6;
	v13 =	vshll.u32 v13, $0x6;
	v16 =	vor.u32 v63, v26  }
0x49: {  	v17 =	vand.u32 $0xFFFFFF80, v26;
	v18 =	vor.u32 v63, v24;
	v51 =	vor.u32 v63, v25  }
0x4a: {  	v23 =	vand.u32 $0xFFFFFF80, v25;
	v29 =	vor.u32 v63, v22;
	v30 =	vand.u32 $0xFFFFFF80, v22  }
0x4b: {  	v31 =	vor.u32 v63, v19;
	v32 =	vand.u32 $0xFFFFFF80, v19;
	v34 =	vor.u32 v63, v15  }
0x4c: {  	v35 =	vand.u32 $0xFFFFFF80, v15;
	v36 =	vor.u32 v63, v13;
	v38 =	vand.u32 $0xFFFFFF80, v13;
	v33 =	vld.idx.msk [tilespmem:v50+s13+$0x0], $0xffff  }
0x4d: {  	s10 =	simm.s32 $0x0;
	s31 =	simm.s32 $0x1C300;
	v9 =	vor.u32 v1, v26;
	v44 =	vor.u32 v1, v24;
	v45 =	vor.u32 v1, v25  }
0x4e: {  	v41 =	vld [tilespmem:s31+$0xC0];
	v46 =	vor.u32 v1, v22;
	v37 =	vand.u32 $0x4F, v16;
	v16 =	vadd.s32 s10, v17  }
0x4f: {  	v42 =	vld [tilespmem:s31+$0xFFFFFF00];
	v39 =	vand.u32 $0x4F, v18;
	v18 =	vor.u32 v1, v28;
	v6 =	vor.u32 v37, v16  }
0x50: {  	s11 =	simm.s32 $0x80;
	v43 =	vld [tilespmem:s31+$0xFFFFFF80];
	v47 =	vor.u32 v1, v19;
	v20 =	vand.u32 $0xFFFFFF80, v24;
	v60 =	vand.u32 $0x5F, v18  }
0x51: {  	s14 =	simm.s32 $0x180;
	v8 =	vld [tilespmem:s31+$0x0];
	v20 =	vadd.s32 s11, v20;
	v62 =	vor.u32 v60, v27;
	v61 =	vmul.f32 $8.000000000e+00, v33  }
0x52: {  	s15 =	simm.s32 $0x200;
	v7 =	vld [tilespmem:s31+$0xFFFFFFC0];
	v48 =	vor.u32 v1, v15;
	v14 =	vadd.s32 s14, v30;
	v39 =	vor.u32 v39, v20  }
0x53: {  	s12 =	simm.s32 $0x100;
	s16 =	simm.s32 $0x280;
	v30 =	vand.u32 $0x4F, v31;
	v31 =	vld [tilespmem:s31+$0xFFFFFF40];
	v18 =	vadd.s32 s15, v32;
	v32 =	vadd.f32 v41, v61  }
0x54: {  	s20 =	simm.s32 $0x1C0;
	v40 =	vand.u32 $0x4F, v51;
	v17 =	vadd.s32 s12, v23;
	v21 =	vadd.s32 s16, v35;
	s14 =	simm.s32 $0xFC00;
	v35 =	vld.idx.msk [tilespmem:v6+s13+$0x0], $0xffff  }
0x55: {  	s21 =	sor.u32 $0x50, s20;
	v49 =	vor.u32 v1, v13;
	v29 =	vand.u32 $0x4F, v29;
	v40 =	vor.u32 v40, v17;
	v41 =	vld [tilespmem:s31+$0x40];
	[tilespmem:s14+$0x180] =	vst v32  }
0x56: {  	s17 =	simm.s32 $0x300;
	v34 =	vand.u32 $0x4F, v34;
	v36 =	vand.u32 $0x4F, v36;
	v29 =	vor.u32 v29, v14;
	v33 =	vld.idx.msk [tilespmem:v62+s13+$0x0], $0xffff;
	[dreg:$0xe] =	wrdreg s21  }
0x57: {  	v23 =	vadd.s32 s17, v38;
	v44 =	vand.u32 $0x5F, v44;
	v30 =	vor.u32 v30, v18;
	v39 =	vld.idx.msk [tilespmem:v39+s13+$0x0], $0xffff  }
0x58: {  	v45 =	vand.u32 $0x5F, v45;
	v46 =	vand.u32 $0x5F, v46;
	v34 =	vor.u32 v34, v21;
	v50 =	vld [tilespmem:s21+$0x1C200]  }
0x59: {  	v51 =	vor.u32 v2, v28;
	v47 =	vand.u32 $0x5F, v47;
	v36 =	vor.u32 v36, v23  }
0x5a: {  	v48 =	vand.u32 $0x5F, v48;
	v35 =	vmul.f32 $8.000000000e+00, v35;
	v32 =	vand.u32 $0x5F, v9;
	v40 =	vld.idx.msk [tilespmem:v40+s13+$0x0], $0xffff  }
0x5b: {  	v51 =	vand.u32 $0x6F, v51;
	v32 =	vor.u32 v32, v16;
	v29 =	vld.idx.msk [tilespmem:v29+s13+$0x0], $0xffff;
	v33 =	vmul.f32 $8.000000000e+00, v33  }
0x5c: {  	v51 =	vor.u32 v51, v27;
	v35 =	vadd.f32 v42, v35;
	v30 =	vld.idx.msk [tilespmem:v30+s13+$0x0], $0xffff;
	v39 =	vmul.f32 $8.000000000e+00, v39  }
0x5d: {  	v28 =	vor.u32 v3, v28;
	v45 =	vor.u32 v45, v17;
	v34 =	vld.idx.msk [tilespmem:v34+s13+$0x0], $0xffff;
	v33 =	vadd.f32 v50, v33  }
0x5e: {  	v49 =	vand.u32 $0x5F, v49;
	v44 =	vor.u32 v44, v20;
	v36 =	vld.idx.msk [tilespmem:v36+s13+$0x0], $0xffff;
	[tilespmem:s14+$0xFFFFFE00] =	vst v35;
	v31 =	vadd.f32 v31, v39  }
0x5f: {  	v46 =	vor.u32 v46, v14;
	v48 =	vor.u32 v48, v21;
	v10 =	vld [tilespmem:s31+$0x80];
	v11 =	vmul.f32 $8.000000000e+00, v40;
	[tilespmem:s14+$0x190] =	vst v33  }
0x60: {  	s22 =	sor.u32 $0x60, s20;
	v49 =	vor.u32 v49, v23;
	v28 =	vand.u32 $0x7F, v28;
	v32 =	vld.idx.msk [tilespmem:v32+s13+$0x0], $0xffff;
	v29 =	vmul.f32 $8.000000000e+00, v29;
	[tilespmem:s14+$0xFFFFFE80] =	vst v31  }
0x61: {  	v47 =	vor.u32 v47, v18;
	v30 =	vmul.f32 $8.000000000e+00, v30;
	v33 =	vadd.f32 v43, v11;
	v12 =	vld.idx.msk [tilespmem:v51+s13+$0x0], $0xffff;
	[dreg:$0xd] =	wrdreg s22  }
0x62: {  	v60 =	vor.u32 v2, v25;
	v27 =	vor.u32 v28, v27;
	v29 =	vadd.f32 v7, v29;
	v61 =	vld [tilespmem:s22+$0x1C200]  }
0x63: {  	v28 =	vor.u32 v2, v19;
	v30 =	vadd.f32 v8, v30;
	v62 =	vld.idx.msk [tilespmem:v44+s13+$0x0], $0xffff;
	[tilespmem:s14+$0xFFFFFF00] =	vst v33  }
0x64: {  	v25 =	vor.u32 v3, v25;
	v19 =	vor.u32 v3, v19;
	v31 =	vmul.f32 $8.000000000e+00, v34;
	[tilespmem:s14+$0xFFFFFF80] =	vst v29;
	v8 =	vld.idx.msk [tilespmem:v45+s13+$0x0], $0xffff  }
0x65: {  	v28 =	vand.u32 $0x6F, v28;
	v25 =	vand.u32 $0x7F, v25;
	v6 =	vmul.f32 $8.000000000e+00, v36;
	[tilespmem:s14+$0x0] =	vst v30;
	v9 =	vld.idx.msk [tilespmem:v46+s13+$0x0], $0xffff  }
0x66: {  	s23 =	simm.s32 $0xC0;
	v19 =	vand.u32 $0x7F, v19;
	v7 =	vor.u32 v2, v22;
	v29 =	vadd.f32 v41, v31;
	v11 =	vld.idx.msk [tilespmem:v47+s13+$0x0], $0xffff  }
0x67: {  	s11 =	sor.u32 $0x50, s23;
	v30 =	vadd.f32 v10, v6;
	v10 =	vor.u32 v2, v15;
	v47 =	vand.u32 $0x6F, v7;
	v7 =	vld [tilespmem:s31+$0xFFFFFF90]  }
0x68: {  	v40 =	vor.u32 v2, v26;
	v26 =	vor.u32 v3, v26;
	v33 =	vand.u32 $0x6F, v10;
	v10 =	vld [tilespmem:s11+$0x1C200];
	[tilespmem:s14+$0x80] =	vst v29  }
0x69: {  	v40 =	vand.u32 $0x6F, v40;
	v26 =	vand.u32 $0x7F, v26;
	[tilespmem:s14+$0x100] =	vst v30;
	v31 =	vmul.f32 $8.000000000e+00, v12;
	v12 =	vld.idx.msk [tilespmem:v48+s13+$0x0], $0xffff  }
0x6a: {  	v22 =	vor.u32 v3, v22;
	v51 =	vor.u32 v2, v24;
	v32 =	vmul.f32 $8.000000000e+00, v32;
	v48 =	vld.idx.msk [tilespmem:v49+s13+$0x0], $0xffff  }
0x6b: {  	s25 =	simm.s32 $0x140;
	v24 =	vor.u32 v3, v24;
	v6 =	vor.u32 v28, v18;
	v15 =	vor.u32 v3, v15;
	v49 =	vld [tilespmem:s31+$0xFFFFFF10]  }
0x6c: {  	s15 =	sor.u32 $0x50, s25;
	v46 =	vand.u32 $0x6F, v60;
	v30 =	vadd.f32 v61, v31;
	v37 =	vmul.f32 $8.000000000e+00, v62;
	v62 =	vld [tilespmem:s31+$0xFFFFFF50]  }
0x6d: {  	v29 =	vor.u32 v2, v13;
	v34 =	vor.u32 v46, v17;
	v60 =	vld [tilespmem:s15+$0x1C200];
	v28 =	vmul.f32 $8.000000000e+00, v8  }
0x6e: {  	v35 =	vor.u32 v47, v14;
	v31 =	vand.u32 $0x6F, v51;
	v51 =	vld [tilespmem:s31+$0x10];
	[tilespmem:s14+$0x1A0] =	vst v30;
	v30 =	vor.u32 v40, v16  }
0x6f: {  	v29 =	vand.u32 $0x6F, v29;
	v50 =	vor.u32 v31, v20;
	v27 =	vld.idx.msk [tilespmem:v27+s13+$0x0], $0xffff;
	v28 =	vadd.f32 v7, v28  }
0x70: {  	s3 =	sor.u32 $0x70, s20;
	v61 =	vld [tilespmem:s31+$0x90];
	v31 =	vor.u32 v29, v23;
	v29 =	vmul.f32 $8.000000000e+00, v9;
	v32 =	vadd.f32 v49, v32  }
0x71: {  	v33 =	vor.u32 v33, v21;
	v9 =	vmul.f32 $8.000000000e+00, v11;
	v8 =	vld [tilespmem:s3+$0x1C200];
	v37 =	vadd.f32 v62, v37;
	[tilespmem:s14+$0xFFFFFF10] =	vst v28  }
0x72: {  	v13 =	vor.u32 v3, v13;
	v11 =	vmul.f32 $8.000000000e+00, v12;
	[tilespmem:s14+$0xFFFFFE10] =	vst v32;
	v28 =	vadd.f32 v10, v29;
	v42 =	vld.idx.msk [tilespmem:v34+s13+$0x0], $0xffff  }
0x73: {  	p2 =	por $0x1, $0x1;
	v36 =	vmul.f32 $8.000000000e+00, v48;
	v62 =	vand.u32 $0x7F, v24;
	v29 =	vadd.f32 v51, v9;
	v30 =	vld.idx.msk [tilespmem:v30+s13+$0x0], $0xffff;
	[tilespmem:s14+$0xFFFFFE90] =	vst v37  }
.Ltmp3:
0x74: {  	v24 =	vor.u32 v26, v16;
	v16 =	vadd.f32 v60, v11;
	v49 =	vld [tilespmem:s31+$0xFFFFFF20];
	[tilespmem:s14+$0xFFFFFF90] =	vst v28;
	v27 =	vmul.f32 $8.000000000e+00, v27;
	(pc) =	sbr.rel @!p2 .LBB2_5-.Ltmp3, $4  }
0x75: {  	v15 =	vand.u32 $0x7F, v15;
	v28 =	vor.u32 v25, v17;
	[tilespmem:s14+$0x10] =	vst v29;
	v17 =	vadd.f32 v61, v36;
	v43 =	vld.idx.msk [tilespmem:v50+s13+$0x0], $0xffff  }
0x76: {  	p3 =	por $0x0, $0x0;
	v13 =	vand.u32 $0x7F, v13;
	v26 =	vor.u32 v19, v18;
	[tilespmem:s14+$0x90] =	vst v16;
	v44 =	vld.idx.msk [tilespmem:v35+s13+$0x0], $0xffff;
	v27 =	vadd.f32 v8, v27  }
0x77: {  	p0 =	por $0x0, $0x0;
	s28 =	sor.u32 $0x70, s25;
	s8 =	simm.s32 $0xF;
	v22 =	vand.u32 $0x7F, v22;
	v19 =	vor.u32 v15, v21;
	v18 =	vor.u32 v13, v23;
	v38 =	vld.idx.msk [tilespmem:v6+s13+$0x0], $0xffff;
	[tilespmem:s14+$0x110] =	vst v17  }
0x78: {  	s20 =	sor.u32 $0x60, s25;
	s21 =	sor.u32 $0x70, s23;
	s22 =	sor.u32 $0x60, s23;
	v25 =	vor.u32 v22, v14;
	[tilespmem:s14+$0x1B0] =	vst v27;
	v27 =	vor.u32 v62, v20;
	v39 =	vmul.f32 $8.000000000e+00, v30;
	v30 =	vld.idx.msk [tilespmem:v33+s13+$0x0], $0xffff  }
0x79: {  	[tilespmem:$0x1FF70] =	vst v59  }
0x7a: {  	[tilespmem:$0x1FF80] =	vst v58  }
0x7b: {  	[tilespmem:$0x1FF90] =	vst v57;
	v0 =	vld [tilespmem:$0x1FFF0]  }
0x7c: {  	[tilespmem:$0x1FFA0] =	vst v56  }
0x7d: {  	[tilespmem:$0x1FFB0] =	vst v55  }
0x7e: {  	[tilespmem:$0x1FFC0] =	vst v54  }
0x7f: {  	[tilespmem:$0x1FFD0] =	vst v53  }
0x80: {  	[dreg:$0xc] =	wrdreg s3;
	[tilespmem:$0x1FFE0] =	vst v52  }
0x81: {  	s0 =	simm.s32 $0x8;
	s1 =	simm.s32 $0x9;
	v13 =	vld.idx.msk [tilespmem:v31+s13+$0x0], $0xffff  }
0x82: {  	s2 =	simm.s32 $0xA;
	s4 =	simm.s32 $0xB;
	s12 =	sand.u32 $0xF0, s0;
	v14 =	vld [tilespmem:s31+$0xFFFFFF60]  }
0x83: {  	s6 =	simm.s32 $0xC;
	v20 =	vmul.f32 $8.000000000e+00, v42;
	s16 =	simm.s32 $0xD;
	s0 =	sand.u32 $0x8, s0;
	v15 =	vld.idx.msk [tilespmem:v0+s12+$0x0 ss:$0x1], $0xffff  }
0x84: {  	s9 =	simm.s32 $0xE;
	v16 =	vmul.f32 $8.000000000e+00, v43;
	v17 =	vadd.f32 v49, v39;
	s1 =	sand.u32 $0x9, s1;
	v21 =	vld [tilespmem:s31+$0xFFFFFFA0];
	s17 =	sand.u32 $0xA, s2;
	v22 =	vmov s0  }
0x85: {  	s23 =	sand.u32 $0xB, s4;
	s25 =	sand.u32 $0xC, s6;
	v31 =	vld [tilespmem:s22+$0x1C200];
	s4 =	sand.u32 $0xD, s16;
	v23 =	vmul.f32 $8.000000000e+00, v44;
	v29 =	vmov s1;
	v33 =	vmov s17  }
0x86: {  	s6 =	sand.u32 $0xE, s9;
	v36 =	vld [tilespmem:s31+$0x20];
	v34 =	vmov s23;
	v35 =	vmov s25;
	v37 =	vmov s4  }
0x87: {  	v60 =	vmov s6;
	v38 =	vmul.f32 $8.000000000e+00, v38;
	v30 =	vmul.f32 $8.000000000e+00, v30  }
0x88: {  	v14 =	vadd.f32 v14, v16;
	v32 =	vmul.f32 $8.000000000e+00, v13;
	v13 =	vand.u32 $0x1, v15  }
0x89: {  	v16 =	vadd.f32 v21, v20;
	v15 =	vmov s8;
	v20 =	vperm.xlane v13, v22  }
0x8a: {  	v23 =	vadd.f32 v31, v23;
	v15 =	vperm.xlane v13, v15;
	v22 =	vperm.xlane v13, v29  }
0x8b: {  	v41 =	vadd.f32 v36, v38;
	v29 =	vperm.xlane v13, v33;
	v34 =	vperm.xlane v13, v34  }
0x8c: {  	s25 =	simm.s32 $0x1C500;
	v61 =	vperm.xlane v13, v35;
	v31 =	vshll.u32 v15, $0x6;
	v15 =	vperm.xlane v13, v37  }
0x8d: {  	v54 =	vld [tilespmem:s25+$0xC0];
	v13 =	vperm.xlane v13, v60;
	v38 =	vshll.u32 v20, $0x6;
	v40 =	vshll.u32 v22, $0x6  }
0x8e: {  	v57 =	vld [tilespmem:s25+$0xFFFFFF00];
	[tilespmem:s14+$0xFFFFFFA0] =	vst v23;
	v36 =	vshll.u32 v29, $0x6;
	v37 =	vshll.u32 v34, $0x6;
	v34 =	vshll.u32 v61, $0x6  }
0x8f: {  	[tilespmem:s14+$0xFFFFFF20] =	vst v16;
	v23 =	vld.idx.msk [tilespmem:v25+s13+$0x0], $0xffff;
	v21 =	vor.u32 v63, v31;
	v62 =	vand.u32 $0xFFFFFF80, v31;
	v16 =	vor.u32 v63, v38  }
0x90: {  	s9 =	simm.s32 $0x780;
	[tilespmem:s14+$0xFFFFFE20] =	vst v17;
	v29 =	vld.idx.msk [tilespmem:v28+s13+$0x0], $0xffff;
	v28 =	vand.u32 $0xFFFFFF80, v40;
	v25 =	vor.u32 v63, v36;
	v6 =	vand.u32 $0xFFFFFF80, v36  }
0x91: {  	v49 =	vld [tilespmem:s25+$0xFFFFFF40];
	[tilespmem:s14+$0xFFFFFEA0] =	vst v14;
	v7 =	vor.u32 v63, v37;
	v17 =	vand.u32 $0x4F, v21;
	v42 =	vadd.s32 s9, v62  }
0x92: {  	v20 =	vld.idx.msk [tilespmem:v27+s13+$0x0], $0xffff;
	v8 =	vand.u32 $0xFFFFFF80, v37;
	v9 =	vor.u32 v63, v34;
	v14 =	vor.u32 v17, v42  }
0x93: {  	s12 =	simm.s32 $0x480;
	v45 =	vand.u32 $0xFFFFFF80, v34;
	v21 =	vld.idx.msk [tilespmem:v24+s13+$0x0], $0xffff;
	v24 =	vshll.u32 v15, $0x6;
	v27 =	vshll.u32 v13, $0x6  }
0x94: {  	s16 =	simm.s32 $0x500;
	v55 =	vld [tilespmem:s25+$0xFFFFFFC0];
	v15 =	vand.u32 $0xFFFFFF80, v38;
	v50 =	vand.u32 $0x4F, v16;
	v28 =	vadd.s32 s12, v28  }
0x95: {  	s17 =	simm.s32 $0x580;
	v58 =	vld [tilespmem:s25+$0x0];
	[tilespmem:s14+$0x20] =	vst v41;
	v60 =	vand.u32 $0x4F, v25;
	v25 =	vadd.s32 s16, v6;
	v61 =	vand.u32 $0x4F, v7  }
0x96: {  	s23 =	simm.s32 $0x600;
	v12 =	vld.idx.msk [tilespmem:v26+s13+$0x0], $0xffff;
	v16 =	vor.u32 v1, v31;
	v41 =	vadd.s32 s17, v8;
	v62 =	vand.u32 $0x4F, v9  }
0x97: {  	v45 =	vadd.s32 s23, v45;
	v9 =	vor.u32 v1, v38;
	v17 =	vor.u32 v63, v40;
	v46 =	vld.idx.msk [tilespmem:v14+s13+$0x0], $0xffff  }
0x98: {  	s10 =	simm.s32 $0x400;
	v33 =	vld [tilespmem:s20+$0x1C200];
	v47 =	vor.u32 v63, v24;
	v48 =	vand.u32 $0xFFFFFF80, v24;
	v10 =	vor.u32 v63, v27  }
0x99: {  	v35 =	vld [tilespmem:s31+$0xA0];
	v26 =	vadd.s32 s10, v15;
	v51 =	vand.u32 $0xFFFFFF80, v27;
	v63 =	vand.u32 $0x5F, v16  }
0x9a: {  	v22 =	vld [tilespmem:s31+$0xFFFFFF30];
	v53 =	vor.u32 v60, v25;
	v43 =	vor.u32 v62, v45;
	v60 =	vor.u32 v1, v36  }
0x9b: {  	v13 =	vld [tilespmem:s31+$0xFFFFFFB0];
	v62 =	vor.u32 v1, v34;
	v4 =	vor.u32 v1, v27;
	v50 =	vor.u32 v50, v26  }
0x9c: {  	v15 =	vld [tilespmem:s31+$0x30];
	v11 =	vand.u32 $0x4F, v17;
	v7 =	vor.u32 v63, v42;
	v6 =	vmul.f32 $8.000000000e+00, v46  }
0x9d: {  	v17 =	vld [tilespmem:s21+$0x1C200];
	v8 =	vand.u32 $0x4F, v10;
	v10 =	vor.u32 v1, v40;
	v52 =	vor.u32 v11, v28  }
0x9e: {  	v30 =	vadd.f32 v33, v30;
	v59 =	vand.u32 $0x5F, v10;
	v10 =	vld [tilespmem:s25+$0x80];
	v44 =	vadd.f32 v54, v6  }
0x9f: {  	s2 =	simm.s32 $0x680;
	s23 =	simm.s32 $0x10000;
	v32 =	vadd.f32 v35, v32;
	v47 =	vand.u32 $0x4F, v47;
	v43 =	vld.idx.msk [tilespmem:v43+s13+$0x0], $0xffff;
	v54 =	vor.u32 v61, v41  }
0xa0: {  	v39 =	vadd.s32 s2, v48;
	v60 =	vand.u32 $0x5F, v60;
	v62 =	vand.u32 $0x5F, v62;
	v50 =	vld.idx.msk [tilespmem:v50+s13+$0x0], $0xffff;
	[tilespmem:s23+$0x180] =	vst v44  }
0xa1: {  	s4 =	simm.s32 $0x3C0;
	v4 =	vand.u32 $0x5F, v4;
	v47 =	vor.u32 v47, v39;
	v11 =	vor.u32 v1, v24;
	v56 =	vld.idx.msk [tilespmem:v7+s13+$0x0], $0xffff  }
0xa2: {  	s3 =	simm.s32 $0x700;
	s6 =	sor.u32 $0x50, s4;
	v60 =	vor.u32 v60, v25;
	v62 =	vor.u32 v62, v45;
	v63 =	vand.u32 $0x5F, v11;
	v52 =	vld.idx.msk [tilespmem:v52+s13+$0x0], $0xffff  }
0xa3: {  	v59 =	vor.u32 v59, v28;
	v11 =	vor.u32 v2, v24;
	v46 =	vadd.s32 s3, v51;
	v5 =	vld [tilespmem:s6+$0x1C200]  }
0xa4: {  	v24 =	vor.u32 v3, v24;
	v63 =	vor.u32 v63, v39;
	v48 =	vor.u32 v8, v46;
	v54 =	vld.idx.msk [tilespmem:v54+s13+$0x0], $0xffff  }
0xa5: {  	v53 =	vld.idx.msk [tilespmem:v53+s13+$0x0], $0xffff;
	v50 =	vmul.f32 $8.000000000e+00, v50;
	v44 =	vand.u32 $0x5F, v9;
	v7 =	vor.u32 v2, v31  }
0xa6: {  	v47 =	vld.idx.msk [tilespmem:v47+s13+$0x0], $0xffff;
	v44 =	vor.u32 v44, v26;
	v7 =	vand.u32 $0x6F, v7;
	v56 =	vmul.f32 $8.000000000e+00, v56  }
0xa7: {  	v51 =	vld [tilespmem:s25+$0xFFFFFF80];
	v52 =	vmul.f32 $8.000000000e+00, v52;
	v50 =	vadd.f32 v57, v50;
	v7 =	vor.u32 v7, v42  }
0xa8: {  	v14 =	vld [tilespmem:s31+$0xFFFFFF70];
	v43 =	vmul.f32 $8.000000000e+00, v43;
	v61 =	vor.u32 v1, v37;
	v5 =	vadd.f32 v5, v56  }
0xa9: {  	v6 =	vld [tilespmem:s25+$0x40];
	v61 =	vand.u32 $0x5F, v61;
	v49 =	vadd.f32 v49, v52;
	[tilespmem:s23+$0xFFFFFE00] =	vst v50;
	v50 =	vmul.f32 $8.000000000e+00, v54  }
0xaa: {  	v8 =	vor.u32 v2, v40;
	v61 =	vor.u32 v61, v41;
	v48 =	vld.idx.msk [tilespmem:v48+s13+$0x0], $0xffff;
	[tilespmem:s23+$0x190] =	vst v5;
	v5 =	vmul.f32 $8.000000000e+00, v53  }
0xab: {  	v4 =	vor.u32 v4, v46;
	v8 =	vand.u32 $0x6F, v8;
	[tilespmem:s23+$0xFFFFFE80] =	vst v49;
	v44 =	vld.idx.msk [tilespmem:v44+s13+$0x0], $0xffff;
	v49 =	vadd.f32 v55, v50  }
0xac: {  	s9 =	sor.u32 $0x60, s4;
	v47 =	vmul.f32 $8.000000000e+00, v47;
	v57 =	vor.u32 v2, v37;
	v7 =	vld.idx.msk [tilespmem:v7+s13+$0x0], $0xffff;
	v5 =	vadd.f32 v51, v5  }
0xad: {  	v8 =	vor.u32 v8, v28;
	v37 =	vor.u32 v3, v37;
	v9 =	vor.u32 v2, v36;
	v50 =	vld [tilespmem:s9+$0x1C200];
	[tilespmem:s23+$0xFFFFFF80] =	vst v49  }
0xae: {  	v0 =	vlaneseq.u32;
	v52 =	vor.u32 v2, v27;
	v51 =	vld.idx.msk [tilespmem:v59+s13+$0x0], $0xffff;
	[tilespmem:s23+$0xFFFFFF00] =	vst v5;
	v5 =	vadd.f32 v58, v43  }
0xaf: {  	v31 =	vor.u32 v3, v31;
	v6 =	vadd.f32 v6, v47;
	v56 =	vor.u32 v2, v38;
	v47 =	vld.idx.msk [tilespmem:v61+s13+$0x0], $0xffff  }
0xb0: {  	v31 =	vand.u32 $0x7F, v31;
	v54 =	vand.u32 $0x6F, v56;
	v55 =	vmul.f32 $8.000000000e+00, v48;
	v56 =	vld.idx.msk [tilespmem:v60+s13+$0x0], $0xffff;
	[tilespmem:s23+$0x0] =	vst v5  }
0xb1: {  	v35 =	vmul.f32 $8.000000000e+00, v23;
	v36 =	vor.u32 v3, v36;
	[tilespmem:s23+$0x80] =	vst v6;
	v58 =	vor.u32 v31, v42;
	v42 =	vld.idx.msk [tilespmem:v62+s13+$0x0], $0xffff  }
0xb2: {  	v53 =	vor.u32 v2, v34;
	v5 =	vadd.f32 v10, v55;
	v7 =	vmul.f32 $8.000000000e+00, v7;
	v62 =	vld.idx.msk [tilespmem:v63+s13+$0x0], $0xffff  }
0xb3: {  	v27 =	vor.u32 v3, v27;
	v9 =	vand.u32 $0x6F, v9;
	v59 =	vand.u32 $0x6F, v53;
	v63 =	vld [tilespmem:s25+$0xFFFFFF10]  }
0xb4: {  	v9 =	vor.u32 v9, v25;
	v53 =	vor.u32 v59, v45;
	v59 =	vld [tilespmem:s25+$0xFFFFFF90];
	[tilespmem:s23+$0x100] =	vst v5;
	v7 =	vadd.f32 v50, v7  }
0xb5: {  	v34 =	vor.u32 v3, v34;
	v49 =	vor.u32 v54, v26;
	v61 =	vmul.f32 $8.000000000e+00, v44;
	v4 =	vld.idx.msk [tilespmem:v4+s13+$0x0], $0xffff  }
0xb6: {  	s16 =	simm.s32 $0x340;
	v31 =	vand.u32 $0x6F, v57;
	v5 =	vand.u32 $0x6F, v52;
	[tilespmem:s23+$0x1A0] =	vst v7;
	v55 =	vmul.f32 $8.000000000e+00, v56;
	v56 =	vld [tilespmem:s25+$0xFFFFFF50]  }
0xb7: {  	s17 =	sor.u32 $0x50, s16;
	v54 =	vand.u32 $0x7F, v36;
	v52 =	vor.u32 v31, v41;
	v31 =	vor.u32 v5, v46;
	v5 =	vld.idx.msk [tilespmem:v58+s13+$0x0], $0xffff  }
0xb8: {  	s0 =	sor.u32 $0x70, s4;
	s10 =	simm.s32 $0x2C0;
	v57 =	vor.u32 v3, v38;
	v60 =	vand.u32 $0x6F, v11;
	v11 =	vadd.f32 v63, v61;
	v63 =	vld [tilespmem:s17+$0x1C200]  }
0xb9: {  	s12 =	sor.u32 $0x50, s10;
	[tilespmem:s14+$0xA0] =	vst v30;
	v30 =	vand.u32 $0x7F, v57;
	v6 =	vor.u32 v60, v39;
	v51 =	vmul.f32 $8.000000000e+00, v51;
	v60 =	vld [tilespmem:s0+$0x1C200]  }
0xba: {  	v47 =	vmul.f32 $8.000000000e+00, v47;
	v58 =	vor.u32 v3, v40;
	v40 =	vmul.f32 $8.000000000e+00, v42;
	v61 =	vld [tilespmem:s12+$0x1C200]  }
0xbb: {  	[tilespmem:s14+$0x120] =	vst v32;
	v33 =	vld [tilespmem:s25+$0x10];
	v44 =	vmul.f32 $8.000000000e+00, v62;
	v62 =	vand.u32 $0x7F, v58;
	v7 =	vadd.f32 v59, v55  }
0xbc: {  	v55 =	vand.u32 $0x7F, v37;
	[tilespmem:s23+$0xFFFFFE10] =	vst v11;
	v10 =	vadd.f32 v56, v51;
	v56 =	vld [tilespmem:s25+$0x90];
	v5 =	vmul.f32 $8.000000000e+00, v5  }
0xbd: {  	v58 =	vand.u32 $0x7F, v34;
	v59 =	vand.u32 $0x7F, v24;
	[tilespmem:s23+$0xFFFFFF10] =	vst v7;
	v57 =	vld.idx.msk [tilespmem:v49+s13+$0x0], $0xffff;
	v63 =	vadd.f32 v63, v44  }
0xbe: {  	p4 =	por $0x1, $0x1;
	v24 =	vor.u32 v30, v26;
	v37 =	vmul.f32 $8.000000000e+00, v20;
	v42 =	vld.idx.msk [tilespmem:v9+s13+$0x0], $0xffff;
	[tilespmem:s23+$0xFFFFFE90] =	vst v10;
	v5 =	vadd.f32 v60, v5  }
.Ltmp4:
0xbf: {  	v26 =	vor.u32 v58, v45;
	v4 =	vmul.f32 $8.000000000e+00, v4;
	v49 =	vld [tilespmem:s25+$0xFFFFFF20];
	v60 =	vadd.f32 v61, v47;
	[tilespmem:s23+$0x90] =	vst v63;
	(pc) =	sbr.rel @!p4 .LBB2_7-.Ltmp4, $4  }
0xc0: {  	v43 =	vld.idx.msk [tilespmem:v8+s13+$0x0], $0xffff;
	v61 =	vand.u32 $0x7F, v27;
	v27 =	vor.u32 v62, v28;
	v62 =	vadd.f32 v33, v40;
	[tilespmem:s23+$0x1B0] =	vst v5  }
0xc1: {  	v28 =	vor.u32 v54, v25;
	v5 =	vmul.f32 $8.000000000e+00, v21;
	[tilespmem:s23+$0xFFFFFF90] =	vst v60;
	v4 =	vadd.f32 v56, v4;
	v30 =	vld.idx.msk [tilespmem:v6+s13+$0x0], $0xffff  }
0xc2: {  	p3 =	por $0x1, $0x1;
	s1 =	sor.u32 $0x70, s10;
	s6 =	sor.u32 $0x70, s16;
	v34 =	vmul.f32 $8.000000000e+00, v29;
	v25 =	vor.u32 v55, v41;
	v20 =	vor.u32 v61, v46;
	[tilespmem:s23+$0x10] =	vst v62;
	v44 =	vld.idx.msk [tilespmem:v52+s13+$0x0], $0xffff  }
0xc3: {  	s9 =	sor.u32 $0x60, s16;
	s0 =	simm.s32 $0x17;
	s12 =	sor.u32 $0x60, s10;
	v21 =	vor.u32 v59, v39;
	v39 =	vmul.f32 $8.000000000e+00, v57;
	v38 =	vld.idx.msk [tilespmem:v53+s13+$0x0], $0xffff;
	[tilespmem:s23+$0x110] =	vst v4;
	v33 =	vadd.f32 v22, v5  }
0xc4: {  	v4 =	vld [tilespmem:$0x1FFF0];
	_ =	sdelay $0x3  }
0xc5: {  	[dreg:$0xb] =	wrdreg s15  }
0xc6: {  	[dreg:$0xa] =	wrdreg s11  }
0xc7: {  	[dreg:$0x9] =	wrdreg s7;
	s2 =	simm.s32 $0x10  }
0xc8: {  	s11 =	smov.u32 s26;
	s8 =	smov.u32 s24;
	s3 =	sand.u32 $0xF0, s2;
	v7 =	vld [tilespmem:s25+$0xFFFFFF60]  }
0xc9: {  	s24 =	simm.s32 $0x11;
	s26 =	simm.s32 $0x12;
	s4 =	simm.s32 $0x13;
	v4 =	vld.idx.msk [tilespmem:v4+s3+$0x0 ss:$0x1], $0xffff  }
0xca: {  	v5 =	vmov s0;
	v22 =	vmul.f32 $8.000000000e+00, v12;
	s16 =	simm.s32 $0x15;
	s17 =	simm.s32 $0x16;
	s2 =	sand.u32 $0x8, s2;
	v29 =	vld [tilespmem:s12+$0x1C200]  }
0xcb: {  	v10 =	vmul.f32 $8.000000000e+00, v42;
	v6 =	vmul.f32 $8.000000000e+00, v43;
	s0 =	sand.u32 $0x9, s24;
	s5 =	sand.u32 $0xA, s26;
	s7 =	sand.u32 $0xB, s4;
	v40 =	vld [tilespmem:s25+$0x20];
	v62 =	vmov s2  }
0xcc: {  	s16 =	sand.u32 $0xD, s16;
	s19 =	sand.u32 $0xE, s17;
	v47 =	vld [tilespmem:s9+$0x1C200];
	v32 =	vmov s0;
	v36 =	vmov s5;
	v63 =	vmov s7  }
0xcd: {  	v12 =	vmovc v13;
	v41 =	vmov s16;
	v48 =	vmov s19;
	v13 =	vmul.f32 $8.000000000e+00, v44  }
0xce: {  	v30 =	vmul.f32 $8.000000000e+00, v30;
	v52 =	vmul.f32 $8.000000000e+00, v38;
	v4 =	vand.u32 $0x1, v4  }
0xcf: {  	v6 =	vadd.f32 v7, v6;
	v13 =	vadd.f32 v29, v13;
	v5 =	vperm.xlane v4, v5  }
0xd0: {  	s10 =	simm.s32 $0x14;
	v7 =	vadd.f32 v40, v52;
	v53 =	vperm.xlane v4, v32;
	v54 =	vperm.xlane v4, v36  }
0xd1: {  	v11 =	vld [tilespmem:s25+$0xFFFFFFA0];
	s15 =	sand.u32 $0xC, s10;
	v30 =	vadd.f32 v47, v30;
	v55 =	vperm.xlane v4, v63;
	v56 =	vperm.xlane v4, v41  }
0xd2: {  	v50 =	vshll.u32 v5, $0x6;
	v5 =	vadd.f32 v49, v39;
	v49 =	vld.idx.msk [tilespmem:v31+s13+$0x0], $0xffff;
	v31 =	vmov s15  }
0xd3: {  	v44 =	vshll.u32 v53, $0x6;
	v29 =	vshll.u32 v54, $0x6;
	v32 =	vshll.u32 v55, $0x6  }
0xd4: {  	v42 =	vshll.u32 v56, $0x6;
	v8 =	vor.u32 v0, v50;
	v9 =	vand.u32 $0xFFFFFF80, v50  }
0xd5: {  	v23 =	vld [tilespmem:s25+$0xA0];
	[tilespmem:s23+$0x20] =	vst v7;
	v31 =	vperm.xlane v4, v31;
	v58 =	vor.u32 v1, v50;
	v61 =	vor.u32 v0, v44  }
0xd6: {  	s29 =	simm.s32 $0xB80;
	s16 =	simm.s32 $0x1C700;
	[tilespmem:s23+$0xFFFFFFA0] =	vst v13;
	v13 =	vmovc v17;
	v17 =	vld.idx.msk [tilespmem:v26+s13+$0x0], $0xffff;
	v26 =	vand.u32 $0xFFFFFF80, v32;
	v53 =	vand.u32 $0xFFFFFF80, v42;
	v8 =	vand.u32 $0x4F, v8  }
0xd7: {  	v57 =	vld [tilespmem:s16+$0xC0];
	v51 =	vadd.s32 s29, v9;
	v9 =	vperm.xlane v4, v62;
	[tilespmem:s23+$0xFFFFFE20] =	vst v5;
	v5 =	vadd.f32 v11, v10  }
0xd8: {  	s5 =	simm.s32 $0x980;
	v52 =	vld [tilespmem:s16+$0xFFFFFF00];
	[tilespmem:s23+$0xFFFFFEA0] =	vst v6;
	v4 =	vperm.xlane v4, v48;
	v10 =	vand.u32 $0xFFFFFF80, v44;
	v62 =	vor.u32 v0, v32  }
0xd9: {  	s26 =	simm.s32 $0x880;
	v38 =	vld.idx.msk [tilespmem:v27+s13+$0x0], $0xffff;
	v48 =	vadd.s32 s5, v26;
	v8 =	vor.u32 v8, v51;
	v43 =	vshll.u32 v31, $0x6  }
0xda: {  	v36 =	vld.idx.msk [tilespmem:v24+s13+$0x0], $0xffff;
	v27 =	vadd.s32 s26, v10;
	v6 =	vand.u32 $0x4F, v62;
	v24 =	vshll.u32 v9, $0x6  }
0xdb: {  	v7 =	vld [tilespmem:s16+$0xFFFFFF40];
	v9 =	vand.u32 $0x5F, v58;
	v31 =	vshll.u32 v4, $0x6;
	v45 =	vor.u32 v0, v43  }
0xdc: {  	v40 =	vld.idx.msk [tilespmem:v25+s13+$0x0], $0xffff;
	v46 =	vand.u32 $0xFFFFFF80, v43;
	v58 =	vor.u32 v2, v50;
	v6 =	vor.u32 v6, v48  }
0xdd: {  	v16 =	vld [tilespmem:s25+$0xFFFFFF70];
	[tilespmem:s23+$0xFFFFFF20] =	vst v5;
	v5 =	vor.u32 v0, v24;
	v59 =	vor.u32 v9, v51;
	v60 =	vand.u32 $0xFFFFFF80, v24  }
0xde: {  	v54 =	vor.u32 v0, v31;
	v9 =	vand.u32 $0x4F, v61;
	v56 =	vand.u32 $0xFFFFFF80, v31;
	v8 =	vld.idx.msk [tilespmem:v8+s13+$0x0], $0xffff  }
0xdf: {  	s24 =	simm.s32 $0x800;
	v47 =	vld [tilespmem:s25+$0x30];
	v26 =	vand.u32 $0x6F, v58;
	v58 =	vand.u32 $0x4F, v45;
	v5 =	vand.u32 $0x4F, v5  }
0xe0: {  	s10 =	simm.s32 $0xB00;
	v41 =	vld.idx.msk [tilespmem:v28+s13+$0x0], $0xffff;
	v28 =	vadd.s32 s24, v60;
	v9 =	vor.u32 v9, v27;
	v60 =	vor.u32 v26, v51  }
0xe1: {  	s9 =	simm.s32 $0xA80;
	s7 =	simm.s32 $0xA00;
	v39 =	vld [tilespmem:s25+$0xFFFFFF30];
	v63 =	vand.u32 $0x4F, v54;
	v45 =	vadd.s32 s10, v56;
	v5 =	vor.u32 v5, v28  }
0xe2: {  	v10 =	vld [tilespmem:s16+$0xFFFFFF80];
	v26 =	vadd.s32 s7, v46;
	v46 =	vadd.s32 s9, v53;
	v53 =	vor.u32 v63, v45  }
0xe3: {  	v11 =	vor.u32 v0, v29;
	v61 =	vld [tilespmem:s16+$0x40];
	v4 =	vmul.f32 $8.000000000e+00, v8  }
0xe4: {  	v14 =	vadd.f32 v14, v37;
	v25 =	vand.u32 $0xFFFFFF80, v29;
	s29 =	simm.s32 $0x900;
	v11 =	vand.u32 $0x4F, v11;
	v6 =	vld.idx.msk [tilespmem:v6+s13+$0x0], $0xffff  }
0xe5: {  	v25 =	vadd.s32 s29, v25;
	v50 =	vor.u32 v3, v50;
	v9 =	vld.idx.msk [tilespmem:v9+s13+$0x0], $0xffff;
	v4 =	vadd.f32 v57, v4  }
0xe6: {  	s2 =	simm.s32 $0x10400;
	v11 =	vor.u32 v11, v25;
	v62 =	vor.u32 v1, v24;
	v37 =	vand.u32 $0x7F, v50;
	v5 =	vld.idx.msk [tilespmem:v5+s13+$0x0], $0xffff  }
0xe7: {  	v56 =	vand.u32 $0x5F, v62;
	v54 =	vor.u32 v58, v26;
	v58 =	vor.u32 v1, v44;
	v50 =	vld.idx.msk [tilespmem:v53+s13+$0x0], $0xffff;
	[tilespmem:s2+$0x180] =	vst v4  }
0xe8: {  	s17 =	simm.s32 $0x5C0;
	v56 =	vor.u32 v56, v28;
	v58 =	vand.u32 $0x5F, v58;
	v8 =	vld.idx.msk [tilespmem:v59+s13+$0x0], $0xffff  }
0xe9: {  	s4 =	sor.u32 $0x50, s17;
	v58 =	vor.u32 v58, v27;
	v53 =	vor.u32 v1, v32;
	v6 =	vmul.f32 $8.000000000e+00, v6;
	v57 =	vld [tilespmem:s16+$0xFFFFFFC0]  }
0xea: {  	v9 =	vmul.f32 $8.000000000e+00, v9;
	v4 =	vor.u32 v0, v42;
	v0 =	vadd.f32 v12, v34;
	v55 =	vld [tilespmem:s4+$0x1C200]  }
0xeb: {  	v11 =	vld.idx.msk [tilespmem:v11+s13+$0x0], $0xffff;
	v5 =	vmul.f32 $8.000000000e+00, v5;
	v12 =	vadd.f32 v13, v35;
	v13 =	vadd.f32 v15, v22  }
0xec: {  	v54 =	vld.idx.msk [tilespmem:v54+s13+$0x0], $0xffff;
	v22 =	vmul.f32 $8.000000000e+00, v49;
	v4 =	vand.u32 $0x4F, v4;
	v7 =	vadd.f32 v7, v9  }
0xed: {  	v59 =	vld [tilespmem:s16+$0x0];
	v4 =	vor.u32 v4, v46;
	v5 =	vadd.f32 v52, v5;
	v8 =	vmul.f32 $8.000000000e+00, v8  }
0xee: {  	[tilespmem:s2+$0xFFFFFE80] =	vst v7;
	v6 =	vadd.f32 v57, v6;
	v57 =	vadd.f32 v23, v22;
	v22 =	vld.idx.msk [tilespmem:v19+s13+$0x0], $0xffff  }
0xef: {  	[tilespmem:s14+$0xFFFFFEB0] =	vst v14;
	v7 =	vand.u32 $0x5F, v53;
	v53 =	vld.idx.msk [tilespmem:v58+s13+$0x0], $0xffff;
	v8 =	vadd.f32 v55, v8  }
0xf0: {  	[tilespmem:s2+$0xFFFFFE00] =	vst v5;
	v62 =	vld [tilespmem:s16+$0xFFFFFF50]  }
0xf1: {  	v14 =	vor.u32 v3, v24;
	v11 =	vmul.f32 $8.000000000e+00, v11;
	v56 =	vld.idx.msk [tilespmem:v56+s13+$0x0], $0xffff;
	[tilespmem:s2+$0x190] =	vst v8  }
0xf2: {  	v15 =	vand.u32 $0x7F, v14;
	v9 =	vor.u32 v37, v51;
	v7 =	vor.u32 v7, v48;
	v60 =	vld.idx.msk [tilespmem:v60+s13+$0x0], $0xffff  }
0xf3: {  	s12 =	sor.u32 $0x60, s17;
	v5 =	vadd.f32 v10, v11;
	v58 =	vmul.f32 $8.000000000e+00, v54;
	v4 =	vld.idx.msk [tilespmem:v4+s13+$0x0], $0xffff;
	v8 =	vor.u32 v1, v29  }
0xf4: {  	[tilespmem:s14+$0xFFFFFFB0] =	vst v12;
	v12 =	vor.u32 v2, v32;
	v32 =	vor.u32 v3, v32;
	v8 =	vand.u32 $0x5F, v8;
	v63 =	vld [tilespmem:s12+$0x1C200]  }
0xf5: {  	v19 =	vor.u32 v1, v31;
	[tilespmem:s2+$0xFFFFFF00] =	vst v5;
	v35 =	vadd.f32 v59, v58;
	v55 =	vld [tilespmem:s16+$0x80];
	v8 =	vor.u32 v8, v25  }
0xf6: {  	[tilespmem:s2+$0xFFFFFF80] =	vst v6;
	v54 =	vld [tilespmem:s16+$0xFFFFFF90];
	v11 =	vmul.f32 $8.000000000e+00, v53;
	v34 =	vmul.f32 $8.000000000e+00, v56;
	v56 =	vor.u32 v1, v42  }
0xf7: {  	v10 =	vmul.f32 $8.000000000e+00, v50;
	[tilespmem:s2+$0x0] =	vst v35;
	v7 =	vld.idx.msk [tilespmem:v7+s13+$0x0], $0xffff;
	v23 =	vand.u32 $0x5F, v56;
	v51 =	vmul.f32 $8.000000000e+00, v60  }
0xf8: {  	v11 =	vadd.f32 v62, v11;
	v62 =	vld [tilespmem:s16+$0x10];
	v4 =	vmul.f32 $8.000000000e+00, v4;
	v60 =	vor.u32 v1, v43  }
0xf9: {  	v59 =	vor.u32 v23, v46;
	v23 =	vld.idx.msk [tilespmem:v18+s13+$0x0], $0xffff;
	v37 =	vand.u32 $0x5F, v60;
	v5 =	vadd.f32 v63, v51  }
0xfa: {  	s19 =	simm.s32 $0x4C0;
	v32 =	vand.u32 $0x7F, v32;
	v10 =	vadd.f32 v55, v10;
	v8 =	vld.idx.msk [tilespmem:v8+s13+$0x0], $0xffff;
	v63 =	vor.u32 v37, v26  }
0xfb: {  	s24 =	sor.u32 $0x50, s19;
	v19 =	vand.u32 $0x5F, v19;
	v4 =	vadd.f32 v61, v4;
	v61 =	vor.u32 v2, v24;
	[tilespmem:s2+$0x1A0] =	vst v5;
	v5 =	vld [tilespmem:s16+$0xFFFFFF10]  }
0xfc: {  	v35 =	vmul.f32 $8.000000000e+00, v40;
	v18 =	vor.u32 v19, v45;
	v19 =	vand.u32 $0x6F, v61;
	[tilespmem:s2+$0x100] =	vst v10;
	v60 =	vld [tilespmem:s24+$0x1C200]  }
0xfd: {  	v7 =	vmul.f32 $8.000000000e+00, v7;
	v24 =	vor.u32 v15, v28;
	v15 =	vld [tilespmem:s25+$0xFFFFFFB0];
	[tilespmem:s2+$0x80] =	vst v4;
	v4 =	vor.u32 v19, v28  }
0xfe: {  	v19 =	vor.u32 v2, v44;
	v28 =	vor.u32 v2, v29;
	v29 =	vor.u32 v3, v29;
	v56 =	vld [tilespmem:s16+$0x90]  }
0xff: {  	[tilespmem:s14+$0xFFFFFF30] =	vst v0;
	v61 =	vor.u32 v3, v31;
	v0 =	vand.u32 $0x6F, v19;
	v29 =	vand.u32 $0x7F, v29;
	v6 =	vld.idx.msk [tilespmem:v63+s13+$0x0], $0xffff  }
0x100: {  	s26 =	simm.s32 $0x540;
	v8 =	vmul.f32 $8.000000000e+00, v8;
	v63 =	vor.u32 v3, v44;
	v5 =	vadd.f32 v5, v34;
	v34 =	vld.idx.msk [tilespmem:v59+s13+$0x0], $0xffff  }
0x101: {  	s29 =	sor.u32 $0x50, s26;
	v37 =	vor.u32 v0, v27;
	v9 =	vld.idx.msk [tilespmem:v9+s13+$0x0], $0xffff;
	v7 =	vadd.f32 v60, v7;
	v19 =	vand.u32 $0x7F, v63  }
0x102: {  	[tilespmem:s14+$0xFFFFFE30] =	vst v33;
	s15 =	sor.u32 $0x70, s17;
	v8 =	vadd.f32 v54, v8;
	v54 =	vand.u32 $0x6F, v28;
	v27 =	vor.u32 v19, v27;
	v19 =	vld [tilespmem:s29+$0x1C200]  }
0x103: {  	[tilespmem:s23+$0xA0] =	vst v30;
	v58 =	vld [tilespmem:s15+$0x1C200];
	v28 =	vand.u32 $0x6F, v12;
	v63 =	vmul.f32 $8.000000000e+00, v36;
	v10 =	vor.u32 v54, v25  }
0x104: {  	v18 =	vld.idx.msk [tilespmem:v18+s13+$0x0], $0xffff;
	v55 =	vor.u32 v28, v48;
	v28 =	vor.u32 v29, v25;
	v25 =	vor.u32 v32, v48  }
0x105: {  	v51 =	vld [tilespmem:s1+$0x1C200];
	v59 =	vor.u32 v2, v31;
	[tilespmem:s2+$0xFFFFFE10] =	vst v5;
	v5 =	vor.u32 v2, v43;
	v30 =	vmul.f32 $8.000000000e+00, v34  }
0x106: {  	[tilespmem:s14+$0x30] =	vst v13;
	v29 =	vld [tilespmem:s28+$0x1C200];
	v9 =	vmul.f32 $8.000000000e+00, v9;
	v6 =	vmul.f32 $8.000000000e+00, v6;
	v5 =	vand.u32 $0x6F, v5  }
0x107: {  	[tilespmem:s23+$0x120] =	vst v57;
	v32 =	vld [tilespmem:s31+$0xB0];
	v5 =	vor.u32 v5, v26;
	v30 =	vadd.f32 v19, v30;
	v19 =	vor.u32 v2, v42  }
0x108: {  	[tilespmem:s2+$0xFFFFFE90] =	vst v11;
	v60 =	vand.u32 $0x6F, v59;
	v9 =	vadd.f32 v58, v9;
	v4 =	vld.idx.msk [tilespmem:v4+s13+$0x0], $0xffff;
	v57 =	vand.u32 $0x6F, v19  }
0x109: {  	p5 =	por $0x1, $0x1;
	[tilespmem:s2+$0xFFFFFF90] =	vst v7;
	v58 =	vmul.f32 $8.000000000e+00, v18;
	v49 =	vld [tilespmem:s16+$0xFFFFFF20];
	v6 =	vadd.f32 v62, v6;
	v11 =	vor.u32 v57, v46  }
.Ltmp5:
0x10a: {  	[tilespmem:s2+$0xFFFFFF10] =	vst v8;
	v33 =	vadd.f32 v39, v63;
	v63 =	vlaneseq.u32;
	v44 =	vld.idx.msk [tilespmem:v55+s13+$0x0], $0xffff;
	v19 =	vor.u32 v3, v43;
	(pc) =	sbr.rel @!p5 .LBB2_9-.Ltmp5, $4  }
0x10b: {  	v31 =	vor.u32 v60, v45;
	v8 =	vadd.f32 v56, v58;
	[tilespmem:s2+$0x10] =	vst v6;
	v43 =	vld.idx.msk [tilespmem:v37+s13+$0x0], $0xffff;
	v18 =	vand.u32 $0x7F, v19  }
0x10c: {  	p4 =	por $0x1, $0x1;
	[tilespmem:s2+$0x1B0] =	vst v9;
	v37 =	vmul.f32 $8.000000000e+00, v38;
	v38 =	vld.idx.msk [tilespmem:v5+s13+$0x0], $0xffff;
	v26 =	vor.u32 v18, v26;
	v18 =	vor.u32 v3, v42  }
0x10d: {  	s3 =	simm.s32 $0x1C700;
	s0 =	sor.u32 $0x70, s26;
	s9 =	sor.u32 $0x60, s26;
	v62 =	vand.u32 $0x7F, v61;
	v34 =	vmul.f32 $8.000000000e+00, v41;
	[tilespmem:s2+$0x90] =	vst v30;
	v42 =	vld.idx.msk [tilespmem:v10+s13+$0x0], $0xffff;
	v18 =	vand.u32 $0x7F, v18  }
0x10e: {  	s26 =	simm.s32 $0x1F;
	s12 =	sor.u32 $0x60, s19;
	s1 =	sor.u32 $0x70, s19;
	[tilespmem:s2+$0x110] =	vst v8;
	v39 =	vmul.f32 $8.000000000e+00, v4;
	v19 =	vor.u32 v18, v46;
	v18 =	vor.u32 v62, v45;
	v30 =	vld.idx.msk [tilespmem:v11+s13+$0x0], $0xffff  }
.LBB2_10:
0x10f: {  	v0 =	vld [tilespmem:$0x1FFF0];
	_ =	sdelay $0x3  }
0x110: {  	s10 =	sadd.s32 $0xFFFFFFF9, s26;
	s4 =	sadd.s32 $0xFFFFFFFA, s26;
	v9 =	vld [tilespmem:s16+$0xFFFFFF60]  }
0x111: {  	s15 =	sadd.s32 $0xFFFFFFFB, s26;
	v4 =	vmul.f32 $8.000000000e+00, v43;
	v5 =	vld.idx.msk [tilespmem:v31+s13+$0x0], $0xffff;
	v7 =	vmul.f32 $8.000000000e+00, v17;
	s29 =	sadd.s32 $0xFFFFFFFC, s26;
	s19 =	sadd.s32 $0xFFFFFFFD, s26;
	v6 =	vadd.f32 v16, v37  }
0x112: {  	v11 =	vmul.f32 $8.000000000e+00, v22;
	s7 =	sadd.s32 $0xFFFFFFFF, s26;
	v60 =	vld [tilespmem:s16+$0xFFFFFFA0];
	s24 =	sand.u32 $0xF0, s10;
	s5 =	sand.u32 $0x8, s10;
	v59 =	vadd.f32 v15, v34;
	v14 =	vadd.f32 v51, v35  }
0x113: {  	[tilespmem:s23+$0xFFFFFE30] =	vst v33;
	v15 =	vmul.f32 $8.000000000e+00, v23;
	s4 =	sand.u32 $0x9, s4;
	s15 =	sand.u32 $0xA, s15;
	s29 =	sand.u32 $0xB, s29;
	v37 =	vld [tilespmem:s9+$0x1C200];
	v17 =	vmov s5;
	v7 =	vadd.f32 v47, v7  }
0x114: {  	s19 =	sand.u32 $0xC, s19;
	s7 =	sand.u32 $0xE, s7;
	v16 =	vmov s4;
	v23 =	vmov s15;
	v31 =	vmov s29;
	v13 =	vld.idx.msk [tilespmem:v0+s24+$0x0 ss:$0x1], $0xffff  }
0x115: {  	v45 =	vld [tilespmem:s16+$0x20];
	v62 =	vmov s19;
	v41 =	vmov s7;
	v4 =	vadd.f32 v9, v4  }
0x116: {  	[tilespmem:s23+$0xFFFFFEB0] =	vst v6;
	v8 =	vadd.f32 v49, v39;
	v10 =	vmul.f32 $8.000000000e+00, v42;
	v22 =	vmul.f32 $8.000000000e+00, v44  }
0x117: {  	v61 =	vld [tilespmem:s12+$0x1C200];
	v47 =	vadd.f32 v32, v15;
	v46 =	vmul.f32 $8.000000000e+00, v38;
	v38 =	vmul.f32 $8.000000000e+00, v30;
	[tilespmem:s2+$0xFFFFFEA0] =	vst v4  }
0x118: {  	v40 =	vmul.f32 $8.000000000e+00, v5;
	v5 =	vadd.f32 v29, v11;
	v4 =	vadd.f32 v60, v10;
	[tilespmem:s2+$0xFFFFFE20] =	vst v8;
	v0 =	vld.idx.msk [tilespmem:v27+s13+$0x0], $0xffff  }
0x119: {  	[tilespmem:s23+$0xFFFFFF30] =	vst v59;
	v37 =	vadd.f32 v37, v38;
	s24 =	sadd.s32 $0xFFFFFFFE, s26;
	v34 =	vld.idx.msk [tilespmem:v24+s13+$0x0], $0xffff;
	v48 =	vand.u32 $0x1, v13;
	v13 =	vmov s26  }
0x11a: {  	s29 =	sand.u32 $0xD, s24;
	[tilespmem:s2+$0xFFFFFF20] =	vst v4;
	v4 =	vadd.f32 v45, v46;
	v49 =	vperm.xlane v48, v17;
	v50 =	vperm.xlane v48, v13  }
0x11b: {  	[tilespmem:s23+$0xFFFFFFB0] =	vst v14;
	v36 =	vmov s29;
	v35 =	vld.idx.msk [tilespmem:v28+s13+$0x0], $0xffff;
	v14 =	vperm.xlane v48, v16;
	v15 =	vperm.xlane v48, v23  }
0x11c: {  	v39 =	vld [tilespmem:s16+$0xA0];
	[tilespmem:s2+$0x20] =	vst v4;
	v13 =	vadd.f32 v61, v22;
	v51 =	vperm.xlane v48, v31;
	v16 =	vperm.xlane v48, v62  }
0x11d: {  	[tilespmem:$0x1FF50] =	vst v0;
	v0 =	vld [tilespmem:s16+$0xFFFFFF30];
	v52 =	vperm.xlane v48, v36;
	v4 =	vperm.xlane v48, v41;
	v31 =	vshll.u32 v50, $0x6  }
0x11e: {  	v33 =	vmovc v19;
	v22 =	vld.idx.msk [tilespmem:v21+s13+$0x0], $0xffff;
	v27 =	vshll.u32 v15, $0x6;
	v41 =	vshll.u32 v51, $0x6;
	v19 =	vshll.u32 v16, $0x6  }
0x11f: {  	s15 =	sshll.u32 s10, $0x7;
	v30 =	vmovc v18;
	v23 =	vld.idx.msk [tilespmem:v20+s13+$0x0], $0xffff;
	[tilespmem:s2+$0xFFFFFFA0] =	vst v13;
	v18 =	vshll.u32 v52, $0x6;
	v24 =	vshll.u32 v4, $0x6;
	v13 =	vor.u32 v63, v31  }
0x120: {  	s4 =	sadd.s32 $0x380, s15;
	[tilespmem:s14+$0xB0] =	vst v5;
	v17 =	vand.u32 $0xFFFFFF80, v31;
	v36 =	vld.idx.msk [tilespmem:v25+s13+$0x0], $0xffff;
	v25 =	vshll.u32 v49, $0x6;
	v59 =	vor.u32 v63, v27  }
0x121: {  	[tilespmem:s14+$0x130] =	vst v47;
	v29 =	vld [tilespmem:s6+$0x1C200];
	v60 =	vand.u32 $0xFFFFFF80, v27;
	v53 =	vand.u32 $0x4F, v13;
	v43 =	vadd.s32 s4, v17  }
0x122: {  	v32 =	vld [tilespmem:s25+$0xB0];
	v61 =	vor.u32 v63, v41;
	v62 =	vand.u32 $0xFFFFFF80, v41;
	v54 =	vor.u32 v53, v43  }
0x123: {  	v16 =	vld [tilespmem:s16+$0xFFFFFF70];
	v46 =	vor.u32 v63, v19;
	v56 =	vand.u32 $0xFFFFFF80, v19;
	v48 =	vor.u32 v63, v18  }
0x124: {  	v15 =	vld [tilespmem:s16+$0xFFFFFFB0];
	v57 =	vand.u32 $0xFFFFFF80, v18;
	v50 =	vor.u32 v63, v24;
	v12 =	vor.u32 v2, v31  }
0x125: {  	s12 =	sadd.s32 $0x100, s15;
	v17 =	vld.idx.msk [tilespmem:v26+s13+$0x0], $0xffff;
	v26 =	vshll.u32 v14, $0x6;
	v5 =	vor.u32 v63, v25;
	v4 =	vand.u32 $0xFFFFFF80, v25  }
0x126: {  	s7 =	sadd.s32 $0x180, s15;
	v21 =	vld [tilespmem:s1+$0x1C200];
	v28 =	vadd.s32 s12, v60;
	v60 =	vand.u32 $0x4F, v61;
	v61 =	vor.u32 v1, v31  }
0x127: {  	[tilespmem:s23+$0x30] =	vst v7;
	v45 =	vadd.s32 s7, v62;
	v62 =	vand.u32 $0x4F, v46;
	v55 =	vor.u32 v63, v26;
	v7 =	vld.idx.msk [tilespmem:v54+s13+$0x0], $0xffff  }
0x128: {  	s24 =	sadd.s32 $0x80, s15;
	v58 =	vand.u32 $0xFFFFFF80, v26;
	v20 =	vld [tilespmem:s16+$0x30];
	v5 =	vand.u32 $0x4F, v5;
	v42 =	vadd.s32 s15, v4;
	s16 =	sadd.s32 $0x200, s16  }
0x129: {  	s9 =	sadd.s32 $0x200, s15;
	s19 =	sadd.s32 $0x280, s15;
	v44 =	vadd.s32 s24, v58;
	v58 =	vand.u32 $0x4F, v59;
	v59 =	vld [tilespmem:s16+$0xC0];
	v5 =	vor.u32 v5, v42  }
0x12a: {  	v46 =	vadd.s32 s9, v56;
	v47 =	vadd.s32 s19, v57;
	v6 =	vand.u32 $0x4F, v55;
	v51 =	vld [tilespmem:s16+$0xFFFFFF00]  }
0x12b: {  	v12 =	vand.u32 $0x6F, v12;
	v13 =	vor.u32 v2, v27;
	v52 =	vld [tilespmem:s16+$0xFFFFFF40];
	v6 =	vor.u32 v6, v44  }
0x12c: {  	v14 =	vor.u32 v2, v18;
	v4 =	vand.u32 $0xFFFFFF80, v24;
	v53 =	vld [tilespmem:s16+$0xFFFFFF80];
	v7 =	vmul.f32 $8.000000000e+00, v7  }
0x12d: {  	p5 =	slt.u32 s10, $0xC0;
	s10 =	sadd.s32 $0x300, s15;
	v63 =	vand.u32 $0x4F, v50;
	v8 =	vor.u32 v60, v45;
	v55 =	vand.u32 $0x4F, v48;
	v50 =	vld [tilespmem:s16+$0x0]  }
0x12e: {  	v48 =	vadd.s32 s10, v4;
	v5 =	vld.idx.msk [tilespmem:v5+s13+$0x0], $0xffff;
	v4 =	vadd.f32 v59, v7;
	v7 =	vor.u32 v58, v28  }
0x12f: {  	v31 =	vor.u32 v3, v31;
	v11 =	vand.u32 $0x5F, v61;
	v9 =	vld [tilespmem:s16+$0x40];
	v55 =	vor.u32 v55, v47  }
0x130: {  	v10 =	vor.u32 v62, v46;
	v57 =	vor.u32 v1, v26;
	v11 =	vor.u32 v11, v43;
	v6 =	vld.idx.msk [tilespmem:v6+s13+$0x0], $0xffff  }
0x131: {  	v60 =	vor.u32 v1, v19;
	v61 =	vor.u32 v1, v18;
	v49 =	vor.u32 v63, v48;
	v54 =	vld [tilespmem:s16+$0xFFFFFFC0]  }
0x132: {  	v62 =	vor.u32 v1, v24;
	v12 =	vor.u32 v12, v43;
	v57 =	vand.u32 $0x5F, v57;
	v8 =	vld.idx.msk [tilespmem:v8+s13+$0x0], $0xffff  }
0x133: {  	s14 =	smov.u32 s23;
	s23 =	smov.u32 s2;
	s2 =	sadd.s32 $0x400, s2;
	v62 =	vand.u32 $0x5F, v62;
	v57 =	vor.u32 v57, v44;
	v5 =	vmul.f32 $8.000000000e+00, v5;
	v7 =	vld.idx.msk [tilespmem:v7+s13+$0x0], $0xffff  }
0x134: {  	v62 =	vor.u32 v62, v48;
	v55 =	vld.idx.msk [tilespmem:v55+s13+$0x0], $0xffff;
	v58 =	vor.u32 v1, v27;
	[tilespmem:s2+$0x180] =	vst v4  }
0x135: {  	s17 =	sadd.s32 $0x200, s17;
	v59 =	vor.u32 v1, v41;
	v6 =	vmul.f32 $8.000000000e+00, v6;
	v5 =	vadd.f32 v51, v5;
	v11 =	vld.idx.msk [tilespmem:v11+s13+$0x0], $0xffff  }
0x136: {  	s9 =	sor.u32 $0x50, s17;
	v49 =	vld.idx.msk [tilespmem:v49+s13+$0x0], $0xffff;
	v58 =	vand.u32 $0x5F, v58;
	v59 =	vand.u32 $0x5F, v59;
	v4 =	vor.u32 v1, v25  }
0x137: {  	v59 =	vor.u32 v59, v45;
	v63 =	vld [tilespmem:s9+$0x1C200];
	[tilespmem:s2+$0xFFFFFE00] =	vst v5;
	v5 =	vadd.f32 v52, v6;
	v6 =	vmul.f32 $8.000000000e+00, v8  }
0x138: {  	v56 =	vld [tilespmem:s16+$0x80];
	v58 =	vor.u32 v58, v28;
	v4 =	vand.u32 $0x5F, v4;
	v7 =	vmul.f32 $8.000000000e+00, v7  }
0x139: {  	v10 =	vld.idx.msk [tilespmem:v10+s13+$0x0], $0xffff;
	v4 =	vor.u32 v4, v42;
	[tilespmem:s2+$0xFFFFFE80] =	vst v5;
	v5 =	vadd.f32 v54, v6;
	v6 =	vmul.f32 $8.000000000e+00, v55  }
0x13a: {  	[tilespmem:$0x1FF60] =	vst v0;
	v54 =	vld.idx.msk [tilespmem:v57+s13+$0x0], $0xffff;
	v57 =	vand.u32 $0x7F, v31;
	v11 =	vmul.f32 $8.000000000e+00, v11;
	v7 =	vadd.f32 v53, v7  }
0x13b: {  	v55 =	vmul.f32 $8.000000000e+00, v49;
	[tilespmem:s2+$0xFFFFFF80] =	vst v5;
	v5 =	vadd.f32 v9, v6;
	v6 =	vor.u32 v57, v43;
	v57 =	vld [tilespmem:s16+$0xFFFFFF50]  }
0x13c: {  	v0 =	vor.u32 v2, v26;
	v9 =	vld.idx.msk [tilespmem:v59+s13+$0x0], $0xffff;
	v11 =	vadd.f32 v63, v11;
	[tilespmem:s2+$0xFFFFFF00] =	vst v7  }
0x13d: {  	v26 =	vor.u32 v3, v26;
	v61 =	vand.u32 $0x5F, v61;
	v49 =	vld.idx.msk [tilespmem:v58+s13+$0x0], $0xffff;
	v58 =	vadd.f32 v56, v55  }
0x13e: {  	v60 =	vand.u32 $0x5F, v60;
	v61 =	vor.u32 v61, v47;
	v10 =	vmul.f32 $8.000000000e+00, v10;
	v4 =	vld.idx.msk [tilespmem:v4+s13+$0x0], $0xffff;
	[tilespmem:s2+$0x190] =	vst v11  }
0x13f: {  	v13 =	vand.u32 $0x6F, v13;
	v18 =	vor.u32 v3, v18;
	v60 =	vor.u32 v60, v46;
	v12 =	vld.idx.msk [tilespmem:v12+s13+$0x0], $0xffff;
	[tilespmem:s2+$0x100] =	vst v58  }
0x140: {  	v0 =	vand.u32 $0x6F, v0;
	v13 =	vor.u32 v13, v28;
	v7 =	vadd.f32 v50, v10;
	v50 =	vld.idx.msk [tilespmem:v62+s13+$0x0], $0xffff  }
0x141: {  	s19 =	sor.u32 $0x60, s17;
	v18 =	vand.u32 $0x7F, v18;
	v51 =	vor.u32 v2, v41;
	v41 =	vor.u32 v3, v41;
	v62 =	vld [tilespmem:s16+$0xFFFFFF10]  }
0x142: {  	v0 =	vor.u32 v0, v44;
	v27 =	vor.u32 v3, v27;
	v41 =	vand.u32 $0x7F, v41;
	[tilespmem:s2+$0x80] =	vst v5;
	v53 =	vld [tilespmem:s19+$0x1C200]  }
0x143: {  	v8 =	vor.u32 v2, v24;
	v5 =	vand.u32 $0x6F, v14;
	v63 =	vor.u32 v2, v25;
	v14 =	vld.idx.msk [tilespmem:v61+s13+$0x0], $0xffff;
	[tilespmem:s2+$0x0] =	vst v7  }
0x144: {  	s5 =	sadd.s32 $0xFFFFFF00, s17;
	v5 =	vor.u32 v5, v47;
	v25 =	vor.u32 v3, v25;
	v4 =	vmul.f32 $8.000000000e+00, v4;
	v43 =	vld.idx.msk [tilespmem:v60+s13+$0x0], $0xffff  }
0x145: {  	s10 =	sor.u32 $0x50, s5;
	v56 =	vmul.f32 $8.000000000e+00, v54;
	v58 =	vadd.f32 v39, v40;
	v54 =	vld [tilespmem:s16+$0x10];
	v59 =	vmul.f32 $8.000000000e+00, v12  }
0x146: {  	s7 =	sadd.s32 $0xFFFFFF80, s17;
	[tilespmem:s23+$0xA0] =	vst v37;
	v52 =	vand.u32 $0x6F, v63;
	v63 =	vlaneseq.u32;
	v4 =	vadd.f32 v62, v4;
	v62 =	vld [tilespmem:s10+$0x1C200]  }
0x147: {  	s15 =	sor.u32 $0x50, s7;
	v25 =	vand.u32 $0x7F, v25;
	v11 =	vor.u32 v2, v19;
	[tilespmem:s23+$0x120] =	vst v58;
	v61 =	vadd.f32 v53, v59;
	v59 =	vld [tilespmem:s16+$0xFFFFFF90]  }
0x148: {  	v10 =	vor.u32 v52, v42;
	[tilespmem:s2+$0xFFFFFE10] =	vst v4;
	v4 =	vadd.f32 v57, v56;
	v56 =	vand.u32 $0x7F, v26;
	v26 =	vld [tilespmem:s15+$0x1C200]  }
0x149: {  	v19 =	vor.u32 v3, v19;
	v11 =	vand.u32 $0x6F, v11;
	v9 =	vmul.f32 $8.000000000e+00, v9;
	v58 =	vld [tilespmem:s16+$0x90];
	[tilespmem:s2+$0x1A0] =	vst v61  }
0x14a: {  	v11 =	vor.u32 v11, v46;
	v14 =	vmul.f32 $8.000000000e+00, v14;
	v60 =	vand.u32 $0x6F, v8;
	v6 =	vld.idx.msk [tilespmem:v6+s13+$0x0], $0xffff;
	[tilespmem:s2+$0xFFFFFE90] =	vst v4  }
0x14b: {  	s29 =	sor.u32 $0x70, s17;
	v31 =	vor.u32 v60, v48;
	v60 =	vmul.f32 $8.000000000e+00, v43;
	v43 =	vld.idx.msk [tilespmem:v0+s13+$0x0], $0xffff;
	v0 =	vadd.f32 v62, v9  }
0x14c: {  	v55 =	vor.u32 v3, v24;
	v24 =	vor.u32 v25, v42;
	v25 =	vor.u32 v41, v45;
	v61 =	vld [tilespmem:s29+$0x1C200]  }
0x14d: {  	v12 =	vand.u32 $0x6F, v51;
	v53 =	vmul.f32 $8.000000000e+00, v49;
	v10 =	vld.idx.msk [tilespmem:v10+s13+$0x0], $0xffff;
	[tilespmem:s2+$0xFFFFFF90] =	vst v0;
	v0 =	vadd.f32 v26, v14  }
0x14e: {  	v12 =	vor.u32 v12, v45;
	v50 =	vmul.f32 $8.000000000e+00, v50;
	v60 =	vadd.f32 v54, v60;
	v62 =	vld [tilespmem:$0x1FF50]  }
0x14f: {  	v8 =	vadd.f32 v59, v53;
	v57 =	vand.u32 $0x7F, v27;
	v6 =	vmul.f32 $8.000000000e+00, v6;
	[tilespmem:s2+$0x90] =	vst v0;
	v0 =	vld [tilespmem:$0x1FF60]  }
.Ltmp6:
0x150: {  	v51 =	vmovc v21;
	v59 =	vand.u32 $0x7F, v55;
	v27 =	vor.u32 v56, v44;
	v49 =	vld [tilespmem:s16+$0xFFFFFF20];
	v28 =	vor.u32 v57, v28;
	[tilespmem:s2+$0x10] =	vst v60;
	(pc) =	sbr.rel @p5 .LBB2_10-.Ltmp6, $4  }
0x151: {  	v4 =	vand.u32 $0x7F, v19;
	[tilespmem:s2+$0xFFFFFF10] =	vst v8;
	v38 =	vld.idx.msk [tilespmem:v11+s13+$0x0], $0xffff;
	v19 =	vor.u32 v18, v47;
	v6 =	vadd.f32 v61, v6  }
0x152: {  	s26 =	sadd.s32 $0x8, s26;
	s6 =	smov.u32 s0;
	v21 =	vmovc v33;
	v42 =	vld.idx.msk [tilespmem:v13+s13+$0x0], $0xffff;
	v61 =	vmul.f32 $8.000000000e+00, v34;
	v26 =	vor.u32 v4, v46;
	v4 =	vadd.f32 v58, v50  }
0x153: {  	s25 =	smov.u32 s3;
	s1 =	sor.u32 $0x70, s5;
	s12 =	sor.u32 $0x60, s5;
	v47 =	vmovc v20;
	v18 =	vor.u32 v59, v48;
	v34 =	vmul.f32 $8.000000000e+00, v35;
	v35 =	vmul.f32 $8.000000000e+00, v36;
	v44 =	vld.idx.msk [tilespmem:v12+s13+$0x0], $0xffff;
	[tilespmem:s2+$0x1B0] =	vst v6  }
0x154: {  	s0 =	sor.u32 $0x70, s7;
	s3 =	smov.u32 s16;
	s9 =	sor.u32 $0x60, s7;
	v20 =	vmovc v30;
	v39 =	vmul.f32 $8.000000000e+00, v10;
	[tilespmem:s2+$0x110] =	vst v4;
	v37 =	vmul.f32 $8.000000000e+00, v62;
	v30 =	vld.idx.msk [tilespmem:v5+s13+$0x0], $0xffff;
	v33 =	vadd.f32 v0, v61  }
0x155: {  	v52 =	vld [tilespmem:$0x1FFE0]  }
0x156: {  	v53 =	vld [tilespmem:$0x1FFD0]  }
0x157: {  	s10 =	smov.u32 s23;
	v54 =	vld [tilespmem:$0x1FFC0]  }
0x158: {  	s4 =	smov.u32 s6;
	s17 =	smov.u32 s25;
	s29 =	rddreg [dreg:$0x4];
	v55 =	vld [tilespmem:$0x1FFB0]  }
0x159: {  	s23 =	smov.u32 s2;
	s6 =	smov.u32 s0;
	s7 =	rddreg [dreg:$0x9];
	v56 =	vld [tilespmem:$0x1FFA0]  }
0x15a: {  	s25 =	smov.u32 s3;
	s26 =	smov.u32 s11;
	v57 =	vld [tilespmem:$0x1FF90];
	s11 =	rddreg [dreg:$0xa]  }
0x15b: {  	s19 =	simm.s32 $0x0;
	s24 =	smov.u32 s8;
	v58 =	vld [tilespmem:$0x1FF80];
	s15 =	rddreg [dreg:$0xb]  }
0x15c: {  	v40 =	vmov v17;
	v12 =	vmov v21;
	v36 =	vmov v20;
	s8 =	simm.s32 $0xF;
	v59 =	vld [tilespmem:$0x1FF70];
	s5 =	simm.s32 $0x380;
	s3 =	rddreg [dreg:$0xc]  }
.LBB2_12:
0x15d: {  	v0 =	vld [tilespmem:s12+$0x1C200]  }
0x15e: {  	v4 =	vld [tilespmem:s16+$0xFFFFFF60]  }
0x15f: {  	v6 =	vld [tilespmem:s16+$0xFFFFFFA0]  }
0x160: {  	v7 =	vld [tilespmem:s16+$0x20]  }
0x161: {  	v8 =	vld [tilespmem:s9+$0x1C200]  }
0x162: {  	v5 =	vmul.f32 $8.000000000e+00, v44;
	v11 =	vld @p3 [tilespmem:s4+$0x1C200]  }
0x163: {  	v9 =	vadd.f32 v49, v39;
	v10 =	vmul.f32 $8.000000000e+00, v42;
	v14 =	vld.idx.msk [tilespmem:v31+s13+$0x0], $0xffff  }
0x164: {  	v12 =	vld.idx.msk @p3 [tilespmem:v12+s13+$0x0], $0xffff;
	v0 =	vadd.f32 v0, v5  }
0x165: {  	[tilespmem:s23+$0xFFFFFE20] =	vst v9;
	v9 =	vld [tilespmem:s16+$0xA0];
	v6 =	vadd.f32 v6, v10  }
0x166: {  	v20 =	vld.idx.msk [tilespmem:v24+s13+$0x0], $0xffff;
	v5 =	vmul.f32 $8.000000000e+00, v43;
	[tilespmem:s23+$0xFFFFFFA0] =	vst v0  }
0x167: {  	v10 =	vmul.f32 @p4 $8.000000000e+00, v22;
	[tilespmem:s23+$0xFFFFFF20] =	vst v6;
	v0 =	vld [tilespmem:s1+$0x1C200]  }
0x168: {  	v4 =	vadd.f32 v4, v5;
	v5 =	vmul.f32 $8.000000000e+00, v38;
	v45 =	vld.idx.msk [tilespmem:v28+s13+$0x0], $0xffff  }
0x169: {  	v13 =	vmul.f32 @p4 $8.000000000e+00, v23;
	[tilespmem:s10+$0xFFFFFE30] =	vst @p3 v33;
	v10 =	vadd.f32 @p4 v29, v10;
	v23 =	vld.idx.msk [tilespmem:v25+s13+$0x0], $0xffff  }
0x16a: {  	[tilespmem:s23+$0xFFFFFEA0] =	vst v4;
	v4 =	vld [tilespmem:s16+$0xFFFFFF30];
	v5 =	vadd.f32 v7, v5  }
0x16b: {  	[tilespmem:s14+$0xB0] =	vst @p4 v10;
	v10 =	vadd.f32 @p3 v16, v37;
	v43 =	vld [tilespmem:s16+$0xFFFFFF70]  }
0x16c: {  	v13 =	vadd.f32 @p4 v32, v13;
	v22 =	vmul.f32 $8.000000000e+00, v30;
	v21 =	vld.idx.msk [tilespmem:v27+s13+$0x0], $0xffff;
	[tilespmem:s23+$0x20] =	vst v5  }
0x16d: {  	v14 =	vmul.f32 $8.000000000e+00, v14;
	v5 =	vld [tilespmem:s16+$0xFFFFFFB0];
	[tilespmem:s10+$0xFFFFFEB0] =	vst @p3 v10;
	v10 =	vadd.f32 @p3 v51, v35  }
0x16e: {  	v24 =	vmul.f32 @p3 $8.000000000e+00, v40;
	[tilespmem:s14+$0x130] =	vst @p4 v13;
	v8 =	vadd.f32 v8, v22;
	v17 =	vld.idx.msk [tilespmem:v26+s13+$0x0], $0xffff  }
0x16f: {  	v9 =	vadd.f32 v9, v14;
	v46 =	vmul.f32 $8.000000000e+00, v20;
	[tilespmem:s10+$0xFFFFFFB0] =	vst @p3 v10;
	v10 =	vld.idx.msk @p3 [tilespmem:v36+s13+$0x0], $0xffff  }
0x170: {  	v16 =	vadd.f32 @p3 v47, v24;
	[tilespmem:s23+$0xA0] =	vst v8;
	v27 =	vadd.f32 @p3 v15, v34;
	v15 =	vld @p3 [tilespmem:s17+$0xB0]  }
0x171: {  	[tilespmem:s23+$0x120] =	vst v9;
	v44 =	vld [tilespmem:s16+$0x30];
	v9 =	vmul.f32 $8.000000000e+00, v45;
	v4 =	vadd.f32 v4, v46;
	v8 =	vmul.f32 $8.000000000e+00, v21  }
0x172: {  	v48 =	vld.idx.msk [tilespmem:v19+s13+$0x0], $0xffff;
	[tilespmem:s10+$0x30] =	vst @p3 v16;
	v49 =	vmul.f32 $8.000000000e+00, v23;
	v12 =	vpsel p3, v12, v0  }
0x173: {  	[tilespmem:s23+$0xFFFFFE30] =	vst v4;
	v4 =	vadd.f32 v5, v9;
	v6 =	vadd.f32 v43, v8;
	v8 =	vld.idx.msk [tilespmem:v18+s13+$0x0], $0xffff  }
0x174: {  	v16 =	vld [tilespmem:s6+$0x1C200];
	[tilespmem:s10+$0xFFFFFF30] =	vst @p3 v27;
	v17 =	vmul.f32 $8.000000000e+00, v17;
	v5 =	vpsel p3, v10, v0;
	v0 =	vadd.f32 v0, v49  }
0x175: {  	v50 =	vld [tilespmem:s25+$0xB0];
	v9 =	vmul.f32 @p3 $8.000000000e+00, v12;
	[tilespmem:s23+$0xFFFFFF30] =	vst v4  }
0x176: {  	[tilespmem:s23+$0xFFFFFEB0] =	vst v6;
	v5 =	vmul.f32 @p3 $8.000000000e+00, v5;
	v7 =	vadd.f32 v44, v17;
	v10 =	vpsel p3, v11, v0  }
0x177: {  	s0 =	smov.u32 @p3 s10;
	v4 =	vpsel p3, v15, v0;
	[tilespmem:s23+$0xFFFFFFB0] =	vst v0;
	v0 =	vadd.f32 @p3 v10, v9;
	v9 =	vmul.f32 $8.000000000e+00, v48  }
0x178: {  	s0 =	smov.u32 @p3 s0;
	v4 =	vadd.f32 @p3 v4, v5;
	[tilespmem:s23+$0x30] =	vst v7;
	v5 =	vmul.f32 $8.000000000e+00, v8  }
0x179: {  	[tilespmem:s0+$0xB0] =	vst @p3 v0;
	v0 =	vadd.f32 v16, v9  }
0x17a: {  	s1 =	sadd.s32 s24, s30;
	[tilespmem:s0+$0x130] =	vst @p3 v4;
	v4 =	vadd.f32 v50, v5  }
0x17b: {  	s0 =	sshll.u32 s1, $0x4;
	[tilespmem:s23+$0xB0] =	vst v0  }
0x17c: {  	s2 =	simm.s32 $0xFA00;
	s0 =	sadd.s32 s29, s0;
	[tilespmem:s23+$0x130] =	vst v4  }
0x17d: {  	[hbm4b:s0+s19] =	stream.linear.scatter [tilespmem:s2], [sflag:$0x3], $0x6400, $0x38;
	[tilespmem:$0x1F600] =	vst v63  }
0x17e: {  	s23 =	rddreg [dreg:$0x8]  }
0x17f: {  	s4 =	simm.s32 $0x2;
	p3 =	seq.s32 s23, $0xF  }
0x180: {  	s0 =	sadd.s32 @!p3 $0x1A90, s30;
	s1 =	simm.s32 @!p3 $0x78;
	s2 =	simm.s32 @!p3 $0x3200  }
0x181: {  	[tilespmem:s2], [sflag:$0x1] =	stream.indirect.gather @!p3 [hbm4b:s26+s1], $0x80, s0, s1, $0xb8;
	[tilespmem:$0x1F600] =	vst v63  }
0x182: {  	s0 =	sadd.s32 @!p3 $0x1B08, s30;
	s1 =	simm.s32 @!p3 $0x50;
	s2 =	simm.s32 @!p3 $0x6E00  }
0x183: {  	[tilespmem:s2], [sflag:$0x1] =	stream.indirect.gather @!p3 [hbm4b:s26+s1], $0x80, s0, s1, $0xb8;
	[tilespmem:$0x1F600] =	vst v63  }
0x184: {  	_ =	swait.ge [sflag:s4], $0x3C00  }
0x185: {  	[sflag:s4] =	ssyncset.done $0x0  }
0x186: {  	[sflag:s4] =	ssyncadd.s32 $0xFFFFC400  }
0x187: {  	s14 =	sadd.s32 $0xC8, s30;
	_ =	swait.ge [sflag:s4], $0x2800  }
0x188: {  	v0 =	vmov s14;
	[sflag:s4] =	ssyncset.done $0x0  }
0x189: {  	s0 =	simm.s32 @!p1 $0x4;
	[sflag:s4] =	ssyncadd.s32 $0xFFFFD800  }
0x18a: {  	_ =	swait.ge @!p1 [sflag:s0], $0x6400  }
0x18b: {  	[sflag:s0] =	ssyncset.done @!p1 $0x0  }
0x18c: {  	[tilespmem:$0x1FF40] =	vst v0;
	[sflag:s0] =	ssyncadd.s32 @!p1 $0xFFFF9C00  }
0x18d: {  	v0 =	vld.idx.msk [tilespmem:v0+s7+$0x0 ss:$0x1], $0xffff;
	_ =	sdelay $0x4  }
0x18e: {  	v0 =	vand.u32 $0x1, v0  }
0x18f: {  	v4 =	vperm.xlane v0, v59;
	_ =	sdelay $0x1  }
0x190: {  	v51 =	vperm.xlane v0, v58;
	v20 =	vshll.u32 v4, $0x6  }
0x191: {  	v53 =	vperm.xlane v0, v53;
	v4 =	vor.u32 v63, v20;
	v5 =	vand.u32 $0xFFFFFF80, v20  }
0x192: {  	v11 =	vperm.xlane v0, v54;
	v19 =	vadd.s32 s5, v5;
	v4 =	vand.u32 $0x4F, v4  }
0x193: {  	v13 =	vshll.u32 v51, $0x6;
	v17 =	vshll.u32 v53, $0x6;
	v5 =	vor.u32 v4, v19  }
0x194: {  	v18 =	vshll.u32 v11, $0x6;
	v8 =	vand.u32 $0xFFFFFF80, v13;
	v59 =	vand.u32 $0xFFFFFF80, v17  }
0x195: {  	v24 =	vor.u32 v63, v17;
	v25 =	vor.u32 v63, v18;
	v26 =	vor.u32 v1, v20  }
0x196: {  	s9 =	simm.s32 $0x180;
	v12 =	vor.u32 v1, v13;
	v46 =	vor.u32 v1, v17;
	v47 =	vor.u32 v1, v18  }
0x197: {  	v49 =	vor.u32 v2, v20;
	v20 =	vor.u32 v3, v20;
	v6 =	vadd.s32 s9, v59  }
0x198: {  	v26 =	vand.u32 $0x5F, v26;
	v24 =	vand.u32 $0x4F, v24;
	v25 =	vand.u32 $0x4F, v25;
	v9 =	vld.idx.msk [tilespmem:v5+s18+$0x0], $0xffff  }
0x199: {  	v35 =	vand.u32 $0x5F, v12;
	v4 =	vperm.xlane v0, v52;
	v52 =	vperm.xlane v0, v57  }
0x19a: {  	v21 =	vld [tilespmem:s31+$0xC0];
	v38 =	vand.u32 $0x5F, v46;
	v57 =	vperm.xlane v0, v56;
	v0 =	vperm.xlane v0, v55  }
0x19b: {  	v26 =	vor.u32 v26, v19;
	v10 =	vshll.u32 v4, $0x6;
	v15 =	vshll.u32 v52, $0x6  }
0x19c: {  	v16 =	vshll.u32 v57, $0x6;
	v14 =	vshll.u32 v0, $0x6;
	v0 =	vand.u32 $0xFFFFFF80, v18  }
0x19d: {  	s10 =	simm.s32 $0x200;
	v4 =	vand.u32 $0xFFFFFF80, v10;
	v58 =	vand.u32 $0xFFFFFF80, v15;
	v22 =	vmul.f32 $8.000000000e+00, v9  }
0x19e: {  	s12 =	simm.s32 $0x280;
	v29 =	vld [tilespmem:s31+$0xFFFFFF00];
	v7 =	vadd.s32 s10, v0;
	v0 =	vand.u32 $0xFFFFFF80, v16;
	v23 =	vor.u32 v63, v15  }
0x19f: {  	v30 =	vld [tilespmem:s31+$0xFFFFFF40];
	s5 =	simm.s32 $0x0;
	v9 =	vadd.s32 s12, v0;
	v0 =	vadd.f32 v21, v22;
	v21 =	vor.u32 v63, v10  }
0x1a0: {  	s6 =	simm.s32 $0x80;
	v31 =	vld [tilespmem:s31+$0xFFFFFF80];
	v4 =	vadd.s32 s5, v4;
	v22 =	vor.u32 v63, v13;
	v21 =	vand.u32 $0x4F, v21  }
0x1a1: {  	s7 =	simm.s32 $0x100;
	v60 =	vld [tilespmem:s31+$0xFFFFFFC0];
	v5 =	vadd.s32 s6, v8;
	v22 =	vand.u32 $0x4F, v22;
	v21 =	vor.u32 v21, v4  }
0x1a2: {  	v61 =	vld [tilespmem:s31+$0x0];
	s10 =	simm.s32 $0x161B0;
	v23 =	vand.u32 $0x4F, v23;
	v8 =	vadd.s32 s7, v58;
	v22 =	vor.u32 v22, v5  }
0x1a3: {  	v45 =	vld [tilespmem:s31+$0x40];
	v39 =	vand.u32 $0x5F, v47;
	v42 =	vand.u32 $0x6F, v49;
	v23 =	vor.u32 v23, v8;
	[tilespmem:s10+$0xFFFFFFD0] =	vst v0  }
0x1a4: {  	v20 =	vand.u32 $0x7F, v20;
	v24 =	vor.u32 v24, v6;
	v42 =	vor.u32 v42, v19;
	s17 =	rddreg [dreg:$0xe];
	v26 =	vld.idx.msk [tilespmem:v26+s18+$0x0], $0xffff  }
0x1a5: {  	v38 =	vor.u32 v38, v6;
	v11 =	vand.u32 $0xFFFFFF80, v14;
	v27 =	vor.u32 v63, v16;
	v0 =	vld [tilespmem:s17+$0x1C200]  }
0x1a6: {  	s16 =	simm.s32 $0x300;
	v28 =	vor.u32 v63, v14;
	v27 =	vand.u32 $0x4F, v27;
	v25 =	vor.u32 v25, v7;
	v21 =	vld.idx.msk [tilespmem:v21+s18+$0x0], $0xffff  }
0x1a7: {  	v11 =	vadd.s32 s16, v11;
	v28 =	vand.u32 $0x4F, v28;
	v27 =	vor.u32 v27, v9;
	v22 =	vld.idx.msk [tilespmem:v22+s18+$0x0], $0xffff  }
0x1a8: {  	v19 =	vor.u32 v20, v19;
	v20 =	vor.u32 v2, v18;
	v28 =	vor.u32 v28, v11;
	v23 =	vld.idx.msk [tilespmem:v23+s18+$0x0], $0xffff  }
0x1a9: {  	v51 =	vld [tilespmem:s31+$0x80];
	v20 =	vand.u32 $0x6F, v20;
	v62 =	vor.u32 v1, v10;
	v26 =	vmul.f32 $8.000000000e+00, v26  }
0x1aa: {  	v52 =	vor.u32 v2, v13;
	v44 =	vor.u32 v1, v15;
	v34 =	vand.u32 $0x5F, v62;
	v24 =	vld.idx.msk [tilespmem:v24+s18+$0x0], $0xffff  }
0x1ab: {  	v34 =	vor.u32 v34, v4;
	v25 =	vld.idx.msk [tilespmem:v25+s18+$0x0], $0xffff;
	v0 =	vadd.f32 v0, v26;
	v21 =	vmul.f32 $8.000000000e+00, v21  }
0x1ac: {  	v36 =	vand.u32 $0x5F, v44;
	v35 =	vor.u32 v35, v5;
	v27 =	vld.idx.msk [tilespmem:v27+s18+$0x0], $0xffff;
	v22 =	vmul.f32 $8.000000000e+00, v22  }
0x1ad: {  	v36 =	vor.u32 v36, v8;
	v28 =	vld.idx.msk [tilespmem:v28+s18+$0x0], $0xffff;
	[tilespmem:s10+$0xFFFFFFE0] =	vst v0;
	v0 =	vmul.f32 $8.000000000e+00, v23;
	v21 =	vadd.f32 v29, v21  }
0x1ae: {  	v18 =	vor.u32 v3, v18;
	v48 =	vor.u32 v1, v16;
	s25 =	rddreg [dreg:$0xd];
	v29 =	vld.idx.msk [tilespmem:v42+s18+$0x0], $0xffff;
	v22 =	vadd.f32 v30, v22  }
0x1af: {  	v41 =	vor.u32 v1, v14;
	v24 =	vmul.f32 $8.000000000e+00, v24;
	v30 =	vld [tilespmem:s25+$0x1C200];
	v0 =	vadd.f32 v31, v0;
	[tilespmem:s10+$0xFFFFFC50] =	vst v21  }
0x1b0: {  	v40 =	vand.u32 $0x5F, v48;
	v41 =	vand.u32 $0x5F, v41;
	v56 =	vor.u32 v20, v7;
	[tilespmem:s10+$0xFFFFFCD0] =	vst v22;
	v31 =	vld.idx.msk [tilespmem:v34+s18+$0x0], $0xffff  }
0x1b1: {  	v21 =	vmul.f32 $8.000000000e+00, v25;
	v22 =	vadd.f32 v60, v24;
	v24 =	vmul.f32 $8.000000000e+00, v27;
	[tilespmem:s10+$0xFFFFFD50] =	vst v0;
	v27 =	vld.idx.msk [tilespmem:v35+s18+$0x0], $0xffff  }
0x1b2: {  	v41 =	vor.u32 v41, v11;
	v50 =	vor.u32 v40, v9;
	v26 =	vor.u32 v39, v7;
	v53 =	vld.idx.msk [tilespmem:v36+s18+$0x0], $0xffff  }
0x1b3: {  	v13 =	vor.u32 v3, v13;
	v55 =	vld [tilespmem:s31+$0xFFFFFF10];
	v0 =	vadd.f32 v61, v21;
	v21 =	vmul.f32 $8.000000000e+00, v28  }
0x1b4: {  	v13 =	vand.u32 $0x7F, v13;
	v23 =	vor.u32 v2, v10;
	v58 =	vld [tilespmem:s31+$0xFFFFFF90];
	[tilespmem:s10+$0xFFFFFDD0] =	vst v22;
	v22 =	vadd.f32 v45, v24  }
0x1b5: {  	v10 =	vor.u32 v3, v10;
	v54 =	vld.idx.msk [tilespmem:v38+s18+$0x0], $0xffff;
	[tilespmem:s10+$0xFFFFFE50] =	vst v0;
	v0 =	vadd.f32 v51, v21;
	v21 =	vmul.f32 $8.000000000e+00, v29  }
0x1b6: {  	v23 =	vand.u32 $0x6F, v23;
	v10 =	vand.u32 $0x7F, v10;
	v25 =	vor.u32 v2, v15;
	v60 =	vld [tilespmem:s11+$0x1C200];
	[tilespmem:s10+$0xFFFFFED0] =	vst v22  }
0x1b7: {  	v15 =	vor.u32 v3, v15;
	v25 =	vand.u32 $0x6F, v25;
	v26 =	vld.idx.msk [tilespmem:v26+s18+$0x0], $0xffff;
	[tilespmem:s10+$0xFFFFFF50] =	vst v0;
	v0 =	vadd.f32 v30, v21  }
0x1b8: {  	v28 =	vor.u32 v2, v17;
	v24 =	vor.u32 v2, v16;
	v22 =	vor.u32 v2, v14;
	v29 =	vld.idx.msk [tilespmem:v50+s18+$0x0], $0xffff  }
0x1b9: {  	v28 =	vand.u32 $0x6F, v28;
	v30 =	vld.idx.msk [tilespmem:v41+s18+$0x0], $0xffff;
	[tilespmem:s10+$0xFFFFFFF0] =	vst v0;
	v0 =	vand.u32 $0x6F, v22;
	v22 =	vor.u32 v23, v4  }
0x1ba: {  	v23 =	vor.u32 v25, v8;
	v25 =	vmul.f32 $8.000000000e+00, v27;
	v27 =	vor.u32 v28, v6;
	v28 =	vld [tilespmem:s31+$0xFFFFFF50]  }
0x1bb: {  	v15 =	vand.u32 $0x7F, v15;
	v24 =	vand.u32 $0x6F, v24;
	v61 =	vld [tilespmem:s31+$0x10];
	v31 =	vmul.f32 $8.000000000e+00, v31  }
0x1bc: {  	v57 =	vor.u32 v24, v9;
	v21 =	vand.u32 $0x6F, v52;
	v20 =	vmul.f32 $8.000000000e+00, v53;
	v19 =	vld.idx.msk [tilespmem:v19+s18+$0x0], $0xffff  }
0x1bd: {  	v62 =	vld [tilespmem:s15+$0x1C200];
	v31 =	vadd.f32 v55, v31;
	v24 =	vor.u32 v0, v11;
	v0 =	vmul.f32 $8.000000000e+00, v54  }
0x1be: {  	v21 =	vor.u32 v21, v5;
	v20 =	vadd.f32 v58, v20;
	v59 =	vld [tilespmem:s3+$0x1C200];
	v26 =	vmul.f32 $8.000000000e+00, v26  }
0x1bf: {  	[tilespmem:s10+$0xFFFFFC60] =	vst v31;
	v0 =	vadd.f32 v60, v0;
	v25 =	vadd.f32 v28, v25;
	v28 =	vmul.f32 $8.000000000e+00, v30;
	v30 =	vld [tilespmem:s31+$0x90]  }
0x1c0: {  	v17 =	vor.u32 v3, v17;
	v16 =	vor.u32 v3, v16;
	v29 =	vmul.f32 $8.000000000e+00, v29;
	[tilespmem:s10+$0xFFFFFD60] =	vst v20;
	v22 =	vld.idx.msk [tilespmem:v22+s18+$0x0], $0xffff  }
0x1c1: {  	v17 =	vand.u32 $0x7F, v17;
	v34 =	vld.idx.msk [tilespmem:v23+s18+$0x0], $0xffff;
	v23 =	vadd.f32 v61, v26;
	[tilespmem:s10+$0xFFFFFDE0] =	vst v0;
	v19 =	vmul.f32 $8.000000000e+00, v19  }
.Ltmp7:
0x1c2: {  	v14 =	vor.u32 v3, v14;
	v17 =	vor.u32 v17, v6;
	v41 =	vld [tilespmem:s31+$0xFFFFFF20];
	v0 =	vadd.f32 v62, v29;
	[tilespmem:s10+$0xFFFFFCE0] =	vst v25;
	(pc) =	sbr.rel @!p2 .LBB2_13-.Ltmp7, $4  }
0x1c3: {  	v20 =	vor.u32 v13, v5;
	v35 =	vld.idx.msk [tilespmem:v27+s18+$0x0], $0xffff;
	v25 =	vand.u32 $0x7F, v18;
	[tilespmem:s10+$0xFFFFFE60] =	vst v23;
	v19 =	vadd.f32 v59, v19  }
0x1c4: {  	v18 =	vor.u32 v10, v4;
	v4 =	vand.u32 $0x7F, v16;
	[tilespmem:s10+$0xFFFFFEE0] =	vst v0;
	v40 =	vld.idx.msk [tilespmem:v21+s18+$0x0], $0xffff;
	v5 =	vadd.f32 v30, v28  }
0x1c5: {  	v21 =	vor.u32 v15, v8;
	v8 =	vand.u32 $0x7F, v14;
	v10 =	vor.u32 v4, v9;
	v23 =	vld.idx.msk [tilespmem:v57+s18+$0x0], $0xffff;
	[tilespmem:s10+$0x0] =	vst v19  }
0x1c6: {  	v9 =	vor.u32 v8, v11;
	v19 =	vor.u32 v25, v7;
	v30 =	vld.idx.msk [tilespmem:v56+s18+$0x0], $0xffff;
	v31 =	vmul.f32 $8.000000000e+00, v22;
	[tilespmem:s10+$0xFFFFFF60] =	vst v5  }
0x1c7: {  	v5 =	vld [tilespmem:$0x1FF40];
	_ =	sdelay $0x3  }
0x1c8: {  	v0 =	vld.idx.msk [tilespmem:v24+s18+$0x0], $0xffff  }
0x1c9: {  	v27 =	vld [tilespmem:s31+$0x20]  }
0x1ca: {  	s0 =	simm.s32 $0x8;
	s1 =	simm.s32 $0x9;
	s2 =	simm.s32 $0xA;
	v4 =	vld [tilespmem:s31+$0xFFFFFF60]  }
0x1cb: {  	s4 =	simm.s32 $0xB;
	s5 =	simm.s32 $0xC;
	v8 =	vmul.f32 $8.000000000e+00, v34;
	v11 =	vld [tilespmem:s31+$0xFFFFFFA0];
	s3 =	sand.u32 $0xF0, s0  }
0x1cc: {  	s11 =	simm.s32 $0xD;
	s0 =	sand.u32 $0x8, s0;
	v7 =	vadd.f32 v41, v31;
	s1 =	sand.u32 $0x9, s1;
	v14 =	vmul.f32 $8.000000000e+00, v35;
	v30 =	vmul.f32 $8.000000000e+00, v30;
	v5 =	vld.idx.msk [tilespmem:v5+s3+$0x0 ss:$0x1], $0xffff  }
0x1cd: {  	s6 =	simm.s32 $0xE;
	v16 =	vld [tilespmem:s22+$0x1C200];
	s12 =	sand.u32 $0xA, s2;
	s15 =	sand.u32 $0xB, s4;
	v6 =	vmul.f32 $8.000000000e+00, v40;
	v13 =	vmov s0;
	v15 =	vmov s1  }
0x1ce: {  	s16 =	sand.u32 $0xC, s5;
	s17 =	sand.u32 $0xD, s11;
	s22 =	sand.u32 $0xE, s6;
	v24 =	vmov s12;
	v25 =	vmov s15;
	v33 =	vadd.f32 v27, v30;
	v27 =	vld [tilespmem:s31+$0xA0]  }
0x1cf: {  	v26 =	vmov s16;
	v28 =	vmov s17;
	v29 =	vmov s22  }
0x1d0: {  	v22 =	vmul.f32 $8.000000000e+00, v23;
	v4 =	vadd.f32 v4, v6;
	v23 =	vmul.f32 $8.000000000e+00, v0  }
0x1d1: {  	v6 =	vadd.f32 v11, v8;
	v0 =	vand.u32 $0x1, v5;
	v5 =	vmov s8  }
0x1d2: {  	v31 =	vadd.f32 v16, v14;
	v8 =	vperm.xlane v0, v13;
	v5 =	vperm.xlane v0, v5  }
0x1d3: {  	v23 =	vadd.f32 v27, v23;
	v11 =	vperm.xlane v0, v15;
	v14 =	vperm.xlane v0, v24  }
0x1d4: {  	[tilespmem:s10+$0xFFFFFCF0] =	vst v4;
	v15 =	vperm.xlane v0, v25;
	v16 =	vperm.xlane v0, v26;
	v24 =	vshll.u32 v5, $0x6  }
0x1d5: {  	[tilespmem:s10+$0xFFFFFE70] =	vst v33;
	v5 =	vperm.xlane v0, v28;
	v0 =	vperm.xlane v0, v29;
	v30 =	vshll.u32 v8, $0x6  }
0x1d6: {  	[tilespmem:s10+$0xFFFFFD70] =	vst v6;
	s3 =	simm.s32 $0x1C500;
	v4 =	vld.idx.msk [tilespmem:v19+s18+$0x0], $0xffff;
	v32 =	vshll.u32 v11, $0x6;
	v28 =	vshll.u32 v14, $0x6;
	v29 =	vshll.u32 v15, $0x6  }
0x1d7: {  	[tilespmem:s10+$0xFFFFFDF0] =	vst v31;
	v45 =	vld [tilespmem:s3+$0xC0];
	v13 =	vor.u32 v63, v24;
	v26 =	vand.u32 $0xFFFFFF80, v24;
	v6 =	vor.u32 v63, v30  }
0x1d8: {  	v15 =	vld.idx.msk [tilespmem:v17+s18+$0x0], $0xffff;
	v8 =	vor.u32 v63, v32;
	v17 =	vor.u32 v63, v28;
	v31 =	vand.u32 $0xFFFFFF80, v28  }
0x1d9: {  	v48 =	vld [tilespmem:s3+$0xFFFFFF00];
	v56 =	vor.u32 v63, v29;
	v57 =	vand.u32 $0xFFFFFF80, v29;
	v50 =	vor.u32 v1, v32  }
0x1da: {  	s25 =	simm.s32 $0x780;
	v41 =	vld [tilespmem:s3+$0xFFFFFF40];
	v51 =	vor.u32 v1, v28;
	v52 =	vor.u32 v1, v29;
	v27 =	vor.u32 v3, v32  }
0x1db: {  	[tilespmem:s10+$0xFFFFFC70] =	vst v7;
	v11 =	vld.idx.msk [tilespmem:v20+s18+$0x0], $0xffff;
	v7 =	vand.u32 $0x4F, v13;
	v34 =	vadd.s32 s25, v26;
	v26 =	vshll.u32 v16, $0x6  }
0x1dc: {  	v13 =	vld.idx.msk [tilespmem:v18+s18+$0x0], $0xffff;
	v18 =	vshll.u32 v5, $0x6;
	v20 =	vshll.u32 v0, $0x6;
	v0 =	vand.u32 $0xFFFFFF80, v30  }
0x1dd: {  	s4 =	simm.s32 $0x500;
	v16 =	vld.idx.msk [tilespmem:v21+s18+$0x0], $0xffff;
	v21 =	vand.u32 $0xFFFFFF80, v32;
	v42 =	vand.u32 $0x4F, v6;
	v7 =	vor.u32 v7, v34  }
0x1de: {  	s5 =	simm.s32 $0x580;
	v49 =	vld [tilespmem:s3+$0x0];
	v43 =	vand.u32 $0x4F, v8;
	v44 =	vand.u32 $0x4F, v17;
	v17 =	vadd.s32 s4, v31  }
0x1df: {  	v25 =	vld [tilespmem:s20+$0x1C200];
	v46 =	vand.u32 $0x4F, v56;
	v8 =	vor.u32 v1, v24;
	v33 =	vadd.s32 s5, v57  }
0x1e0: {  	s1 =	simm.s32 $0x400;
	v14 =	vld [tilespmem:s31+$0xFFFFFF30];
	v36 =	vor.u32 v63, v26;
	v37 =	vand.u32 $0xFFFFFF80, v26;
	v39 =	vor.u32 v63, v18  }
0x1e1: {  	v5 =	vld [tilespmem:s31+$0xFFFFFF70];
	v58 =	vand.u32 $0xFFFFFF80, v18;
	v59 =	vor.u32 v63, v20;
	v19 =	vadd.s32 s1, v0  }
0x1e2: {  	s6 =	simm.s32 $0x600;
	v0 =	vand.u32 $0xFFFFFF80, v20;
	v31 =	vand.u32 $0x5F, v8;
	v60 =	vand.u32 $0x4F, v36;
	v38 =	vld.idx.msk [tilespmem:v7+s18+$0x0], $0xffff  }
0x1e3: {  	s7 =	simm.s32 $0x680;
	v6 =	vld [tilespmem:s31+$0xFFFFFFB0];
	v36 =	vadd.s32 s6, v37;
	v47 =	vor.u32 v31, v34;
	v42 =	vor.u32 v42, v19  }
0x1e4: {  	s2 =	simm.s32 $0x480;
	v57 =	vld [tilespmem:s3+$0x40];
	v39 =	vand.u32 $0x4F, v39;
	v31 =	vadd.s32 s7, v58;
	v35 =	vor.u32 v60, v36  }
0x1e5: {  	s8 =	simm.s32 $0x700;
	v21 =	vadd.s32 s2, v21;
	v8 =	vld [tilespmem:s31+$0x30];
	v62 =	vor.u32 v46, v33;
	v39 =	vor.u32 v39, v31  }
0x1e6: {  	v46 =	vld [tilespmem:s3+$0xFFFFFFC0];
	v61 =	vand.u32 $0x4F, v59;
	v37 =	vadd.s32 s8, v0;
	v43 =	vor.u32 v43, v21  }
0x1e7: {  	v50 =	vand.u32 $0x5F, v50;
	v40 =	vor.u32 v61, v37;
	v61 =	vld [tilespmem:s3+$0x80];
	v38 =	vmul.f32 $8.000000000e+00, v38  }
0x1e8: {  	v51 =	vand.u32 $0x5F, v51;
	v52 =	vand.u32 $0x5F, v52;
	v44 =	vor.u32 v44, v17;
	v42 =	vld.idx.msk [tilespmem:v42+s18+$0x0], $0xffff  }
0x1e9: {  	v53 =	vor.u32 v1, v26;
	v54 =	vor.u32 v1, v18;
	v35 =	vld.idx.msk [tilespmem:v35+s18+$0x0], $0xffff;
	v0 =	vadd.f32 v45, v38  }
0x1ea: {  	s2 =	simm.s32 $0x165B0;
	v55 =	vor.u32 v1, v20;
	v51 =	vor.u32 v51, v17;
	v52 =	vor.u32 v52, v33;
	v39 =	vld.idx.msk [tilespmem:v39+s18+$0x0], $0xffff  }
0x1eb: {  	v22 =	vadd.f32 v25, v22;
	v25 =	vor.u32 v3, v30;
	v53 =	vand.u32 $0x5F, v53;
	v43 =	vld.idx.msk [tilespmem:v43+s18+$0x0], $0xffff;
	[tilespmem:s2+$0xFFFFFFD0] =	vst v0  }
0x1ec: {  	s9 =	simm.s32 $0x3C0;
	v54 =	vand.u32 $0x5F, v54;
	v58 =	vor.u32 v2, v24;
	v50 =	vor.u32 v50, v21;
	v47 =	vld.idx.msk [tilespmem:v47+s18+$0x0], $0xffff  }
0x1ed: {  	s11 =	sor.u32 $0x50, s9;
	v24 =	vor.u32 v3, v24;
	v58 =	vand.u32 $0x6F, v58;
	v7 =	vld [tilespmem:s21+$0x1C200];
	v42 =	vmul.f32 $8.000000000e+00, v42  }
0x1ee: {  	v53 =	vor.u32 v53, v36;
	v54 =	vor.u32 v54, v31;
	v35 =	vmul.f32 $8.000000000e+00, v35;
	v56 =	vld [tilespmem:s11+$0x1C200]  }
0x1ef: {  	v24 =	vand.u32 $0x7F, v24;
	v44 =	vld.idx.msk [tilespmem:v44+s18+$0x0], $0xffff;
	v39 =	vmul.f32 $8.000000000e+00, v39;
	v42 =	vadd.f32 v48, v42  }
0x1f0: {  	v58 =	vor.u32 v58, v34;
	v43 =	vmul.f32 $8.000000000e+00, v43;
	v45 =	vld.idx.msk [tilespmem:v62+s18+$0x0], $0xffff;
	v35 =	vadd.f32 v49, v35  }
0x1f1: {  	v34 =	vor.u32 v24, v34;
	v38 =	vld [tilespmem:s3+$0xFFFFFF80];
	v39 =	vadd.f32 v57, v39;
	[tilespmem:s2+$0xFFFFFC50] =	vst v42;
	v47 =	vmul.f32 $8.000000000e+00, v47  }
0x1f2: {  	v27 =	vand.u32 $0x7F, v27;
	v40 =	vld.idx.msk [tilespmem:v40+s18+$0x0], $0xffff;
	v48 =	vor.u32 v2, v29;
	v41 =	vadd.f32 v41, v43;
	[tilespmem:s2+$0xFFFFFE50] =	vst v35  }
0x1f3: {  	v0 =	vor.u32 v1, v30;
	v24 =	vand.u32 $0x6F, v48;
	[tilespmem:s2+$0xFFFFFED0] =	vst v39;
	v48 =	vld.idx.msk [tilespmem:v53+s18+$0x0], $0xffff;
	v47 =	vadd.f32 v56, v47  }
0x1f4: {  	v55 =	vand.u32 $0x5F, v55;
	v44 =	vmul.f32 $8.000000000e+00, v44;
	v0 =	vand.u32 $0x5F, v0;
	[tilespmem:s2+$0xFFFFFCD0] =	vst v41;
	v57 =	vld.idx.msk [tilespmem:v54+s18+$0x0], $0xffff  }
0x1f5: {  	v59 =	vor.u32 v2, v32;
	v0 =	vor.u32 v0, v19;
	v42 =	vmul.f32 $8.000000000e+00, v45;
	v53 =	vld [tilespmem:s3+$0xFFFFFF50];
	[tilespmem:s2+$0xFFFFFFE0] =	vst v47  }
0x1f6: {  	v55 =	vor.u32 v55, v37;
	v60 =	vor.u32 v2, v28;
	v38 =	vadd.f32 v38, v44;
	v58 =	vld.idx.msk [tilespmem:v58+s18+$0x0], $0xffff  }
0x1f7: {  	s12 =	sor.u32 $0x60, s9;
	[tilespmem:s10+$0xFFFFFEF0] =	vst v22;
	v41 =	vand.u32 $0x6F, v59;
	v59 =	vmul.f32 $8.000000000e+00, v40;
	v42 =	vadd.f32 v46, v42;
	v46 =	vld.idx.msk [tilespmem:v50+s18+$0x0], $0xffff  }
0x1f8: {  	v28 =	vor.u32 v3, v28;
	v22 =	vand.u32 $0x7F, v25;
	v60 =	vand.u32 $0x6F, v60;
	[tilespmem:s2+$0xFFFFFD50] =	vst v38;
	v44 =	vld [tilespmem:s12+$0x1C200]  }
0x1f9: {  	v62 =	vor.u32 v2, v18;
	v18 =	vor.u32 v3, v18;
	v61 =	vadd.f32 v61, v59;
	v40 =	vld.idx.msk [tilespmem:v51+s18+$0x0], $0xffff  }
0x1fa: {  	v28 =	vand.u32 $0x7F, v28;
	v43 =	vor.u32 v2, v20;
	v29 =	vor.u32 v3, v29;
	v0 =	vld.idx.msk [tilespmem:v0+s18+$0x0], $0xffff;
	[tilespmem:s2+$0xFFFFFDD0] =	vst v42  }
0x1fb: {  	v20 =	vor.u32 v3, v20;
	v41 =	vor.u32 v41, v21;
	[tilespmem:s2+$0xFFFFFF50] =	vst v61;
	v42 =	vld.idx.msk [tilespmem:v52+s18+$0x0], $0xffff;
	v52 =	vmul.f32 $8.000000000e+00, v58  }
0x1fc: {  	v61 =	vor.u32 v24, v33;
	v59 =	vld.idx.msk [tilespmem:v55+s18+$0x0], $0xffff;
	v56 =	vor.u32 v2, v30;
	v54 =	vmul.f32 $8.000000000e+00, v48  }
0x1fd: {  	v55 =	vmul.f32 $8.000000000e+00, v57;
	v38 =	vadd.f32 v44, v52;
	v44 =	vor.u32 v60, v17;
	v60 =	vld [tilespmem:s3+$0xFFFFFF10]  }
0x1fe: {  	v25 =	vld [tilespmem:s3+$0x10];
	v45 =	vand.u32 $0x6F, v56;
	v56 =	vand.u32 $0x6F, v62;
	v47 =	vor.u32 v2, v26  }
0x1ff: {  	s15 =	simm.s32 $0x2C0;
	v30 =	vld [tilespmem:s3+$0xFFFFFF90];
	v62 =	vor.u32 v45, v19;
	v46 =	vmul.f32 $8.000000000e+00, v46;
	v39 =	vor.u32 v56, v31;
	[tilespmem:s2+$0xFFFFFFF0] =	vst v38  }
0x200: {  	s16 =	sor.u32 $0x50, s15;
	v26 =	vor.u32 v3, v26;
	v47 =	vand.u32 $0x6F, v47;
	v0 =	vmul.f32 $8.000000000e+00, v0;
	v34 =	vld.idx.msk [tilespmem:v34+s18+$0x0], $0xffff  }
0x201: {  	s0 =	sor.u32 $0x70, s9;
	s17 =	simm.s32 $0x340;
	[tilespmem:s10+$0xFFFFFF70] =	vst v23;
	v57 =	vld [tilespmem:s16+$0x1C200];
	v45 =	vmul.f32 $8.000000000e+00, v59;
	v47 =	vor.u32 v47, v36;
	v23 =	vadd.f32 v53, v46  }
0x202: {  	s25 =	sor.u32 $0x50, s17;
	v58 =	vand.u32 $0x6F, v43;
	v52 =	vmul.f32 $8.000000000e+00, v40;
	v56 =	vld [tilespmem:s0+$0x1C200];
	v0 =	vadd.f32 v60, v0  }
0x203: {  	v42 =	vmul.f32 $8.000000000e+00, v42;
	[tilespmem:s2+$0xFFFFFCE0] =	vst v23;
	v23 =	vand.u32 $0x7F, v26;
	v24 =	vor.u32 v58, v37;
	v58 =	vld [tilespmem:s25+$0x1C200]  }
0x204: {  	v26 =	vand.u32 $0x7F, v18;
	v18 =	vor.u32 v22, v19;
	[tilespmem:s2+$0xFFFFFC60] =	vst v0;
	v0 =	vadd.f32 v30, v52;
	v30 =	vld [tilespmem:s3+$0x90]  }
0x205: {  	v22 =	vand.u32 $0x7F, v20;
	v19 =	vadd.f32 v25, v54;
	v40 =	vld.idx.msk [tilespmem:v41+s18+$0x0], $0xffff;
	v34 =	vmul.f32 $8.000000000e+00, v34  }
0x206: {  	p2 =	por $0x1, $0x1;
	v20 =	vor.u32 v27, v21;
	v25 =	vmul.f32 $8.000000000e+00, v13;
	v59 =	vld.idx.msk [tilespmem:v62+s18+$0x0], $0xffff;
	[tilespmem:s2+$0xFFFFFD60] =	vst v0;
	v0 =	vadd.f32 v57, v42  }
.Ltmp8:
0x207: {  	v21 =	vor.u32 v28, v17;
	v13 =	vor.u32 v22, v37;
	[tilespmem:s2+$0xFFFFFE60] =	vst v19;
	v41 =	vld [tilespmem:s3+$0xFFFFFF20];
	v62 =	vadd.f32 v56, v34;
	(pc) =	sbr.rel @!p2 .LBB2_15-.Ltmp8, $4  }
0x208: {  	v29 =	vand.u32 $0x7F, v29;
	v19 =	vor.u32 v23, v36;
	v34 =	vld.idx.msk [tilespmem:v44+s18+$0x0], $0xffff;
	[tilespmem:s2+$0xFFFFFDE0] =	vst v0;
	v0 =	vadd.f32 v58, v55  }
0x209: {  	v17 =	vor.u32 v29, v33;
	[tilespmem:s2+$0x0] =	vst v62;
	v35 =	vld.idx.msk [tilespmem:v61+s18+$0x0], $0xffff;
	v27 =	vadd.f32 v30, v45  }
0x20a: {  	p1 =	por $0x1, $0x1;
	s22 =	sor.u32 $0x60, s15;
	s20 =	sor.u32 $0x60, s17;
	v29 =	vmul.f32 $8.000000000e+00, v11;
	v30 =	vld.idx.msk [tilespmem:v47+s18+$0x0], $0xffff;
	v61 =	vor.u32 v26, v31;
	v26 =	vmul.f32 $8.000000000e+00, v16;
	[tilespmem:s2+$0xFFFFFEE0] =	vst v0  }
0x20b: {  	s5 =	sor.u32 $0x70, s17;
	s21 =	sor.u32 $0x70, s15;
	v25 =	vadd.f32 v14, v25;
	s0 =	simm.s32 $0x17;
	v31 =	vmul.f32 $8.000000000e+00, v59;
	v23 =	vld.idx.msk [tilespmem:v39+s18+$0x0], $0xffff;
	[tilespmem:s2+$0xFFFFFF60] =	vst v27;
	v27 =	vmul.f32 $8.000000000e+00, v15  }
0x20c: {  	v0 =	vld [tilespmem:$0x1FF40];
	_ =	sdelay $0x5  }
0x20d: {  	s1 =	simm.s32 $0x10  }
0x20e: {  	s4 =	sand.u32 $0xF0, s1  }
0x20f: {  	v0 =	vld.idx.msk [tilespmem:v0+s4+$0x0 ss:$0x1], $0xffff;
	_ =	sdelay $0x3  }
0x210: {  	v14 =	vmov s0  }
0x211: {  	s17 =	simm.s32 $0x11;
	v16 =	vmul.f32 $8.000000000e+00, v40;
	s6 =	simm.s32 $0x13;
	s9 =	simm.s32 $0x15;
	v5 =	vadd.f32 v5, v29;
	v0 =	vand.u32 $0x1, v0  }
0x212: {  	s11 =	simm.s32 $0x16;
	v48 =	vld [tilespmem:s22+$0x1C200];
	v6 =	vadd.f32 v6, v26;
	s0 =	sand.u32 $0x9, s17;
	s6 =	sand.u32 $0xB, s6;
	v7 =	vadd.f32 v7, v27;
	v15 =	vperm.xlane v0, v14  }
0x213: {  	v38 =	vld [tilespmem:s3+$0x20];
	s12 =	sand.u32 $0xD, s9;
	s15 =	sand.u32 $0xE, s11;
	v33 =	vmul.f32 $8.000000000e+00, v35;
	v49 =	vmov s0;
	v37 =	vmov s6  }
0x214: {  	v32 =	vld [tilespmem:s3+$0xFFFFFFA0];
	v50 =	vmov s12;
	v44 =	vmov s15;
	v42 =	vshll.u32 v15, $0x6  }
0x215: {  	s8 =	simm.s32 $0xB80;
	v30 =	vmul.f32 $8.000000000e+00, v30;
	v22 =	vor.u32 v63, v42;
	v28 =	vand.u32 $0xFFFFFF80, v42  }
0x216: {  	v39 =	vld [tilespmem:s20+$0x1C200];
	v14 =	vmul.f32 $8.000000000e+00, v4;
	v22 =	vand.u32 $0x4F, v22;
	v43 =	vadd.s32 s8, v28  }
0x217: {  	s25 =	simm.s32 $0x12;
	s0 =	simm.s32 $0x1C700;
	v4 =	vadd.f32 v41, v31;
	v31 =	vmul.f32 $8.000000000e+00, v34;
	v15 =	vld [tilespmem:s3+$0xFFFFFF60];
	v22 =	vor.u32 v22, v43  }
0x218: {  	v55 =	vld [tilespmem:s0+$0xC0];
	v46 =	vadd.f32 v48, v33;
	v38 =	vadd.f32 v38, v30;
	s4 =	sand.u32 $0xA, s25;
	v54 =	vperm.xlane v0, v50  }
0x219: {  	s7 =	simm.s32 $0x14;
	v48 =	vld [tilespmem:s0+$0xFFFFFF00];
	v36 =	vmov s4;
	[tilespmem:s2+$0xFFFFFC70] =	vst v4;
	v4 =	vadd.f32 v32, v31;
	v31 =	vperm.xlane v0, v49  }
0x21a: {  	s1 =	sand.u32 $0x8, s1;
	[tilespmem:s2+$0xFFFFFDF0] =	vst v46;
	v46 =	vld [tilespmem:s0+$0x0];
	v51 =	vperm.xlane v0, v36;
	v52 =	vperm.xlane v0, v37;
	v34 =	vshll.u32 v54, $0x6;
	s8 =	sand.u32 $0xC, s7  }
0x21b: {  	v41 =	vld.idx.msk [tilespmem:v24+s18+$0x0], $0xffff;
	v28 =	vmov s1;
	v36 =	vshll.u32 v31, $0x6;
	v24 =	vmov s8  }
0x21c: {  	v45 =	vperm.xlane v0, v28;
	v24 =	vperm.xlane v0, v24;
	v16 =	vadd.f32 v15, v16;
	v53 =	vld.idx.msk [tilespmem:v22+s18+$0x0], $0xffff  }
0x21d: {  	v50 =	vld [tilespmem:s0+$0xFFFFFF40];
	v8 =	vadd.f32 v8, v14;
	v57 =	vor.u32 v63, v36;
	v0 =	vperm.xlane v0, v44  }
0x21e: {  	v11 =	vld.idx.msk [tilespmem:v18+s18+$0x0], $0xffff;
	v58 =	vand.u32 $0xFFFFFF80, v36;
	v18 =	vshll.u32 v45, $0x6;
	v35 =	vshll.u32 v24, $0x6;
	[tilespmem:s2+$0xFFFFFCF0] =	vst v16  }
0x21f: {  	v56 =	vor.u32 v63, v18;
	v24 =	vshll.u32 v0, $0x6;
	v30 =	vld.idx.msk [tilespmem:v20+s18+$0x0], $0xffff;
	v20 =	vor.u32 v1, v42  }
0x220: {  	s16 =	simm.s32 $0x800;
	v32 =	vld.idx.msk [tilespmem:v17+s18+$0x0], $0xffff;
	[tilespmem:s2+$0xFFFFFD70] =	vst v4;
	v17 =	vand.u32 $0xFFFFFF80, v18;
	v44 =	vand.u32 $0x4F, v56;
	v4 =	vand.u32 $0x5F, v20  }
0x221: {  	v33 =	vld.idx.msk [tilespmem:v21+s18+$0x0], $0xffff;
	v21 =	vadd.s32 s16, v17;
	v20 =	vor.u32 v4, v43;
	v0 =	vmul.f32 $8.000000000e+00, v53  }
0x222: {  	v54 =	vld [tilespmem:s0+$0xFFFFFF80];
	v37 =	vand.u32 $0x4F, v57;
	v16 =	vshll.u32 v51, $0x6;
	v44 =	vor.u32 v44, v21  }
0x223: {  	[tilespmem:s2+$0xFFFFFE70] =	vst v38;
	v31 =	vld [tilespmem:s3+$0xFFFFFF30];
	v47 =	vor.u32 v63, v35;
	v49 =	vand.u32 $0xFFFFFF80, v35;
	v0 =	vadd.f32 v55, v0  }
0x224: {  	s1 =	simm.s32 $0x169B0;
	v28 =	vld.idx.msk [tilespmem:v19+s18+$0x0], $0xffff;
	v51 =	vand.u32 $0xFFFFFF80, v34;
	v22 =	vshll.u32 v52, $0x6;
	v19 =	vor.u32 v63, v16  }
0x225: {  	s20 =	simm.s32 $0x900;
	s17 =	simm.s32 $0x880;
	v15 =	vld [tilespmem:s3+$0xA0];
	v59 =	vand.u32 $0xFFFFFF80, v16;
	v62 =	vor.u32 v63, v22;
	v60 =	vand.u32 $0xFFFFFF80, v22;
	[tilespmem:s1+$0xFFFFFFD0] =	vst v0  }
0x226: {  	s7 =	simm.s32 $0x5C0;
	v19 =	vand.u32 $0x4F, v19;
	v17 =	vadd.s32 s20, v59;
	v52 =	vld.idx.msk [tilespmem:v20+s18+$0x0], $0xffff;
	v20 =	vadd.s32 s17, v58  }
0x227: {  	s25 =	simm.s32 $0x980;
	s22 =	sor.u32 $0x50, s7;
	v57 =	vor.u32 v19, v17;
	v19 =	vor.u32 v2, v42;
	v44 =	vld.idx.msk [tilespmem:v44+s18+$0x0], $0xffff;
	v37 =	vor.u32 v37, v20  }
0x228: {  	s6 =	simm.s32 $0xA00;
	v62 =	vand.u32 $0x4F, v62;
	v40 =	vadd.s32 s25, v60;
	v19 =	vand.u32 $0x6F, v19;
	v45 =	vld [tilespmem:s22+$0x1C200]  }
0x229: {  	s8 =	simm.s32 $0xA80;
	v56 =	vld [tilespmem:s0+$0xFFFFFFC0];
	v58 =	vor.u32 v19, v43;
	v19 =	vadd.s32 s6, v49;
	v49 =	vor.u32 v62, v40  }
0x22a: {  	[tilespmem:s10+$0xFFFFFD80] =	vst v6;
	v47 =	vand.u32 $0x4F, v47;
	v38 =	vadd.s32 s8, v51;
	v6 =	vld [tilespmem:s3+$0xFFFFFF70];
	v0 =	vor.u32 v63, v34  }
0x22b: {  	v59 =	vld [tilespmem:s0+$0x40];
	v53 =	vor.u32 v63, v24;
	v0 =	vand.u32 $0x4F, v0;
	v52 =	vmul.f32 $8.000000000e+00, v52  }
0x22c: {  	v60 =	vand.u32 $0x4F, v53;
	v44 =	vmul.f32 $8.000000000e+00, v44;
	v0 =	vor.u32 v0, v38;
	v53 =	vld.idx.msk [tilespmem:v37+s18+$0x0], $0xffff  }
0x22d: {  	s9 =	simm.s32 $0xB00;
	v55 =	vand.u32 $0xFFFFFF80, v24;
	v47 =	vor.u32 v47, v19;
	v45 =	vadd.f32 v45, v52;
	v52 =	vld.idx.msk [tilespmem:v57+s18+$0x0], $0xffff  }
0x22e: {  	v44 =	vadd.f32 v48, v44;
	v49 =	vld.idx.msk [tilespmem:v49+s18+$0x0], $0xffff;
	v37 =	vadd.s32 s9, v55;
	v57 =	vor.u32 v1, v18  }
0x22f: {  	v55 =	vld [tilespmem:s0+$0x80];
	v51 =	vor.u32 v60, v37;
	v60 =	vor.u32 v1, v36;
	v57 =	vand.u32 $0x5F, v57;
	[tilespmem:s1+$0xFFFFFFE0] =	vst v45  }
0x230: {  	v60 =	vand.u32 $0x5F, v60;
	v45 =	vor.u32 v1, v16;
	v57 =	vor.u32 v57, v21;
	v58 =	vld.idx.msk [tilespmem:v58+s18+$0x0], $0xffff  }
0x231: {  	s11 =	sor.u32 $0x60, s7;
	v0 =	vld.idx.msk [tilespmem:v0+s18+$0x0], $0xffff;
	v60 =	vor.u32 v60, v20;
	v45 =	vand.u32 $0x5F, v45;
	v48 =	vmul.f32 $8.000000000e+00, v53  }
0x232: {  	[tilespmem:s10+$0xFFFFFD00] =	vst v5;
	v42 =	vor.u32 v3, v42;
	v62 =	vld [tilespmem:s11+$0x1C200];
	v45 =	vor.u32 v45, v17;
	v52 =	vmul.f32 $8.000000000e+00, v52  }
0x233: {  	v23 =	vmul.f32 $8.000000000e+00, v23;
	[tilespmem:s10+$0xFFFFFE80] =	vst v8;
	v42 =	vand.u32 $0x7F, v42;
	v47 =	vld.idx.msk [tilespmem:v47+s18+$0x0], $0xffff;
	v29 =	vadd.f32 v50, v48  }
0x234: {  	v42 =	vor.u32 v42, v43;
	[tilespmem:s1+$0xFFFFFC50] =	vst v44;
	v43 =	vld.idx.msk [tilespmem:v51+s18+$0x0], $0xffff;
	v54 =	vadd.f32 v54, v52  }
0x235: {  	v23 =	vadd.f32 v39, v23;
	v5 =	vor.u32 v3, v18;
	v58 =	vmul.f32 $8.000000000e+00, v58;
	[tilespmem:s1+$0xFFFFFCD0] =	vst v29;
	v29 =	vld.idx.msk [tilespmem:v57+s18+$0x0], $0xffff  }
0x236: {  	v14 =	vmul.f32 $8.000000000e+00, v41;
	v26 =	vor.u32 v1, v22;
	v8 =	vor.u32 v2, v22;
	[tilespmem:s1+$0xFFFFFD50] =	vst v54;
	v60 =	vld.idx.msk [tilespmem:v60+s18+$0x0], $0xffff  }
0x237: {  	v22 =	vor.u32 v3, v22;
	v0 =	vmul.f32 $8.000000000e+00, v0;
	v27 =	vadd.f32 v62, v58;
	v45 =	vld.idx.msk [tilespmem:v45+s18+$0x0], $0xffff  }
0x238: {  	v26 =	vand.u32 $0x5F, v26;
	v22 =	vand.u32 $0x7F, v22;
	v62 =	vmul.f32 $8.000000000e+00, v49;
	v58 =	vld [tilespmem:s0+$0xFFFFFF90]  }
0x239: {  	v26 =	vor.u32 v26, v40;
	v0 =	vadd.f32 v59, v0;
	v52 =	vmul.f32 $8.000000000e+00, v47;
	[tilespmem:s1+$0xFFFFFFF0] =	vst v27;
	v27 =	vld [tilespmem:s0+$0xFFFFFF10]  }
0x23a: {  	v54 =	vor.u32 v1, v35;
	v43 =	vmul.f32 $8.000000000e+00, v43;
	v53 =	vadd.f32 v56, v62;
	v56 =	vld [tilespmem:s0+$0xFFFFFF50]  }
0x23b: {  	s12 =	sor.u32 $0x70, s7;
	v59 =	vor.u32 v1, v34;
	v41 =	vadd.f32 v46, v52;
	v48 =	vand.u32 $0x5F, v54;
	v42 =	vld.idx.msk [tilespmem:v42+s18+$0x0], $0xffff  }
0x23c: {  	v57 =	vor.u32 v48, v19;
	v43 =	vadd.f32 v55, v43;
	v29 =	vmul.f32 $8.000000000e+00, v29;
	v62 =	vld [tilespmem:s12+$0x1C200]  }
0x23d: {  	[tilespmem:s1+$0xFFFFFDD0] =	vst v53;
	v44 =	vmul.f32 $8.000000000e+00, v60;
	v60 =	vadd.f32 v15, v14;
	v14 =	vld.idx.msk [tilespmem:v10+s18+$0x0], $0xffff;
	v10 =	vor.u32 v1, v24  }
0x23e: {  	[tilespmem:s10+$0xFFFFFC80] =	vst v25;
	v15 =	vand.u32 $0x5F, v59;
	v59 =	vor.u32 v2, v34;
	v34 =	vor.u32 v3, v34;
	v26 =	vld.idx.msk [tilespmem:v26+s18+$0x0], $0xffff  }
0x23f: {  	s15 =	simm.s32 $0x4C0;
	v46 =	vld [tilespmem:s3+$0xFFFFFFB0];
	[tilespmem:s1+$0xFFFFFE50] =	vst v41;
	v10 =	vand.u32 $0x5F, v10;
	v27 =	vadd.f32 v27, v29;
	v29 =	vmul.f32 $8.000000000e+00, v45  }
0x240: {  	s16 =	sor.u32 $0x50, s15;
	v39 =	vor.u32 v15, v38;
	v15 =	vld.idx.msk [tilespmem:v9+s18+$0x0], $0xffff;
	v9 =	vor.u32 v10, v37;
	v52 =	vadd.f32 v56, v44  }
0x241: {  	[tilespmem:s1+$0xFFFFFF50] =	vst v43;
	v53 =	vld [tilespmem:s16+$0x1C200];
	v42 =	vmul.f32 $8.000000000e+00, v42;
	v25 =	vadd.f32 v58, v29;
	v29 =	vor.u32 v2, v18  }
0x242: {  	s17 =	simm.s32 $0x540;
	v54 =	vld.idx.msk [tilespmem:v57+s18+$0x0], $0xffff;
	v18 =	vand.u32 $0x7F, v5;
	[tilespmem:s1+$0xFFFFFC60] =	vst v27;
	v27 =	vor.u32 v2, v35;
	v35 =	vor.u32 v3, v35  }
0x243: {  	s25 =	sor.u32 $0x50, s17;
	[tilespmem:s1+$0xFFFFFED0] =	vst v0;
	v43 =	vld [tilespmem:s0+$0x90];
	v10 =	vand.u32 $0x6F, v29;
	v4 =	vmul.f32 $8.000000000e+00, v26;
	v26 =	vadd.f32 v62, v42  }
0x244: {  	v57 =	vld [tilespmem:s25+$0x1C200];
	v18 =	vor.u32 v18, v21;
	v27 =	vand.u32 $0x6F, v27;
	v0 =	vor.u32 v10, v21  }
0x245: {  	v29 =	vld [tilespmem:s0+$0x10];
	v10 =	vor.u32 v2, v36;
	v21 =	vor.u32 v2, v16;
	v36 =	vor.u32 v3, v36  }
0x246: {  	v39 =	vld.idx.msk [tilespmem:v39+s18+$0x0], $0xffff;
	v16 =	vor.u32 v3, v16;
	[tilespmem:s1+$0xFFFFFD60] =	vst v25;
	v25 =	vor.u32 v27, v19;
	v27 =	vand.u32 $0x7F, v35  }
0x247: {  	[tilespmem:s10+$0xFFFFFE00] =	vst v7;
	v9 =	vld.idx.msk [tilespmem:v9+s18+$0x0], $0xffff;
	v7 =	vand.u32 $0x6F, v10;
	v10 =	vmul.f32 $8.000000000e+00, v54;
	v36 =	vand.u32 $0x7F, v36  }
0x248: {  	v41 =	vld [tilespmem:s0+$0xFFFFFF20];
	v56 =	vor.u32 v7, v20;
	v20 =	vor.u32 v36, v20;
	v36 =	vand.u32 $0x6F, v59  }
0x249: {  	v16 =	vand.u32 $0x7F, v16;
	v19 =	vor.u32 v27, v19;
	v7 =	vld [tilespmem:s21+$0x1C200];
	v27 =	vor.u32 v36, v38  }
0x24a: {  	v29 =	vadd.f32 v29, v10;
	v10 =	vand.u32 $0x6F, v21;
	v21 =	vand.u32 $0x6F, v8;
	v8 =	vld [tilespmem:s3+$0x30]  }
0x24b: {  	[tilespmem:s2+$0xFFFFFEF0] =	vst v23;
	v23 =	vmul.f32 $8.000000000e+00, v39;
	v58 =	vor.u32 v21, v40;
	v21 =	vor.u32 v16, v17;
	v16 =	vld [tilespmem:s28+$0x1C200]  }
0x24c: {  	[tilespmem:s2+$0xFFFFFF70] =	vst v60;
	v10 =	vor.u32 v10, v17;
	v17 =	vor.u32 v22, v40;
	v22 =	vld [tilespmem:s31+$0xB0];
	v9 =	vmul.f32 $8.000000000e+00, v9  }
0x24d: {  	p2 =	por $0x1, $0x1;
	[tilespmem:s1+$0xFFFFFCE0] =	vst v52;
	v55 =	vadd.f32 v53, v4;
	v0 =	vld.idx.msk [tilespmem:v0+s18+$0x0], $0xffff;
	v23 =	vadd.f32 v57, v23  }
.Ltmp9:
0x24e: {  	v4 =	vmul.f32 $8.000000000e+00, v11;
	[tilespmem:s1+$0xFFFFFE60] =	vst v29;
	v40 =	vld.idx.msk [tilespmem:v56+s18+$0x0], $0xffff;
	v60 =	vadd.f32 v43, v9;
	v9 =	vor.u32 v2, v24;
	(pc) =	sbr.rel @!p2 .LBB2_17-.Ltmp9, $4  }
0x24f: {  	v62 =	vor.u32 v3, v24;
	v29 =	vmul.f32 $8.000000000e+00, v30;
	v30 =	vld.idx.msk [tilespmem:v25+s18+$0x0], $0xffff;
	v9 =	vand.u32 $0x6F, v9;
	[tilespmem:s1+$0xFFFFFEE0] =	vst v23  }
0x250: {  	p0 =	por $0x1, $0x1;
	[tilespmem:s1+$0x0] =	vst v26;
	v26 =	vand.u32 $0x7F, v34;
	v25 =	vadd.f32 v31, v4;
	v24 =	vor.u32 v9, v37;
	v23 =	vld.idx.msk [tilespmem:v27+s18+$0x0], $0xffff  }
0x251: {  	s8 =	simm.s32 $0x1F;
	s22 =	sor.u32 $0x60, s15;
	s20 =	sor.u32 $0x60, s17;
	[tilespmem:s1+$0xFFFFFDE0] =	vst v55;
	v9 =	vand.u32 $0x7F, v62;
	v27 =	vmul.f32 $8.000000000e+00, v32;
	v34 =	vld.idx.msk [tilespmem:v10+s18+$0x0], $0xffff;
	v10 =	vor.u32 v26, v38  }
0x252: {  	s21 =	sor.u32 $0x70, s15;
	s28 =	sor.u32 $0x70, s17;
	s31 =	simm.s32 $0x1C700;
	[tilespmem:s1+$0xFFFFFF60] =	vst v60;
	v35 =	vld.idx.msk [tilespmem:v58+s18+$0x0], $0xffff;
	v9 =	vor.u32 v9, v37;
	v26 =	vmul.f32 $8.000000000e+00, v33;
	v31 =	vmul.f32 $8.000000000e+00, v0  }
.LBB2_18:
0x253: {  	v12 =	vld [tilespmem:$0x1FF40];
	_ =	sdelay $0x4  }
0x254: {  	s6 =	sadd.s32 $0xFFFFFFF9, s8;
	s4 =	sadd.s32 $0xFFFFFFFA, s8;
	s9 =	sadd.s32 $0xFFFFFFFB, s8;
	v4 =	vmul.f32 $8.000000000e+00, v28;
	v33 =	vmul.f32 $8.000000000e+00, v34;
	v5 =	vadd.f32 v6, v29;
	v29 =	vld [tilespmem:s0+$0xFFFFFF60]  }
0x255: {  	v24 =	vld.idx.msk [tilespmem:v24+s18+$0x0], $0xffff;
	s12 =	sadd.s32 $0xFFFFFFFC, s8;
	s15 =	sadd.s32 $0xFFFFFFFD, s8;
	v14 =	vmul.f32 $8.000000000e+00, v14;
	v0 =	vmul.f32 $8.000000000e+00, v40;
	s16 =	sand.u32 $0x8, s6  }
0x256: {  	s11 =	sand.u32 $0xF0, s6;
	[tilespmem:s2+$0xFFFFFC80] =	vst v25;
	v6 =	vadd.f32 v7, v27;
	v7 =	vmul.f32 $8.000000000e+00, v15;
	s4 =	sand.u32 $0x9, s4;
	s9 =	sand.u32 $0xA, s9;
	v27 =	vld [tilespmem:s0+$0xFFFFFFA0];
	v15 =	vmov s16  }
0x257: {  	s25 =	sadd.s32 $0xFFFFFFFE, s8;
	s12 =	sand.u32 $0xB, s12;
	v8 =	vadd.f32 v8, v4;
	v4 =	vmov s4;
	v51 =	vmov s9;
	s9 =	sand.u32 $0xC, s15;
	v25 =	vld.idx.msk [tilespmem:v12+s11+$0x0 ss:$0x1], $0xffff  }
0x258: {  	v53 =	vld [tilespmem:s0+$0x20];
	v52 =	vmov s12;
	s12 =	sand.u32 $0xD, s25;
	[tilespmem:s2+$0xFFFFFD00] =	vst v5;
	v5 =	vadd.f32 v46, v26;
	v37 =	vmov s9  }
0x259: {  	v36 =	vld [tilespmem:s22+$0x1C200];
	v38 =	vmov s12;
	[tilespmem:s2+$0xFFFFFE00] =	vst v6;
	v6 =	vadd.f32 v22, v7;
	v0 =	vadd.f32 v29, v0  }
0x25a: {  	v28 =	vadd.f32 v41, v31;
	v54 =	vmul.f32 $8.000000000e+00, v30;
	v30 =	vmul.f32 $8.000000000e+00, v23;
	[tilespmem:s2+$0xFFFFFD80] =	vst v5  }
0x25b: {  	v32 =	vmul.f32 $8.000000000e+00, v24;
	v5 =	vadd.f32 v16, v14;
	[tilespmem:s1+$0xFFFFFCF0] =	vst v0;
	v0 =	vadd.f32 v27, v33  }
0x25c: {  	v14 =	vmov s8;
	[tilespmem:s1+$0xFFFFFC70] =	vst v28;
	v28 =	vmul.f32 $8.000000000e+00, v35;
	v11 =	vld.idx.msk [tilespmem:v20+s18+$0x0], $0xffff;
	v7 =	vand.u32 $0x1, v25  }
0x25d: {  	s17 =	sadd.s32 $0xFFFFFFFF, s8;
	[tilespmem:s1+$0xFFFFFD70] =	vst v0;
	v0 =	vadd.f32 v53, v54;
	v15 =	vperm.xlane v7, v15;
	v14 =	vperm.xlane v7, v14  }
0x25e: {  	s15 =	sand.u32 $0xE, s17;
	v16 =	vadd.f32 v36, v28;
	v20 =	vperm.xlane v7, v4;
	v22 =	vperm.xlane v7, v51  }
0x25f: {  	v39 =	vmov s15;
	v26 =	vld.idx.msk [tilespmem:v18+s18+$0x0], $0xffff;
	[tilespmem:s1+$0xFFFFFE70] =	vst v0;
	v55 =	vperm.xlane v7, v52;
	v56 =	vperm.xlane v7, v37  }
0x260: {  	[tilespmem:s1+$0xFFFFFDF0] =	vst v16;
	v28 =	vld.idx.msk [tilespmem:v19+s18+$0x0], $0xffff;
	v16 =	vperm.xlane v7, v38;
	v0 =	vperm.xlane v7, v39  }
0x261: {  	v4 =	vld [tilespmem:s0+$0xFFFFFF30];
	v24 =	vshll.u32 v14, $0x6;
	v18 =	vshll.u32 v15, $0x6;
	v19 =	vshll.u32 v20, $0x6  }
0x262: {  	v31 =	vld [tilespmem:s0+$0xA0];
	[tilespmem:$0x1FF20] =	vst v11;
	v11 =	vmovc v10;
	v20 =	vshll.u32 v22, $0x6;
	v33 =	vshll.u32 v55, $0x6;
	v10 =	vshll.u32 v56, $0x6  }
0x263: {  	v23 =	vmovc v9;
	v27 =	vld.idx.msk [tilespmem:v17+s18+$0x0], $0xffff;
	v9 =	vshll.u32 v16, $0x6;
	v17 =	vshll.u32 v0, $0x6;
	v14 =	vand.u32 $0xFFFFFF80, v24  }
0x264: {  	v25 =	vld.idx.msk [tilespmem:v21+s18+$0x0], $0xffff;
	v21 =	vor.u32 v63, v18;
	v0 =	vand.u32 $0xFFFFFF80, v18;
	v22 =	vor.u32 v63, v19  }
0x265: {  	s16 =	sshll.u32 s6, $0x7;
	v15 =	vld.idx.msk [tilespmem:v13+s18+$0x0], $0xffff;
	v57 =	vand.u32 $0xFFFFFF80, v19;
	v58 =	vor.u32 v63, v20;
	v59 =	vand.u32 $0xFFFFFF80, v20  }
0x266: {  	v29 =	vld [tilespmem:s20+$0x1C200];
	s11 =	sadd.s32 $0x380, s16;
	v60 =	vor.u32 v63, v33;
	v62 =	vor.u32 v63, v10;
	[tilespmem:$0x1FF30] =	vst v4;
	v4 =	vor.u32 v63, v24  }
0x267: {  	[tilespmem:s10+$0xFFFFFF80] =	vst v6;
	v6 =	vld [tilespmem:s0+$0xFFFFFF70];
	v42 =	vand.u32 $0xFFFFFF80, v10;
	v40 =	vadd.s32 s11, v14;
	v7 =	vand.u32 $0x4F, v4  }
0x268: {  	[tilespmem:s2+$0xFFFFFE80] =	vst v8;
	v13 =	vld [tilespmem:s0+$0xFFFFFFB0];
	v44 =	vor.u32 v63, v9;
	v45 =	vand.u32 $0xFFFFFF80, v9;
	v8 =	vor.u32 v7, v40  }
0x269: {  	s25 =	sadd.s32 $0x80, s16;
	v14 =	vld.idx.msk [tilespmem:v61+s18+$0x0], $0xffff;
	[tilespmem:s10+$0xFFFFFF00] =	vst v5;
	v61 =	vand.u32 $0xFFFFFF80, v33;
	v47 =	vand.u32 $0x4F, v21;
	v34 =	vadd.s32 s16, v0  }
0x26a: {  	s20 =	sadd.s32 $0x200, s16;
	v0 =	vand.u32 $0xFFFFFF80, v17;
	v22 =	vand.u32 $0x4F, v22;
	v35 =	vadd.s32 s25, v57;
	v16 =	vld [tilespmem:s5+$0x1C200]  }
0x26b: {  	s4 =	sadd.s32 $0x100, s16;
	v37 =	vadd.s32 s20, v42;
	v46 =	vor.u32 v47, v34;
	v42 =	vor.u32 v22, v35;
	v22 =	vld [tilespmem:s3+$0xB0]  }
0x26c: {  	p2 =	slt.u32 s6, $0xC0;
	s6 =	sadd.s32 $0x280, s16;
	v48 =	vand.u32 $0x4F, v58;
	v21 =	vadd.s32 s4, v59;
	v41 =	vand.u32 $0x4F, v62;
	v7 =	vld [tilespmem:s21+$0x1C200]  }
0x26d: {  	s17 =	sadd.s32 $0x180, s16;
	v44 =	vand.u32 $0x4F, v44;
	v38 =	vadd.s32 s6, v45;
	v48 =	vor.u32 v48, v21;
	v43 =	vld.idx.msk [tilespmem:v8+s18+$0x0], $0xffff  }
0x26e: {  	s22 =	sadd.s32 $0x300, s16;
	v63 =	vor.u32 v63, v17;
	v36 =	vadd.s32 s17, v61;
	v41 =	vor.u32 v41, v37;
	v8 =	vld [tilespmem:s0+$0x30];
	s0 =	sadd.s32 $0x200, s0  }
0x26f: {  	v39 =	vadd.s32 s22, v0;
	v44 =	vor.u32 v44, v38;
	v61 =	vand.u32 $0x4F, v63;
	v49 =	vld [tilespmem:s0+$0xC0]  }
0x270: {  	v57 =	vor.u32 v1, v24;
	v45 =	vor.u32 v61, v39;
	v46 =	vld.idx.msk [tilespmem:v46+s18+$0x0], $0xffff  }
0x271: {  	v58 =	vand.u32 $0x5F, v57;
	v42 =	vld.idx.msk [tilespmem:v42+s18+$0x0], $0xffff  }
0x272: {  	v51 =	vand.u32 $0x4F, v60;
	v60 =	vor.u32 v58, v40;
	v48 =	vld.idx.msk [tilespmem:v48+s18+$0x0], $0xffff;
	v59 =	vmul.f32 $8.000000000e+00, v43  }
0x273: {  	v41 =	vld.idx.msk [tilespmem:v41+s18+$0x0], $0xffff  }
0x274: {  	v44 =	vld.idx.msk [tilespmem:v44+s18+$0x0], $0xffff;
	v0 =	vadd.f32 v49, v59  }
0x275: {  	v29 =	vadd.f32 v29, v30;
	s10 =	smov.u32 s2;
	s2 =	smov.u32 s1;
	s1 =	sadd.s32 $0x400, s1;
	v45 =	vld.idx.msk [tilespmem:v45+s18+$0x0], $0xffff;
	v49 =	vor.u32 v51, v36  }
0x276: {  	v30 =	vadd.f32 v31, v32;
	v56 =	vor.u32 v1, v19;
	v12 =	vor.u32 v2, v19;
	v50 =	vld [tilespmem:s0+$0xFFFFFF00];
	[tilespmem:s1+$0xFFFFFFD0] =	vst v0  }
0x277: {  	s7 =	sadd.s32 $0x200, s7;
	v19 =	vor.u32 v3, v19;
	v56 =	vand.u32 $0x5F, v56;
	v5 =	vor.u32 v2, v9;
	v43 =	vld.idx.msk [tilespmem:v60+s18+$0x0], $0xffff  }
0x278: {  	s9 =	sor.u32 $0x50, s7;
	v12 =	vand.u32 $0x6F, v12;
	v19 =	vand.u32 $0x7F, v19;
	v27 =	vmul.f32 $8.000000000e+00, v27;
	v52 =	vld [tilespmem:s0+$0xFFFFFF40]  }
0x279: {  	v57 =	vor.u32 v1, v20;
	v56 =	vor.u32 v56, v35;
	v0 =	vor.u32 v1, v18;
	v62 =	vld [tilespmem:s9+$0x1C200]  }
0x27a: {  	v5 =	vand.u32 $0x6F, v5;
	v63 =	vor.u32 v2, v24;
	v0 =	vand.u32 $0x5F, v0;
	v49 =	vld.idx.msk [tilespmem:v49+s18+$0x0], $0xffff  }
0x27b: {  	v63 =	vand.u32 $0x6F, v63;
	v53 =	vld [tilespmem:s0+$0xFFFFFF80];
	v46 =	vmul.f32 $8.000000000e+00, v46;
	v0 =	vor.u32 v0, v34  }
0x27c: {  	v58 =	vor.u32 v1, v33;
	v63 =	vor.u32 v63, v40;
	v54 =	vld [tilespmem:s0+$0xFFFFFFC0];
	v43 =	vmul.f32 $8.000000000e+00, v43  }
0x27d: {  	v57 =	vand.u32 $0x5F, v57;
	v42 =	vmul.f32 $8.000000000e+00, v42;
	v46 =	vadd.f32 v50, v46;
	v51 =	vld [tilespmem:s0+$0x40]  }
0x27e: {  	v61 =	vor.u32 v1, v17;
	v58 =	vand.u32 $0x5F, v58;
	v47 =	vld [tilespmem:s0+$0x0];
	v43 =	vadd.f32 v62, v43  }
0x27f: {  	v55 =	vld [tilespmem:s0+$0x80];
	v42 =	vadd.f32 v52, v42;
	[tilespmem:s1+$0xFFFFFC50] =	vst v46;
	v60 =	vor.u32 v1, v9;
	v46 =	vmul.f32 $8.000000000e+00, v49  }
0x280: {  	v58 =	vor.u32 v58, v36;
	v44 =	vmul.f32 $8.000000000e+00, v44;
	v60 =	vand.u32 $0x5F, v60;
	v0 =	vld.idx.msk [tilespmem:v0+s18+$0x0], $0xffff;
	[tilespmem:s1+$0xFFFFFFE0] =	vst v43  }
0x281: {  	s17 =	sor.u32 $0x60, s7;
	[tilespmem:s1+$0xFFFFFCD0] =	vst v42;
	v60 =	vor.u32 v60, v38;
	v43 =	vmul.f32 $8.000000000e+00, v48;
	v42 =	vadd.f32 v54, v46;
	v63 =	vld.idx.msk [tilespmem:v63+s18+$0x0], $0xffff  }
0x282: {  	v57 =	vor.u32 v57, v21;
	v59 =	vor.u32 v1, v10;
	v54 =	vadd.f32 v51, v44;
	v46 =	vld [tilespmem:s17+$0x1C200]  }
0x283: {  	v61 =	vand.u32 $0x5F, v61;
	v59 =	vand.u32 $0x5F, v59;
	v43 =	vadd.f32 v53, v43;
	v53 =	vld.idx.msk [tilespmem:v56+s18+$0x0], $0xffff;
	[tilespmem:s1+$0xFFFFFDD0] =	vst v42  }
0x284: {  	v41 =	vmul.f32 $8.000000000e+00, v41;
	v59 =	vor.u32 v59, v37;
	v62 =	vor.u32 v2, v18;
	[tilespmem:s1+$0xFFFFFED0] =	vst v54;
	v54 =	vld [tilespmem:s0+$0xFFFFFF50]  }
0x285: {  	v61 =	vor.u32 v61, v39;
	v52 =	vand.u32 $0x6F, v62;
	v62 =	vmul.f32 $8.000000000e+00, v45;
	v44 =	vld.idx.msk [tilespmem:v58+s18+$0x0], $0xffff  }
0x286: {  	v12 =	vor.u32 v12, v35;
	v24 =	vor.u32 v3, v24;
	v41 =	vadd.f32 v47, v41;
	v42 =	vld.idx.msk [tilespmem:v60+s18+$0x0], $0xffff  }
0x287: {  	v4 =	vor.u32 v2, v20;
	v24 =	vand.u32 $0x7F, v24;
	v55 =	vadd.f32 v55, v62;
	v60 =	vld [tilespmem:s0+$0xFFFFFF10];
	[tilespmem:s1+$0xFFFFFD50] =	vst v43  }
0x288: {  	v20 =	vor.u32 v3, v20;
	v4 =	vand.u32 $0x6F, v4;
	v40 =	vor.u32 v24, v40;
	[tilespmem:s1+$0xFFFFFE50] =	vst v41;
	v45 =	vld.idx.msk [tilespmem:v57+s18+$0x0], $0xffff  }
0x289: {  	v4 =	vor.u32 v4, v21;
	v50 =	vor.u32 v2, v33;
	[tilespmem:s1+$0xFFFFFF50] =	vst v55;
	v57 =	vld.idx.msk [tilespmem:v59+s18+$0x0], $0xffff;
	v56 =	vmul.f32 $8.000000000e+00, v63  }
0x28a: {  	v33 =	vor.u32 v3, v33;
	v24 =	vand.u32 $0x6F, v50;
	v49 =	vor.u32 v2, v17;
	v59 =	vld.idx.msk [tilespmem:v61+s18+$0x0], $0xffff  }
0x28b: {  	v18 =	vor.u32 v3, v18;
	v0 =	vmul.f32 $8.000000000e+00, v0;
	v31 =	vld [tilespmem:s0+$0xFFFFFF90];
	v43 =	vadd.f32 v46, v56  }
0x28c: {  	v18 =	vand.u32 $0x7F, v18;
	v48 =	vor.u32 v2, v10;
	v10 =	vor.u32 v3, v10;
	[tilespmem:s2+$0xFFFFFF70] =	vst v30;
	v30 =	vld [tilespmem:s0+$0x10]  }
0x28d: {  	s25 =	sadd.s32 $0xFFFFFF00, s7;
	v62 =	vmul.f32 $8.000000000e+00, v53;
	v46 =	vor.u32 v52, v34;
	v0 =	vadd.f32 v60, v0;
	v60 =	vld [tilespmem:s0+$0x90];
	[tilespmem:s1+$0xFFFFFFF0] =	vst v43  }
0x28e: {  	s6 =	sadd.s32 $0xFFFFFF80, s7;
	s15 =	sor.u32 $0x50, s25;
	v18 =	vor.u32 v18, v34;
	v58 =	vand.u32 $0x6F, v49;
	[tilespmem:s2+$0xFFFFFEF0] =	vst v29;
	v53 =	vmul.f32 $8.000000000e+00, v45;
	v40 =	vld.idx.msk [tilespmem:v40+s18+$0x0], $0xffff  }
0x28f: {  	s22 =	sor.u32 $0x60, s25;
	s21 =	sor.u32 $0x70, s25;
	s25 =	sor.u32 $0x70, s7;
	v29 =	vld [tilespmem:s15+$0x1C200];
	v52 =	vor.u32 v24, v36;
	v24 =	vor.u32 v58, v39;
	[tilespmem:s1+$0xFFFFFC60] =	vst v0;
	v0 =	vadd.f32 v54, v62  }
0x290: {  	s16 =	sor.u32 $0x50, s6;
	v55 =	vmul.f32 $8.000000000e+00, v57;
	v57 =	vmul.f32 $8.000000000e+00, v59;
	v56 =	vld [tilespmem:s25+$0x1C200];
	v31 =	vadd.f32 v31, v53  }
0x291: {  	v58 =	vld [tilespmem:s16+$0x1C200];
	v59 =	vand.u32 $0x7F, v20;
	v20 =	vor.u32 v19, v35;
	[tilespmem:s1+$0xFFFFFCE0] =	vst v0;
	v0 =	vand.u32 $0x7F, v10  }
0x292: {  	v48 =	vand.u32 $0x6F, v48;
	v46 =	vld.idx.msk [tilespmem:v46+s18+$0x0], $0xffff;
	v19 =	vor.u32 v0, v37;
	v0 =	vadd.f32 v60, v57;
	[tilespmem:s1+$0xFFFFFD60] =	vst v31  }
0x293: {  	v48 =	vor.u32 v48, v37;
	v34 =	vld.idx.msk [tilespmem:v4+s18+$0x0], $0xffff;
	v4 =	vadd.f32 v30, v55;
	v40 =	vmul.f32 $8.000000000e+00, v40  }
0x294: {  	v5 =	vor.u32 v5, v38;
	v33 =	vand.u32 $0x7F, v33;
	v44 =	vmul.f32 $8.000000000e+00, v44;
	[tilespmem:s1+$0xFFFFFF60] =	vst v0;
	v0 =	vld [tilespmem:$0x1FF30]  }
0x295: {  	v9 =	vor.u32 v3, v9;
	v42 =	vmul.f32 $8.000000000e+00, v42;
	[tilespmem:s1+$0xFFFFFE60] =	vst v4;
	v4 =	vld [tilespmem:$0x1FF20];
	v10 =	vadd.f32 v56, v40  }
.Ltmp10:
0x296: {  	v9 =	vand.u32 $0x7F, v9;
	v17 =	vor.u32 v3, v17;
	v40 =	vld.idx.msk [tilespmem:v12+s18+$0x0], $0xffff;
	v12 =	vadd.f32 v29, v44;
	(pc) =	sbr.rel @p2 .LBB2_18-.Ltmp10, $4  }
0x297: {  	v61 =	vmovc v11;
	v63 =	vlaneseq.u32;
	v62 =	vmul.f32 $8.000000000e+00, v26;
	v41 =	vld [tilespmem:s0+$0xFFFFFF20];
	[tilespmem:s1+$0x0] =	vst v10;
	v10 =	vadd.f32 v58, v42  }
0x298: {  	v21 =	vor.u32 v59, v21;
	v31 =	vand.u32 $0x7F, v17;
	v17 =	vor.u32 v33, v36;
	v30 =	vld.idx.msk [tilespmem:v48+s18+$0x0], $0xffff;
	[tilespmem:s1+$0xFFFFFDE0] =	vst v12  }
0x299: {  	s8 =	sadd.s32 $0x8, s8;
	s5 =	smov.u32 s28;
	s3 =	smov.u32 s31;
	v26 =	vmul.f32 $8.000000000e+00, v25;
	v25 =	vadd.f32 v0, v62;
	v35 =	vld.idx.msk [tilespmem:v52+s18+$0x0], $0xffff;
	[tilespmem:s1+$0xFFFFFEE0] =	vst v10;
	v10 =	vor.u32 v9, v38  }
0x29a: {  	s20 =	sor.u32 $0x60, s6;
	s28 =	sor.u32 $0x70, s6;
	s31 =	smov.u32 s0;
	v29 =	vmul.f32 $8.000000000e+00, v4;
	v9 =	vor.u32 v31, v39;
	v31 =	vmul.f32 $8.000000000e+00, v46;
	v46 =	vmovc v13;
	v13 =	vmovc v23;
	v23 =	vld.idx.msk [tilespmem:v5+s18+$0x0], $0xffff  }
0x29b: {  	v36 =	vmov v28;
	s6 =	smov.u32 s2;
	s2 =	smov.u32 s1;
	v12 =	vmov v61;
	v28 =	vmov v13;
	s1 =	smov.u32 s5  }
.LBB2_20:
0x29c: {  	_ =	sdelay $0x2  }
0x29d: {  	v0 =	vld [tilespmem:s0+$0xFFFFFF60]  }
0x29e: {  	v4 =	vld.idx.msk [tilespmem:v24+s18+$0x0], $0xffff  }
0x29f: {  	v5 =	vld [tilespmem:s0+$0xFFFFFFA0]  }
0x2a0: {  	v13 =	vld [tilespmem:s22+$0x1C200]  }
0x2a1: {  	v50 =	vld [tilespmem:s0+$0x20]  }
0x2a2: {  	v51 =	vld [tilespmem:s20+$0x1C200];
	v14 =	vmul.f32 @p0 $8.000000000e+00, v14;
	v7 =	vadd.f32 @p1 v7, v27  }
0x2a3: {  	v11 =	vmul.f32 $8.000000000e+00, v40;
	v49 =	vadd.f32 v41, v31;
	v33 =	vld [tilespmem:s0+$0xA0]  }
0x2a4: {  	v12 =	vld.idx.msk @p1 [tilespmem:v12+s18+$0x0], $0xffff;
	v52 =	vmul.f32 $8.000000000e+00, v35;
	[tilespmem:s6+$0xFFFFFE00] =	vst @p1 v7;
	v7 =	vadd.f32 @p0 v16, v14  }
0x2a5: {  	v24 =	vld.idx.msk @p1 [tilespmem:v28+s18+$0x0], $0xffff;
	[tilespmem:s2+$0xFFFFFC70] =	vst v49;
	v0 =	vadd.f32 v0, v11  }
0x2a6: {  	v18 =	vld.idx.msk [tilespmem:v18+s18+$0x0], $0xffff;
	[tilespmem:s10+$0xFFFFFF00] =	vst @p0 v7;
	v13 =	vadd.f32 v13, v52  }
0x2a7: {  	v7 =	vld @p1 [tilespmem:s1+$0x1C200];
	[tilespmem:s2+$0xFFFFFCF0] =	vst v0  }
0x2a8: {  	v32 =	vmul.f32 $8.000000000e+00, v34;
	[tilespmem:s2+$0xFFFFFDF0] =	vst v13;
	v20 =	vld.idx.msk [tilespmem:v20+s18+$0x0], $0xffff  }
0x2a9: {  	v13 =	vld.idx.msk [tilespmem:v17+s18+$0x0], $0xffff  }
0x2aa: {  	v15 =	vmul.f32 @p0 $8.000000000e+00, v15;
	v0 =	vadd.f32 v5, v32;
	v53 =	vld [tilespmem:s0+$0xFFFFFF70]  }
0x2ab: {  	v5 =	vmul.f32 $8.000000000e+00, v30;
	v56 =	vld [tilespmem:s21+$0x1C200]  }
0x2ac: {  	v15 =	vadd.f32 @p0 v22, v15;
	v54 =	vmul.f32 $8.000000000e+00, v23;
	[tilespmem:s2+$0xFFFFFD70] =	vst v0;
	v0 =	vld [tilespmem:s0+$0xFFFFFF30]  }
0x2ad: {  	[tilespmem:s6+$0xFFFFFC80] =	vst @p1 v25;
	v4 =	vmul.f32 $8.000000000e+00, v4;
	v5 =	vadd.f32 v50, v5;
	v21 =	vld.idx.msk [tilespmem:v21+s18+$0x0], $0xffff  }
0x2ae: {  	[tilespmem:s10+$0xFFFFFF80] =	vst @p0 v15;
	v11 =	vadd.f32 v51, v54;
	v58 =	vmul.f32 $8.000000000e+00, v18;
	v18 =	vld @p1 [tilespmem:s3+$0xB0]  }
0x2af: {  	v4 =	vadd.f32 v33, v4;
	v55 =	vld [tilespmem:s0+$0xFFFFFFB0];
	[tilespmem:s2+$0xFFFFFE70] =	vst v5  }
0x2b0: {  	[tilespmem:s2+$0xFFFFFEF0] =	vst v11;
	v17 =	vadd.f32 @p1 v6, v29;
	v5 =	vld.idx.msk [tilespmem:v19+s18+$0x0], $0xffff  }
0x2b1: {  	v6 =	vadd.f32 @p1 v46, v26;
	v10 =	vld.idx.msk [tilespmem:v10+s18+$0x0], $0xffff;
	[tilespmem:s2+$0xFFFFFF70] =	vst v4;
	v19 =	vmul.f32 @p1 $8.000000000e+00, v36  }
0x2b2: {  	[tilespmem:s6+$0xFFFFFD00] =	vst @p1 v17;
	v57 =	vld [tilespmem:s0+$0x30];
	v59 =	vmul.f32 $8.000000000e+00, v20;
	v0 =	vadd.f32 v0, v58;
	v4 =	vmul.f32 $8.000000000e+00, v21  }
0x2b3: {  	[tilespmem:s6+$0xFFFFFD80] =	vst @p1 v6;
	v9 =	vld.idx.msk [tilespmem:v9+s18+$0x0], $0xffff;
	v13 =	vmul.f32 $8.000000000e+00, v13;
	v8 =	vadd.f32 @p1 v8, v19  }
0x2b4: {  	v11 =	vadd.f32 v53, v59;
	v12 =	vpsel p1, v12, v0;
	[tilespmem:s2+$0xFFFFFC80] =	vst v0;
	v0 =	vadd.f32 v55, v4  }
0x2b5: {  	v60 =	vadd.f32 v56, v13;
	[tilespmem:s6+$0xFFFFFE80] =	vst @p1 v8;
	v5 =	vmul.f32 $8.000000000e+00, v5;
	v4 =	vld [tilespmem:s28+$0x1C200]  }
0x2b6: {  	v61 =	vld [tilespmem:s31+$0xB0];
	v12 =	vmul.f32 @p1 $8.000000000e+00, v12;
	[tilespmem:s2+$0xFFFFFD00] =	vst v11;
	v6 =	vpsel p1, v24, v0  }
0x2b7: {  	[tilespmem:s2+$0xFFFFFE00] =	vst v60;
	v7 =	vpsel p1, v7, v0;
	v5 =	vadd.f32 v57, v5;
	v6 =	vmul.f32 @p1 $8.000000000e+00, v6  }
0x2b8: {  	s0 =	smov.u32 @p1 s6;
	v62 =	vmul.f32 $8.000000000e+00, v10;
	[tilespmem:s2+$0xFFFFFD80] =	vst v0;
	v0 =	vpsel p1, v18, v0;
	v7 =	vadd.f32 @p1 v7, v12  }
0x2b9: {  	s0 =	smov.u32 @p1 s0;
	[tilespmem:s2+$0xFFFFFE80] =	vst v5;
	v5 =	vmul.f32 $8.000000000e+00, v9;
	v0 =	vadd.f32 @p1 v0, v6  }
.Ltmp11:
0x2ba: {  	[tilespmem:s0+$0xFFFFFF00] =	vst @p1 v7;
	v4 =	vadd.f32 v4, v62;
	(pc) =	sbr.rel @p3 .LBB2_22-.Ltmp11, $4  }
0x2bb: {  	s28 =	sadd.s32 s24, s14;
	[tilespmem:s0+$0xFFFFFF80] =	vst @p1 v0;
	v0 =	vadd.f32 v61, v5  }
0x2bc: {  	[tilespmem:s2+$0xFFFFFF00] =	vst v4;
	s0 =	sshll.u32 s28, $0x4  }
0x2bd: {  	s31 =	simm.s32 $0x15E00;
	s0 =	sadd.s32 s29, s0;
	[tilespmem:s2+$0xFFFFFF80] =	vst v0  }
0x2be: {  	[hbm4b:s0+s19] =	stream.linear.scatter [tilespmem:s31], [sflag:$0x4], $0x6400, $0x38;
	[tilespmem:$0x1F600] =	vst v63  }
.Ltmp12:
0x2bf: {  	(pc) =	sbr.rel .LBB2_4-.Ltmp12, $4  }
0x2c0: {  	s0 =	sadd.s32 $0x1B58, s30;
	s1 =	simm.s32 $0x78;
	s30 =	sadd.s32 $0x1BD0, s30  }
0x2c1: {  	[tilespmem:s18], [sflag:$0x2] =	stream.indirect.gather [hbm4b:s26+s1], $0x80, s0, s1, $0xb8;
	[tilespmem:$0x1F600] =	vst v63  }
0x2c2: {  	s31 =	simm.s32 $0x50;
	s2 =	simm.s32 $0xD200;
	s23 =	sadd.s32 $0x1, s23  }
0x2c3: {  	[tilespmem:s2], [sflag:$0x2] =	stream.indirect.gather [hbm4b:s26+s31], $0x80, s30, s31, $0xb8;
	[tilespmem:$0x1F600] =	vst v63  }
.LBB2_5:
.Ltmp13:
0x2c4: {  	(pc) =	sbr.rel .LBB2_12-.Ltmp13, $4  }
0x2c5: {  	_ = 	snop  }
0x2c6: {  	s16 =	simm.s32 $0x1C300;
	s23 =	simm.s32 $0xFC00  }
0x2c7: {  	s12 =	smov.u32 s22;
	s9 =	smov.u32 s20;
	s1 =	smov.u32 s21  }
0x2c8: {  	s6 =	smov.u32 s28;
	s25 =	simm.s32 $0x1C300;
	p4 =	por $0x0, $0x0  }
.LBB2_13:
.Ltmp14:
0x2c9: {  	(pc) =	sbr.rel .LBB2_20-.Ltmp14, $2  }
0x2ca: {  	_ =	sdelay $0x2  }
0x2cb: {  	s0 =	simm.s32 $0x1C300;
	s2 =	simm.s32 $0x161B0;
	p1 =	por $0x0, $0x0  }
.LBB2_7:
0x2cc: {  	v52 =	vld [tilespmem:$0x1FFE0]  }
0x2cd: {  	v53 =	vld [tilespmem:$0x1FFD0]  }
0x2ce: {  	v54 =	vld [tilespmem:$0x1FFC0]  }
.Ltmp15:
0x2cf: {  	v55 =	vld [tilespmem:$0x1FFB0];
	(pc) =	sbr.rel .LBB2_12-.Ltmp15, $4  }
0x2d0: {  	v56 =	vld [tilespmem:$0x1FFA0]  }
0x2d1: {  	v57 =	vld [tilespmem:$0x1FF90]  }
0x2d2: {  	v16 =	vmovc v14;
	v40 =	vmovc v12;
	s16 =	simm.s32 $0x1C500;
	v12 =	vmov v19;
	v36 =	vmov v18;
	s10 =	simm.s32 $0xFC00;
	v19 =	vmov v21;
	s4 =	smov.u32 s28;
	v58 =	vld [tilespmem:$0x1FF80]  }
0x2d3: {  	v18 =	vmovc v20;
	s17 =	simm.s32 $0x1C300;
	p4 =	por $0x0, $0x0;
	v63 =	vlaneseq.u32;
	v59 =	vld [tilespmem:$0x1FF70];
	s3 =	rddreg [dreg:$0xc];
	v47 =	vmovc v15;
	v15 =	vmov v13;
	v51 =	vmov v17  }
.LBB2_15:
.Ltmp16:
0x2d4: {  	(pc) =	sbr.rel .LBB2_20-.Ltmp16, $3  }
0x2d5: {  	_ =	sdelay $0x1  }
0x2d6: {  	v46 =	vmov v6;
	v6 =	vmov v5;
	s0 =	simm.s32 $0x1C500;
	s1 =	smov.u32 s28;
	s6 =	simm.s32 $0x161B0  }
0x2d7: {  	v36 =	vmovc v4;
	v12 =	vmovc v10;
	v28 =	vmov v9;
	v10 =	vmov v61;
	v9 =	vmov v13;
	s28 =	smov.u32 s5;
	s3 =	simm.s32 $0x1C300;
	s31 =	simm.s32 $0x1C500  }
.LBB2_9:
0x2d8: {  	v52 =	vld [tilespmem:$0x1FFE0]  }
0x2d9: {  	v53 =	vld [tilespmem:$0x1FFD0]  }
0x2da: {  	s10 =	simm.s32 $0x10000;
	s4 =	smov.u32 s6;
	v54 =	vld [tilespmem:$0x1FFC0]  }
.Ltmp17:
0x2db: {  	s23 =	simm.s32 $0x10400;
	s29 =	rddreg [dreg:$0x4];
	v55 =	vld [tilespmem:$0x1FFB0];
	(pc) =	sbr.rel .LBB2_12-.Ltmp17, $4  }
0x2dc: {  	s6 =	smov.u32 s0;
	s17 =	simm.s32 $0x1C500;
	s7 =	rddreg [dreg:$0x9];
	v56 =	vld [tilespmem:$0x1FFA0]  }
0x2dd: {  	s25 =	simm.s32 $0x1C700;
	s26 =	smov.u32 s11;
	v57 =	vld [tilespmem:$0x1FF90];
	s11 =	rddreg [dreg:$0xa]  }
0x2de: {  	s19 =	simm.s32 $0x0;
	s24 =	smov.u32 s8;
	v58 =	vld [tilespmem:$0x1FF80];
	s15 =	rddreg [dreg:$0xb]  }
0x2df: {  	v40 =	vmov v17;
	v12 =	vmov v21;
	v36 =	vmov v20;
	s8 =	simm.s32 $0xF;
	v59 =	vld [tilespmem:$0x1FF70];
	s5 =	simm.s32 $0x380;
	s3 =	rddreg [dreg:$0xc]  }
.LBB2_17:
.Ltmp18:
0x2e0: {  	(pc) =	sbr.rel .LBB2_20-.Ltmp18, $3  }
0x2e1: {  	_ =	sdelay $0x1  }
0x2e2: {  	s6 =	simm.s32 $0x165B0  }
0x2e3: {  	v36 =	vmov v28;
	s2 =	simm.s32 $0x169B0;
	v12 =	vmov v61;
	v28 =	vmov v13;
	s1 =	smov.u32 s5;
	s31 =	simm.s32 $0x1C700  }
.LBB2_23:
0x2e4: {  	_ =	sfence.sel $0x180000  }
0x2e5: {  	[bflag:$0x0] =	sbarrier.arrive $0xFFFF  }
0x2e6: {  	_ =	strace $0x90000047  }
0x2e7: {  	s0 =	stileid.u32;
	[bflag:$0x2] =	sbarrier.arrive $0xFFFF  }
0x2e8: {  	p0 =	sne.s32 s0, $0x0;
	s0 =	rddreg [dreg:$0x2]  }
0x2e9: {  	s0 =	sadd.s32 @!p0 $0x100000, s0  }
0x2ea: {  	[sflag:s0] =	ssyncadd.tile.s32 @!p0 $0x1;
	_ =	shalt  }
.Lfunc_end2:
_tile_overlayer_lowered:
.L_overlay_start_2:
0x2eb: {  	(tag) =	ssettag $0x2  }
0x2ec: {  	s0 =	rddreg [dreg:$0x0];
	s2 =	stileid.u32  }
0x2ed: {  	s1 =	rddreg [dreg:$0x1];
	p0 =	sne.s32 s2, $0x0  }
0x2ee: {  	s3 =	rddreg [dreg:$0x2];
	[bflag:$0x3] =	sbarrier.arrive $0xFFFF;
	s2 =	simm.s32 @!p0 $0x1C05  }
0x2ef: {  	[timem:s3], [sflag:s2] =	dma.local @!p0 [hbm:s0], s1  }
0x2f0: {  	s0 =	simm.s32 @!p0 $0x5  }
0x2f1: {  	_ =	swait.ge @!p0 [sflag:s0], s1  }
0x2f2: {  	s1 =	ssub.s32 @!p0 $0x0, s1;
	[sflag:s0] =	ssyncset.done @!p0 $0x0  }
0x2f3: {  	[sflag:s0] =	ssyncadd.s32 @!p0 s1  }
0x2f4: {  	[bflag:$0x3] =	sbarrier.arrive $0xFFFF  }
0x2f5: {  	_ =	shalt  }

// kernel: sparse-core-data-format-call.cloned.1.call-start
scs
called_computation_lowered:
.L_overlay_start_0:
0x0: {  	s2 =	sld [smem:$0x3FD9]  }
0x1: {  	s3 =	sld [smem:$0x3FFE];
	_ =	sdelay $0x1  }
0x2: {  	s1 =	srdreg.scid  }
0x3: {  	s0 =	sand.u32 $0x1, s1  }
0x4: {  	s18 =	sshll.u32 s0, $0xA;
	s2 =	sadd.s32 s3, s2  }
0x5: {  	s2 =	sadd.s32 s2, s18  }
0x6: {  	[smem:$0x3FC6] =	sst s2  }
0x7: {  	_ = 	snop  }
0x8: {  	s2 =	sld [smem:$0x3FD0];
	(tm) =	ssettm $0x1  }
0x9: {  	s19 =	sld [smem:$0x3FFB];
	_ =	sdelay $0x3  }
0xa: {  	_ =	strace s19  }
0xb: {  	s3 =	sld [smem:$0x3FFC];
	_ =	sdelay $0x3  }
0xc: {  	_ =	strace s3  }
0xd: {  	s3 =	sld [smem:$0x3FFD];
	_ =	sdelay $0x3  }
0xe: {  	_ =	strace s3  }
0xf: {  	_ =	strace $0x8FFFFFFF  }
0x10: {  	s20 =	sld [smem:$0x3FDB];
	_ =	sdelay $0x1  }
0x11: {  	s4 =	simm.s32 $_scs_section_size  }
0x12: {  	s5 =	simm.s32 $_size__tile_overlayer_lowered;
	s6 =	simm.s32 $_tile_overlayer_lowered  }
0x13: {  	s23 =	simm.s32 $0x1BFF;
	s22 =	sshll.u32 s6, $0x1;
	s3 =	sadd.s32 s4, s20  }
0x14: {  	s7 =	simm.s32 $0x0;
	s21 =	sshll.u32 s5, $0x1;
	s5 =	sadd.s32 s22, s3  }
0x15: {  	[timem:s7], [sflag:s23] =	dma.local [hbm:s5], s21  }
0x16: {  	_ =	swait.ge [sflag:s23], s21  }
0x17: {  	s4 =	ssub.s32 $0x0, s21;
	[sflag:s23] =	ssyncset.done $0x0  }
0x18: {  	[sflag:s23] =	ssyncadd.s32 s4;
	_ =	sdelay $0x1  }
0x19: {  	s24 =	simm.s32 $0x1B8B  }
0x1a: {  	_ =	swait.ge [sflag:s24], $0x1  }
0x1b: {  	[sflag:s24] =	ssyncset.done $0x0  }
0x1c: {  	s26 =	simm.s32 $0x1B8E;
	s25 =	sld [smem:$0x3FFE];
	[sflag:s24] =	ssyncadd.s32 $0xFFFFFFFF  }
0x1d: {  	s27 =	simm.s32 $execute0_lowered;
	[smem:$0x3FD2] =	sst s26  }
0x1e: {  	s5 =	sshll.u32 s27, $0x1;
	_ =	strace $0x80000049;
	[dreg:$0x1] =	wrdreg $0xFFFFFFFF  }
0x1f: {  	s28 =	simm.s32 $_size_execute0_lowered;
	s3 =	sadd.s32 s3, s5;
	[dreg:$0x0] =	wrdreg $0x0  }
0x20: {  	s5 =	sshll.u32 s28, $0x1;
	[dreg:$0x2] =	wrdreg s3  }
0x21: {  	[dreg:$0x3] =	wrdreg s5  }
0x22: {  	[dreg:$0x4] =	wrdreg $0xC0  }
0x23: {  	_ =	task [dreg:s7], $0x5FFFF  }
0x24: {  	[dreg:$0x1] =	wrdreg $0xFFFFFFFF  }
0x25: {  	[dreg:$0x0] =	wrdreg $0x60  }
0x26: {  	[dreg:$0x2] =	wrdreg s25  }
0x27: {  	[dreg:$0x3] =	wrdreg s2  }
0x28: {  	[dreg:$0x4] =	wrdreg $0x9  }
0x29: {  	_ =	task.clear_ibuf [dreg:s7], $0x5FFFF;
	_ =	strace $0x90000049  }
0x2a: {  	s29 =	simm.s32 $0x9;
	_ =	strace $0x8000004B  }
0x2b: {  	_ =	swait.ge [sflag:s29], $0x1  }
0x2c: {  	[sflag:s29] =	ssyncadd.s32 $0xFFFFFFFF  }
0x2d: {  	_ =	strace $0x9000004B  }
0x2e: {  	_ =	sfence  }
0x2f: {  	s30 =	sld [smem:$0x0];
	_ =	sdelay $0x2  }
0x30: {  	s31 =	sshll.u32 s1, $0xD;
	s1 =	sshrl.u32 s1, $0x2  }
0x31: {  	s3 =	sand.u32 $0x4000, s31;
	s1 =	sadd.s32 s1, s30  }
0x32: {  	s0 =	sor.u32 s3, s0;
	s1 =	sshll.u32 s1, $0x11  }
0x33: {  	s0 =	sor.u32 s1, s0  }
0x34: {  	s0 =	sadd.s32 $0x8F2B, s0  }
0x35: {  	[sflag:s0] =	ssyncadd.remote.s32 $0x1  }
0x36: {  	_ =	sfence.sel $0xFFFF  }
0x37: {  	[dreg:$0x0] =	wrdreg $0xFFFFFFFF;
	(pc) =	sbr.abs _section_cstart, $3  }
0x38: {  	[dreg:$0x1] =	wrdreg $0xFFFFFFFF  }
0x39: {  	_ =	task.clear_ibuf [dreg:s7], $0x2FFFF;
	_ =	strace $0x9FFFFFFF  }
0x3a: {  	(tm) =	ssettm $0x7FFFFFFF  }
0x3b: {  	_ =	shalt  }
tec
execute0_lowered:
.L_overlay_start_1:
0x0: {  	(tag) =	ssettag $0x1  }
0x1: {  	s0 =	stileid.u32;
	s6 =	rddreg [dreg:$0x0]  }
0x2: {  	s2 =	rddreg [dreg:$0x1];
	s5 =	srdreg.scid  }
0x3: {  	s31 =	simm.s32 $0x2;
	s13 =	simm.s32 $0x0;
	s1 =	sshll.u32 s0, $0x7  }
0x4: {  	s14 =	simm.s32 $0x0;
	s12 =	simm.s32 $0x0;
	s3 =	sand.u32 $0x380, s1  }
0x5: {  	s5 =	sshll.u32 s5, $0x4;
	s6 =	sadd.s32 $0x1400, s6;
	s4 =	ssub.s32 $0x400, s3  }
0x6: {  	s1 =	rddreg [dreg:$0x2];
	_ =	strace $0x8000004A;
	s7 =	sand.u32 $0x380, s4  }
0x7: {  	s5 =	sand.u32 $0x10, s5;
	p0 =	sne.s32 s7, $0x0;
	s7 =	simm.s32 $0x1  }
.Ltmp0:
0x8: {  	s8 =	sshrl.u32 s4, $0xA;
	s7 =	simm.s32 @!p0 $0x0;
	(pc) =	sbr.rel .LBB1_1-.Ltmp0, $4  }
0x9: {  	s9 =	sor.u32 s0, s5;
	s4 =	simm.s32 $0x1;
	s30 =	sadd.s32 s7, s8  }
0xa: {  	s11 =	smov.u32 s3;
	[sflag:s4] =	ssyncpa.u1 $0x0;
	s5 =	smul.u32 $0x32, s30  }
0xb: {  	[sflag:s31] =	ssyncpa.u1 $0x0;
	p0 =	por $0x0, $0x0;
	s7 =	sshrl.u32 s9, $0x3  }
0xc: {  	s9 =	simm.s32 $0x2000;
	s10 =	smov.u32 s7;
	s8 =	sor.u32 $0x1, s5  }
.LBB1_4:
0xd: {  	s17 =	sand.u32 $0x1F80, s14;
	s13 =	sshll.u32 s13, $0xD  }
0xe: {  	[tilespmem:s16+$0x810 ss:$0x81] =	vst.msk $0xffff, v2;
	s18 =	sshrl.u32 s14, $0x3;
	s31 =	sand.u32 $0x7, s14;
	s17 =	sadd.s32 s2, s17  }
0xf: {  	[tilespmem:s16+$0x1020 ss:$0x81] =	vst.msk $0xffff, v0;
	s18 =	sand.u32 $0xF, s18;
	s14 =	sshll.u32 s31, $0x12;
	s13 =	sadd.s32 s13, s17  }
0x10: {  	[tilespmem:s16+$0x0 ss:$0x81] =	vst.msk $0xffff, v1;
	s14 =	sor.u32 $0x400, s14;
	s13 =	sadd.s32 s18, s13  }
0x11: {  	[hbm4b:s13+s14] =	stream.strided.scatter [tilespmem:s15], [sflag:$0x2], $0x2000, s9, s14, $0x20;
	[tilespmem:$0x8080] =	vst v63  }
.LBB1_5:
0x12: {  	s15 =	sadd.s32 $0x4, s10  }
0x13: {  	s13 =	sadd.s32 $0x400, s11;
	s17 =	smov.u32 s11;
	p2 =	sgt.s32 s15, $0xC7  }
0x14: {  	s17 =	smov.u32 @p2 s13  }
0x15: {  	s15 =	smov.u32 @p2 s7;
	p2 =	sgt.s32 s17, $0x3FF  }
0x16: {  	s17 =	smov.u32 @p2 s3;
	p2 =	sne.s32 s12, s8  }
.Ltmp1:
0x17: {  	p1 =	slt.u32 s12, $0x2;
	(pc) =	sbr.rel @!p2 .LBB1_6-.Ltmp1, $4  }
0x18: {  	s16 =	simm.s32 @!p1 $0x2  }
0x19: {  	s14 =	smov.u32 s11;
	p0 =	por !p0, !p0;
	_ =	swait.ge @!p1 [sflag:s16], $0x2000  }
0x1a: {  	s13 =	smov.u32 s10;
	[sflag:s16] =	ssyncset.done @!p1 $0x0;
	s10 =	smov.u32 s15  }
0x1b: {  	s12 =	sadd.s32 $0x1, s12;
	[sflag:s16] =	ssyncadd.s32 @!p1 $0xFFFFE000;
	s11 =	smov.u32 s17  }
.LBB1_1:
0x1c: {  	p1 =	sge.u32 s12, s5  }
0x1d: {  	s15 =	sand.u32 @!p1 $0x1FFFFFF, s10  }
0x1e: {  	s16 =	smulhi.u32 @!p1 $0x147AE15, s15;
	_ =	sdelay $0x1  }
0x1f: {  	s16 =	smul.u32 @!p1 $0xC8, s16  }
0x20: {  	s17 =	sxor.u32 @!p1 $0xFFFFFFFF, s12;
	s18 =	smul.u32 @!p1 $0xC80, s11  }
0x21: {  	s31 =	sadd.s32 $0xFFFFFFFF, s12;
	s17 =	sshll.u32 @!p1 s17, $0xD;
	s15 =	ssub.s32 @!p1 s15, s16  }
0x22: {  	s16 =	sand.u32 @!p1 $0x2000, s17;
	s17 =	sadd.s32 @!p1 s6, s18;
	s15 =	sshll.u32 @!p1 s15, $0x4  }
0x23: {  	s18 =	simm.s32 @!p1 $0x6400;
	s15 =	sadd.s32 @!p1 s15, s17;
	s17 =	simm.s32 @!p1 $0x40  }
0x24: {  	[tilespmem:s16], [sflag:$0x1] =	stream.strided.gather @!p1 [hbm4b:s15+s17], $0x2000, s18, s17, $0x38;
	[tilespmem:$0x8080] =	vst v63  }
0x25: {  	p1 =	sge.u32 s31, s5  }
.Ltmp2:
0x26: {  	_ = 	snop;
	(pc) =	sbr.rel @p1 .LBB1_5-.Ltmp2, $1  }
0x27: {  	_ =	sdelay $0x3  }
0x28: {  	s15 =	simm.s32 $0x1  }
0x29: {  	_ =	swait.ge [sflag:s4], $0x2000;
	s15 =	simm.s32 @!p0 $0x0  }
0x2a: {  	[sflag:s4] =	ssyncset.done $0x0;
	s16 =	sshll.u32 s15, $0xD  }
0x2b: {  	[sflag:s4] =	ssyncadd.s32 $0xFFFFE000;
	s19 =	sor.u32 $0x20, s16  }
0x2c: {  	s15 =	smul.u32 $0x8100, s15;
	v3 =	vld [tilespmem:s19+$0x10]  }
0x2d: {  	s30 =	sand.u32 $0x1, s12;
	v2 =	vld [tilespmem:s19+$0xFFFFFFF0]  }
0x2e: {  	s16 =	smul.u32 $0x8100, s30;
	s15 =	sshrl.u32 s15, $0x2;
	v0 =	vld [tilespmem:s19+$0x0]  }
0x2f: {  	v1 =	vld [tilespmem:s19+$0xFFFFFFE0];
	s17 =	sor.u32 $0x4000, s15  }
0x30: {  	s31 =	sshrl.u32 s16, $0x2;
	s16 =	sadd.s32 $0x0, s17  }
0x31: {  	s18 =	simm.s32 $0x4;
	s19 =	sadd.s32 $0x40, s19;
	s15 =	sor.u32 $0x4000, s31;
	[tilespmem:s16+$0x1830 ss:$0x81] =	vst.msk $0xffff, v3  }
.LBB1_3:
0x32: {  	v3 =	vld [tilespmem:s19+$0x10];
	p1 =	sne.s32 s18, $0x1FC;
	[tilespmem:s16+$0x810 ss:$0x81] =	vst.msk $0xffff, v2;
	s20 =	smov.u32 s18;
	s18 =	sadd.s32 $0x4, s18  }
.Ltmp3:
0x33: {  	v2 =	vld [tilespmem:s19+$0xFFFFFFF0];
	[tilespmem:s16+$0x1020 ss:$0x81] =	vst.msk $0xffff, v0;
	(pc) =	sbr.rel @p1 .LBB1_3-.Ltmp3, $4  }
0x34: {  	v0 =	vld [tilespmem:s19+$0x0];
	[tilespmem:s16+$0x0 ss:$0x81] =	vst.msk $0xffff, v1  }
0x35: {  	s16 =	sshra.s32 s20, $0x2;
	v1 =	vld [tilespmem:s19+$0xFFFFFFE0]  }
0x36: {  	s16 =	sadd.s32 s16, s17  }
0x37: {  	s19 =	sadd.s32 $0x40, s19;
	[tilespmem:s16+$0x1830 ss:$0x81] =	vst.msk $0xffff, v3  }
.Ltmp4:
0x38: {  	_ = 	snop;
	(pc) =	sbr.rel .LBB1_4-.Ltmp4, $1  }
0x39: {  	_ =	sdelay $0x3  }
.LBB1_6:
0x3a: {  	_ =	sfence.sel $0x180000  }
0x3b: {  	s2 =	simm.s32 $0x1;
	[bflag:$0x0] =	sbarrier.arrive $0xFFFF  }
0x3c: {  	s31 =	simm.s32 $0x2;
	[sflag:s2] =	ssyncpa.u1 $0x1  }
0x3d: {  	[sflag:s31] =	ssyncpa.u1 $0x1  }
0x3e: {  	p0 =	sne.s32 s0, $0x0;
	_ =	strace $0x9000004A  }
0x3f: {  	s0 =	sadd.s32 @!p0 $0x100000, s1;
	[bflag:$0x2] =	sbarrier.arrive $0xFFFF  }
0x40: {  	[sflag:s0] =	ssyncadd.tile.s32 @!p0 $0x1;
	_ =	shalt  }
.Lfunc_end1:
_tile_overlayer_lowered:
.L_overlay_start_2:
0x41: {  	(tag) =	ssettag $0x2  }
0x42: {  	s0 =	rddreg [dreg:$0x0];
	s2 =	stileid.u32  }
0x43: {  	s1 =	rddreg [dreg:$0x1];
	p0 =	sne.s32 s2, $0x0  }
0x44: {  	s3 =	rddreg [dreg:$0x2];
	[bflag:$0x3] =	sbarrier.arrive $0xFFFF;
	s2 =	simm.s32 @!p0 $0x1C01  }
0x45: {  	[timem:s3], [sflag:s2] =	dma.local @!p0 [hbm:s0], s1  }
0x46: {  	s0 =	simm.s32 @!p0 $0x1  }
0x47: {  	_ =	swait.ge @!p0 [sflag:s0], s1  }
0x48: {  	s1 =	ssub.s32 @!p0 $0x0, s1;
	[sflag:s0] =	ssyncset.done @!p0 $0x0  }
0x49: {  	[sflag:s0] =	ssyncadd.s32 @!p0 s1  }
0x4a: {  	[bflag:$0x3] =	sbarrier.arrive $0xFFFF  }
0x4b: {  	_ =	shalt  }

</sc_bundles>
